<compile_context>
chip_gen: v7x
topology: tpu7x:2x2x1
jax: 0.10.2.dev20260603
libtpu: 0.0.44.dev20260713+nightly
codegen_flags: <defaults>
</compile_context>

<pallas_src>
import functools

import jax
import jax.numpy as jnp
from jax import lax
from jax.experimental import pallas as pl
from jax.experimental.pallas import tpu as pltpu
from jax.experimental.pallas import tpu_sc as plsc

E = 8
TOPK = 2
T = 2048
H = 1024
I = 2048
TILE = 384
NT = 18
PPAD = NT * TILE
L = 16
NC, NS = 2, 16
NW = NC * NS
TPW = T // NW
CPW = TPW // L
NCHUNK = T // L


def _route_body(logits_hbm, x_hbm,
                slot1_hbm, slot2_hbm, w1_hbm, w2_hbm, te_hbm, xs_hbm,
                logits_v, bi_v, si_v, r1_v, r2_v, w1_v, w2_v,
                s1_v, s2_v, seg1_v, seg2_v, te_v, xv, semx, sem0, sem1):
    wid = lax.axis_index("s") * NC + lax.axis_index("c")
    base_chunk = wid * CPW
    pltpu.sync_copy(logits_hbm, logits_v)
    dxv = pltpu.async_copy(x_hbm.at[pl.ds(wid * TPW, TPW)], xv, semx)
    lane = lax.iota(jnp.int32, 16)

    def chunk_step(c, cnts):
        cnt1, cnt2 = cnts
        ls = [logits_v[e, pl.ds(c * L, L)] for e in range(E)]
        bv = ls[0]
        bi = jnp.zeros((L,), jnp.int32)
        for e in range(1, E):
            upd = ls[e] > bv
            bi = jnp.where(upd, e, bi)
            bv = jnp.where(upd, ls[e], bv)
        sv = jnp.full((L,), -jnp.inf, jnp.float32)
        si = jnp.zeros((L,), jnp.int32)
        for e in range(E):
            upd = jnp.logical_and(ls[e] > sv, bi != e)
            si = jnp.where(upd, e, si)
            sv = jnp.where(upd, ls[e], sv)

        @pl.when(jnp.logical_and(c >= base_chunk, c < base_chunk + CPW))
        def _():
            off = (c - base_chunk) * L
            rank1 = jnp.zeros((L,), jnp.int32)
            rank2 = jnp.zeros((L,), jnp.int32)
            for e in range(E):
                m1 = bi == e
                m2 = si == e
                cs1 = jnp.cumsum(m1.astype(jnp.int32))
                cs2 = jnp.cumsum(m2.astype(jnp.int32))
                rank1 = rank1 + jnp.where(m1, cs1 - 1 + cnt1[e], 0)
                rank2 = rank2 + jnp.where(m2, cs2 - 1 + cnt2[e], 0)
            r = jnp.exp(sv - bv)
            w1c = 1.0 / (1.0 + r)
            bi_v[pl.ds(off, L)] = bi
            si_v[pl.ds(off, L)] = si
            r1_v[pl.ds(off, L)] = rank1
            r2_v[pl.ds(off, L)] = rank2
            w1_v[pl.ds(off, L)] = w1c
            w2_v[pl.ds(off, L)] = 1.0 - w1c

        new1 = tuple(cnt1[e] + jnp.sum((bi == e).astype(jnp.int32))
                     for e in range(E))
        new2 = tuple(cnt2[e] + jnp.sum((si == e).astype(jnp.int32))
                     for e in range(E))
        return (new1, new2)

    zeros8 = tuple(jnp.int32(0) for _ in range(E))
    cnt1, cnt2 = lax.fori_loop(0, NCHUNK, chunk_step, (zeros8, zeros8))

    seg = jnp.int32(0)
    used = jnp.int32(0)
    seg1t = jnp.zeros((L,), jnp.int32)
    seg2t = jnp.zeros((L,), jnp.int32)
    cums = []
    for e in range(E):
        ce = cnt1[e] + cnt2[e]
        ntile = (ce + (TILE - 1)) // TILE
        seg1t = seg1t + jnp.where(lane == e, seg, 0)
        seg2t = seg2t + jnp.where(lane == e, seg + cnt1[e], 0)
        used = used + ntile
        seg = seg + ntile * TILE
        cums.append(used)
    seg1_v[...] = seg1t
    seg2_v[...] = seg2t

    @pl.when(wid == 0)
    def _():
        t0 = jnp.zeros((L,), jnp.int32)
        t1 = jnp.zeros((L,), jnp.int32)
        for e in range(E - 1):
            t0 = t0 + (lane >= cums[e]).astype(jnp.int32)
            t1 = t1 + ((lane + 16) >= cums[e]).astype(jnp.int32)
        t1 = jnp.where(lane + 16 == 24, used, t1)
        te_v[pl.ds(0, L)] = t0
        te_v[pl.ds(16, L)] = t1
        pltpu.sync_copy(te_v, te_hbm)

    for cc in range(CPW):
        off = cc * L
        bi = bi_v[pl.ds(off, L)]
        si = si_v[pl.ds(off, L)]
        s1 = plsc.load_gather(seg1_v, [bi]) + r1_v[pl.ds(off, L)]
        s2 = plsc.load_gather(seg2_v, [si]) + r2_v[pl.ds(off, L)]
        s1_v[cc, pl.ds(0, L)] = s1
        s2_v[cc, pl.ds(0, L)] = s2

    pltpu.sync_copy(s1_v, slot1_hbm.at[wid])
    pltpu.sync_copy(s2_v, slot2_hbm.at[wid])
    pltpu.sync_copy(w1_v, w1_hbm.at[wid])
    pltpu.sync_copy(w2_v, w2_hbm.at[wid])

    dxv.wait()
    pend = []
    for cc in range(CPW):
        src = xv.at[pl.ds(cc * L, L)]
        pend.append(pltpu.async_copy(src, xs_hbm.at[s1_v.at[cc]], sem0))
        pend.append(pltpu.async_copy(src, xs_hbm.at[s2_v.at[cc]], sem1))
    for d in pend:
        d.wait()


def _route_dispatch(logits_t, x):
    mesh = plsc.VectorSubcoreMesh(core_axis_name="c", subcore_axis_name="s")
    f = pl.kernel(
        _route_body,
        out_type=(
            jax.ShapeDtypeStruct((NW, CPW, L), jnp.int32),
            jax.ShapeDtypeStruct((NW, CPW, L), jnp.int32),
            jax.ShapeDtypeStruct((NW, TPW), jnp.float32),
            jax.ShapeDtypeStruct((NW, TPW), jnp.float32),
            jax.ShapeDtypeStruct((32,), jnp.int32),
            jax.ShapeDtypeStruct((PPAD, H), jnp.float32),
        ),
        mesh=mesh,
        scratch_types=[
            pltpu.VMEM((E, T), jnp.float32),
            pltpu.VMEM((TPW,), jnp.int32),
            pltpu.VMEM((TPW,), jnp.int32),
            pltpu.VMEM((TPW,), jnp.int32),
            pltpu.VMEM((TPW,), jnp.int32),
            pltpu.VMEM((TPW,), jnp.float32),
            pltpu.VMEM((TPW,), jnp.float32),
            pltpu.VMEM((CPW, L), jnp.int32),
            pltpu.VMEM((CPW, L), jnp.int32),
            pltpu.VMEM((L,), jnp.int32),
            pltpu.VMEM((L,), jnp.int32),
            pltpu.VMEM((32,), jnp.int32),
            pltpu.VMEM((TPW, H), jnp.float32),
            pltpu.SemaphoreType.DMA,
            pltpu.SemaphoreType.DMA,
            pltpu.SemaphoreType.DMA,
        ],
        compiler_params=pltpu.CompilerParams(needs_layout_passes=False),
    )
    return f(logits_t, x)


def _gmm_kernel(te_ref, x_ref, w13_ref, w2_ref, y_ref):
    j = pl.program_id(0)

    @pl.when(j < te_ref[24])
    def _():
        x = x_ref[...]
        w13 = w13_ref[0]
        g = lax.dot_general(x, w13[:I, :], (((1,), (1,)), ((), ())),
                            preferred_element_type=jnp.float32)
        u = lax.dot_general(x, w13[I:, :], (((1,), (1,)), ((), ())),
                            preferred_element_type=jnp.float32)
        h = g * jax.nn.sigmoid(g) * u
        y_ref[...] = lax.dot_general(h, w2_ref[0], (((1,), (1,)), ((), ())),
                                     preferred_element_type=jnp.float32)


def _gmm(te, xs, w13, w2):
    def xmap(j, te_ref):
        return (jnp.minimum(j, te_ref[24] - 1), 0)

    def wmap(j, te_ref):
        return (te_ref[jnp.minimum(j, te_ref[24] - 1)], 0, 0)

    grid_spec = pltpu.PrefetchScalarGridSpec(
        num_scalar_prefetch=1,
        grid=(NT,),
        in_specs=[
            pl.BlockSpec((TILE, H), xmap),
            pl.BlockSpec((1, 2 * I, H), wmap),
            pl.BlockSpec((1, H, I), wmap),
        ],
        out_specs=pl.BlockSpec((TILE, H), lambda j, te_ref: (j, 0)),
    )
    return pl.pallas_call(
        _gmm_kernel,
        grid_spec=grid_spec,
        out_shape=jax.ShapeDtypeStruct((PPAD, H), jnp.float32),
        compiler_params=pltpu.CompilerParams(
            dimension_semantics=("arbitrary",),
            vmem_limit_bytes=128 * 1024 * 1024,
        ),
    )(te, xs, w13, w2)


def _combine_body(y_hbm, s1_hbm, s2_hbm, w1_hbm, w2_hbm, out_hbm,
                  s1_v, s2_v, w1_v, w2_v, r1a, r2a, r1b, r2b, oa, ob,
                  sg0, sg1, sw0, sw1):
    wid = lax.axis_index("s") * NC + lax.axis_index("c")
    pltpu.sync_copy(s1_hbm.at[wid], s1_v)
    pltpu.sync_copy(s2_hbm.at[wid], s2_v)
    pltpu.sync_copy(w1_hbm.at[wid], w1_v)
    pltpu.sync_copy(w2_hbm.at[wid], w2_v)
    rbufs = [(r1a, r2a), (r1b, r2b)]
    obufs = [oa, ob]
    gsems = [sg0, sg1]
    wsems = [sw0, sw1]
    gd = {}
    wd = {}

    def issue_gather(q):
        p = q % 2
        rr1, rr2 = rbufs[p]
        gd[q] = (pltpu.async_copy(y_hbm.at[s1_v.at[q]], rr1, gsems[p]),
                 pltpu.async_copy(y_hbm.at[s2_v.at[q]], rr2, gsems[p]))

    issue_gather(0)
    issue_gather(1)
    for q in range(CPW):
        p = q % 2
        d1, d2 = gd[q]
        d1.wait()
        d2.wait()
        if q >= 2:
            wd[q - 2].wait()
        rr1, rr2 = rbufs[p]
        o = obufs[p]

        def tok_body(jj, _):
            idx = jnp.full((L,), jj, jnp.int32) + (q * L)
            wa = plsc.load_gather(w1_v, [idx])
            wb = plsc.load_gather(w2_v, [idx])

            def col_body(cc, __):
                sl = pl.ds(cc * L, L)
                o[jj, sl] = rr1[jj, sl] * wa + rr2[jj, sl] * wb
                return __

            return lax.fori_loop(0, H // L, col_body, _)

        lax.fori_loop(0, L, tok_body, jnp.int32(0))
        wd[q] = pltpu.async_copy(
            o, out_hbm.at[pl.ds(wid * TPW + q * L, L)], wsems[p])
        if q + 2 < CPW:
            issue_gather(q + 2)
    wd[CPW - 2].wait()
    wd[CPW - 1].wait()


def _combine(ys, slot1, slot2, w1, w2):
    mesh = plsc.VectorSubcoreMesh(core_axis_name="c", subcore_axis_name="s")
    f = pl.kernel(
        _combine_body,
        out_type=jax.ShapeDtypeStruct((T, H), jnp.float32),
        mesh=mesh,
        scratch_types=[
            pltpu.VMEM((CPW, L), jnp.int32),
            pltpu.VMEM((CPW, L), jnp.int32),
            pltpu.VMEM((TPW,), jnp.float32),
            pltpu.VMEM((TPW,), jnp.float32),
            pltpu.VMEM((L, H), jnp.float32),
            pltpu.VMEM((L, H), jnp.float32),
            pltpu.VMEM((L, H), jnp.float32),
            pltpu.VMEM((L, H), jnp.float32),
            pltpu.VMEM((L, H), jnp.float32),
            pltpu.VMEM((L, H), jnp.float32),
            pltpu.SemaphoreType.DMA,
            pltpu.SemaphoreType.DMA,
            pltpu.SemaphoreType.DMA,
            pltpu.SemaphoreType.DMA,
        ],
        compiler_params=pltpu.CompilerParams(needs_layout_passes=False),
    )
    return f(ys, slot1, slot2, w1, w2)


def kernel(hidden_states, router_logits, w13_weight, w2_weight):
    logits_t = router_logits.T
    slot1, slot2, w1, w2, te, xs = _route_dispatch(logits_t, hidden_states)
    ys = _gmm(te, xs, w13_weight, w2_weight)
    return _combine(ys, slot1, slot2, w1, w2)

# --- scband reference (transcript-rebuilt; emitter-appended) ---
"""Pipeline reference for scband-sglang-fused-mo-e-65352222375984 (READ-ONLY COPY).

The authoritative reference and input builder live on the scoring server;
editing this copy changes nothing except your own understanding.
"""

import jax, jax.numpy as jnp
import numpy as np

E = 8
TOP_K = 2
H = 1024
I = 2048
T = 2048

def setup_inputs(seed: int = 0) -> dict:
    key = jax.random.key(seed)
    k1, k2, k3, k4 = jax.random.split(key, 4)
    hidden_states = jax.random.normal(k1, (T, H), dtype=jnp.float32)
    router_logits = jax.random.normal(k2, (T, E), dtype=jnp.float32)
    w13_weight = jax.random.normal(k3, (E, 2 * I, H), dtype=jnp.float32) * 0.02
    w2_weight = jax.random.normal(k4, (E, H, I), dtype=jnp.float32) * 0.02
    return {"hidden_states": hidden_states, "router_logits": router_logits,
            "w13_weight": w13_weight, "w2_weight": w2_weight}

def reference(hidden_states, router_logits, w13_weight, w2_weight):
    # fused_topk: softmax over router logits, top-k, renormalize
    probs = jax.nn.softmax(router_logits, axis=-1)
    topk_weights, topk_ids = jax.lax.top_k(probs, TOP_K)
    topk_weights = topk_weights / jnp.sum(topk_weights, axis=-1, keepdims=True)
    # build dense combine weights [T, E] (zero for unselected experts)
    t_idx = jnp.arange(hidden_states.shape[0])[:, None]
    combine = jnp.zeros((hidden_states.shape[0], E), dtype=hidden_states.dtype)
    combine = combine.at[t_idx, topk_ids].add(topk_weights)
    # fused_experts: per-expert SwiGLU MLP, weighted sum over selected experts
    out = jnp.zeros_like(hidden_states)
    for e in range(E):
        w1 = w13_weight[e, :I, :]   # gate proj [I, H]
        w3 = w13_weight[e, I:, :]   # up proj   [I, H]
        w2 = w2_weight[e]           # down proj [H, I]
        h = jax.nn.silu(hidden_states @ w1.T) * (hidden_states @ w3.T)
        out = out + combine[:, e:e + 1] * (h @ w2.T)
    return out

if __name__ == "__main__":
    import jax
    _d = setup_inputs()
    print(jax.jit(kernel)(*tuple(_d.values())))

</pallas_src>

<mosaic_0001>
#map = affine_map<(d0, d1) -> (0, 0)>
#map1 = affine_map<(d0, d1) -> (0, 0, 0)>
#map2 = affine_map<(d0, d1) -> (0)>
module attributes {stable_mosaic.version = 14 : i64} {
  func.func @_route_body(%arg0: i32, %arg1: i32, %arg2: memref<8x2048xf32, #tpu.memory_space<hbm>>, %arg3: memref<2048x1024xf32, #tpu.memory_space<hbm>>, %arg4: memref<32x4x16xi32, #tpu.memory_space<hbm>>, %arg5: memref<32x4x16xi32, #tpu.memory_space<hbm>>, %arg6: memref<32x64xf32, #tpu.memory_space<hbm>>, %arg7: memref<32x64xf32, #tpu.memory_space<hbm>>, %arg8: memref<32xi32, #tpu.memory_space<hbm>>, %arg9: memref<6912x1024xf32, #tpu.memory_space<hbm>>, %arg10: memref<8x2048xf32, #tpu.memory_space<vmem>>, %arg11: memref<64xi32, #tpu.memory_space<vmem>>, %arg12: memref<64xi32, #tpu.memory_space<vmem>>, %arg13: memref<64xi32, #tpu.memory_space<vmem>>, %arg14: memref<64xi32, #tpu.memory_space<vmem>>, %arg15: memref<64xf32, #tpu.memory_space<vmem>>, %arg16: memref<64xf32, #tpu.memory_space<vmem>>, %arg17: memref<4x16xi32, #tpu.memory_space<vmem>>, %arg18: memref<4x16xi32, #tpu.memory_space<vmem>>, %arg19: memref<16xi32, #tpu.memory_space<vmem>>, %arg20: memref<16xi32, #tpu.memory_space<vmem>>, %arg21: memref<32xi32, #tpu.memory_space<vmem>>, %arg22: memref<64x1024xf32, #tpu.memory_space<vmem>>, %arg23: memref<!tpu.dma_semaphore, #tpu.memory_space<semaphore_mem>>, %arg24: memref<!tpu.dma_semaphore, #tpu.memory_space<semaphore_mem>>, %arg25: memref<!tpu.dma_semaphore, #tpu.memory_space<semaphore_mem>>) attributes {dimension_semantics = [#tpu.dimension_semantics<core_parallel>, #tpu.dimension_semantics<subcore_parallel>], iteration_bounds = array<i64: 2, 16>, scalar_prefetch = 0 : i64, scratch_operands = 16 : i64, tpu.core_type = #tpu.core_type<sc_vector_subcore>, window_params = [{transform_indices = #map}, {transform_indices = #map}, {transform_indices = #map1}, {transform_indices = #map1}, {transform_indices = #map}, {transform_indices = #map}, {transform_indices = #map2}, {transform_indices = #map}]} {
    %mul3A = arith.constant 2 : i32
    %mul3A_0 = arith.muli %arg1, %mul3A : i32
    %add3A = arith.addi %mul3A_0, %arg0 : i32
    %mul3A_1 = arith.constant 4 : i32
    %mul3A_2 = arith.muli %add3A, %mul3A_1 : i32
    "tpu.region"() ({
      %run_scoped3A = tpu.sem_alloc : memref<!tpu.dma_semaphore, #tpu.memory_space<semaphore_mem>>
      tpu.enqueue_dma source(%arg2 : memref<8x2048xf32, #tpu.memory_space<hbm>>) target(%arg10 : memref<8x2048xf32, #tpu.memory_space<vmem>>) target_semaphore(%run_scoped3A : memref<!tpu.dma_semaphore, #tpu.memory_space<semaphore_mem>>)
      tpu.wait_dma2 semaphore(%run_scoped3A : memref<!tpu.dma_semaphore, #tpu.memory_space<semaphore_mem>>) src(%arg2 : memref<8x2048xf32, #tpu.memory_space<hbm>>) dst(%arg10 : memref<8x2048xf32, #tpu.memory_space<vmem>>)
      tpu.yield
    }) : () -> ()
    %mul3A_3 = arith.constant 64 : i32
    %mul3A_4 = arith.muli %add3A, %mul3A_3 : i32
    %dma_start3A = arith.constant 0 : i32
    %dma_start3A_5 = tpu.memref_slice %arg3[%mul3A_4, %dma_start3A] : memref<2048x1024xf32, #tpu.memory_space<hbm>> -> memref<64x1024xf32, #tpu.memory_space<hbm>>
    %dma_start3A_6 = arith.constant 0 : i32
    %dma_start3A_7 = tpu.memref_slice %arg3[%mul3A_4, %dma_start3A_6] : memref<2048x1024xf32, #tpu.memory_space<hbm>> -> memref<64x1024xf32, #tpu.memory_space<hbm>>
    tpu.enqueue_dma source(%dma_start3A_7 : memref<64x1024xf32, #tpu.memory_space<hbm>>) target(%arg22 : memref<64x1024xf32, #tpu.memory_space<vmem>>) target_semaphore(%arg23 : memref<!tpu.dma_semaphore, #tpu.memory_space<semaphore_mem>>)
    %iota3A = tpu.iota {dimensions = array<i32: 0>} : vector<16xi32>
    %scan3A = arith.constant 0 : i32
    %scan3A_8 = arith.constant 0 : i32
    %scan3A_9 = arith.constant 0 : i32
    %scan3A_10 = arith.constant 0 : i32
    %scan3A_11 = arith.constant 0 : i32
    %scan3A_12 = arith.constant 0 : i32
    %scan3A_13 = arith.constant 0 : i32
    %scan3A_14 = arith.constant 0 : i32
    %scan3A_15 = arith.constant 0 : i32
    %scan3A_16 = arith.constant 0 : i32
    %scan3A_17 = arith.constant 0 : i32
    %scan3A_18 = arith.constant 0 : i32
    %scan3A_19 = arith.constant 0 : i32
    %scan3A_20 = arith.constant 0 : i32
    %scan3A_21 = arith.constant 0 : i32
    %scan3A_22 = arith.constant 0 : i32
    %scan3A_23 = arith.constant 0 : i32
    %scan3A_24 = arith.constant 128 : i32
    %scan3A_25 = arith.addi %scan3A_23, %scan3A_24 : i32
    %scan3A_26 = arith.constant 1 : i32
    %scan3A_27:16 = scf.for %scan3A_658 = %scan3A_23 to %scan3A_25 step %scan3A_26 iter_args(%scan3A_659 = %scan3A, %scan3A_660 = %scan3A_8, %scan3A_661 = %scan3A_9, %scan3A_662 = %scan3A_10, %scan3A_663 = %scan3A_11, %scan3A_664 = %scan3A_12, %scan3A_665 = %scan3A_13, %scan3A_666 = %scan3A_14, %scan3A_667 = %scan3A_15, %scan3A_668 = %scan3A_16, %scan3A_669 = %scan3A_17, %scan3A_670 = %scan3A_18, %scan3A_671 = %scan3A_19, %scan3A_672 = %scan3A_20, %scan3A_673 = %scan3A_21, %scan3A_674 = %scan3A_22) -> (i32, i32, i32, i32, i32, i32, i32, i32, i32, i32, i32, i32, i32, i32, i32, i32)  : i32 {
      %mul3A_675 = arith.constant 16 : i32
      %mul3A_676 = arith.muli %scan3A_658, %mul3A_675 : i32
      %get3A_677 = arith.constant 0 : i32
      %get3A_678 = arith.index_cast %get3A_677 : i32 to index
      %get3A_679 = arith.index_cast %mul3A_676 : i32 to index
      %get3A_680 = tpu.vector_load %arg10[%get3A_678, %get3A_679] {strides = array<i32>} : memref<8x2048xf32, #tpu.memory_space<vmem>>, vector<16xf32>,
      %mul3A_681 = arith.constant 16 : i32
      %mul3A_682 = arith.muli %scan3A_658, %mul3A_681 : i32
      %get3A_683 = arith.constant 1 : i32
      %get3A_684 = arith.index_cast %get3A_683 : i32 to index
      %get3A_685 = arith.index_cast %mul3A_682 : i32 to index
      %get3A_686 = tpu.vector_load %arg10[%get3A_684, %get3A_685] {strides = array<i32>} : memref<8x2048xf32, #tpu.memory_space<vmem>>, vector<16xf32>,
      %mul3A_687 = arith.constant 16 : i32
      %mul3A_688 = arith.muli %scan3A_658, %mul3A_687 : i32
      %get3A_689 = arith.constant 2 : i32
      %get3A_690 = arith.index_cast %get3A_689 : i32 to index
      %get3A_691 = arith.index_cast %mul3A_688 : i32 to index
      %get3A_692 = tpu.vector_load %arg10[%get3A_690, %get3A_691] {strides = array<i32>} : memref<8x2048xf32, #tpu.memory_space<vmem>>, vector<16xf32>,
      %mul3A_693 = arith.constant 16 : i32
      %mul3A_694 = arith.muli %scan3A_658, %mul3A_693 : i32
      %get3A_695 = arith.constant 3 : i32
      %get3A_696 = arith.index_cast %get3A_695 : i32 to index
      %get3A_697 = arith.index_cast %mul3A_694 : i32 to index
      %get3A_698 = tpu.vector_load %arg10[%get3A_696, %get3A_697] {strides = array<i32>} : memref<8x2048xf32, #tpu.memory_space<vmem>>, vector<16xf32>,
      %mul3A_699 = arith.constant 16 : i32
      %mul3A_700 = arith.muli %scan3A_658, %mul3A_699 : i32
      %get3A_701 = arith.constant 4 : i32
      %get3A_702 = arith.index_cast %get3A_701 : i32 to index
      %get3A_703 = arith.index_cast %mul3A_700 : i32 to index
      %get3A_704 = tpu.vector_load %arg10[%get3A_702, %get3A_703] {strides = array<i32>} : memref<8x2048xf32, #tpu.memory_space<vmem>>, vector<16xf32>,
      %mul3A_705 = arith.constant 16 : i32
      %mul3A_706 = arith.muli %scan3A_658, %mul3A_705 : i32
      %get3A_707 = arith.constant 5 : i32
      %get3A_708 = arith.index_cast %get3A_707 : i32 to index
      %get3A_709 = arith.index_cast %mul3A_706 : i32 to index
      %get3A_710 = tpu.vector_load %arg10[%get3A_708, %get3A_709] {strides = array<i32>} : memref<8x2048xf32, #tpu.memory_space<vmem>>, vector<16xf32>,
      %mul3A_711 = arith.constant 16 : i32
      %mul3A_712 = arith.muli %scan3A_658, %mul3A_711 : i32
      %get3A_713 = arith.constant 6 : i32
      %get3A_714 = arith.index_cast %get3A_713 : i32 to index
      %get3A_715 = arith.index_cast %mul3A_712 : i32 to index
      %get3A_716 = tpu.vector_load %arg10[%get3A_714, %get3A_715] {strides = array<i32>} : memref<8x2048xf32, #tpu.memory_space<vmem>>, vector<16xf32>,
      %mul3A_717 = arith.constant 16 : i32
      %mul3A_718 = arith.muli %scan3A_658, %mul3A_717 : i32
      %get3A_719 = arith.constant 7 : i32
      %get3A_720 = arith.index_cast %get3A_719 : i32 to index
      %get3A_721 = arith.index_cast %mul3A_718 : i32 to index
      %get3A_722 = tpu.vector_load %arg10[%get3A_720, %get3A_721] {strides = array<i32>} : memref<8x2048xf32, #tpu.memory_space<vmem>>, vector<16xf32>,
      %broadcast_in_dim3A_723 = arith.constant 0 : i32
      %broadcast_in_dim3A_724 = vector.broadcast %broadcast_in_dim3A_723 : i32 to vector<16xi32>
      %gt3A = arith.cmpf ogt, %get3A_686, %get3A_680 : vector<16xf32>
      %jit3A_725 = arith.constant 1 : i32
      %broadcast_in_dim3A_726 = vector.broadcast %jit3A_725 : i32 to vector<16xi32>
      %select_n3A_727 = arith.select %gt3A, %broadcast_in_dim3A_726, %broadcast_in_dim3A_724 : vector<16xi1>, vector<16xi32>
      %select_n3A_728 = arith.select %gt3A, %get3A_686, %get3A_680 : vector<16xi1>, vector<16xf32>
      %gt3A_729 = arith.cmpf ogt, %get3A_692, %select_n3A_728 : vector<16xf32>
      %jit3A_730 = arith.constant 2 : i32
      %broadcast_in_dim3A_731 = vector.broadcast %jit3A_730 : i32 to vector<16xi32>
      %select_n3A_732 = arith.select %gt3A_729, %broadcast_in_dim3A_731, %select_n3A_727 : vector<16xi1>, vector<16xi32>
      %select_n3A_733 = arith.select %gt3A_729, %get3A_692, %select_n3A_728 : vector<16xi1>, vector<16xf32>
      %gt3A_734 = arith.cmpf ogt, %get3A_698, %select_n3A_733 : vector<16xf32>
      %jit3A_735 = arith.constant 3 : i32
      %broadcast_in_dim3A_736 = vector.broadcast %jit3A_735 : i32 to vector<16xi32>
      %select_n3A_737 = arith.select %gt3A_734, %broadcast_in_dim3A_736, %select_n3A_732 : vector<16xi1>, vector<16xi32>
      %select_n3A_738 = arith.select %gt3A_734, %get3A_698, %select_n3A_733 : vector<16xi1>, vector<16xf32>
      %gt3A_739 = arith.cmpf ogt, %get3A_704, %select_n3A_738 : vector<16xf32>
      %jit3A_740 = arith.constant 4 : i32
      %broadcast_in_dim3A_741 = vector.broadcast %jit3A_740 : i32 to vector<16xi32>
      %select_n3A_742 = arith.select %gt3A_739, %broadcast_in_dim3A_741, %select_n3A_737 : vector<16xi1>, vector<16xi32>
      %select_n3A_743 = arith.select %gt3A_739, %get3A_704, %select_n3A_738 : vector<16xi1>, vector<16xf32>
      %gt3A_744 = arith.cmpf ogt, %get3A_710, %select_n3A_743 : vector<16xf32>
      %jit3A_745 = arith.constant 5 : i32
      %broadcast_in_dim3A_746 = vector.broadcast %jit3A_745 : i32 to vector<16xi32>
      %select_n3A_747 = arith.select %gt3A_744, %broadcast_in_dim3A_746, %select_n3A_742 : vector<16xi1>, vector<16xi32>
      %select_n3A_748 = arith.select %gt3A_744, %get3A_710, %select_n3A_743 : vector<16xi1>, vector<16xf32>
      %gt3A_749 = arith.cmpf ogt, %get3A_716, %select_n3A_748 : vector<16xf32>
      %jit3A_750 = arith.constant 6 : i32
      %broadcast_in_dim3A_751 = vector.broadcast %jit3A_750 : i32 to vector<16xi32>
      %select_n3A_752 = arith.select %gt3A_749, %broadcast_in_dim3A_751, %select_n3A_747 : vector<16xi1>, vector<16xi32>
      %select_n3A_753 = arith.select %gt3A_749, %get3A_716, %select_n3A_748 : vector<16xi1>, vector<16xf32>
      %gt3A_754 = arith.cmpf ogt, %get3A_722, %select_n3A_753 : vector<16xf32>
      %jit3A_755 = arith.constant 7 : i32
      %broadcast_in_dim3A_756 = vector.broadcast %jit3A_755 : i32 to vector<16xi32>
      %select_n3A_757 = arith.select %gt3A_754, %broadcast_in_dim3A_756, %select_n3A_752 : vector<16xi1>, vector<16xi32>
      %select_n3A_758 = arith.select %gt3A_754, %get3A_722, %select_n3A_753 : vector<16xi1>, vector<16xf32>
      %broadcast_in_dim3A_759 = arith.constant 0xFF800000 : f32
      %broadcast_in_dim3A_760 = vector.broadcast %broadcast_in_dim3A_759 : f32 to vector<16xf32>
      %broadcast_in_dim3A_761 = arith.constant 0 : i32
      %broadcast_in_dim3A_762 = vector.broadcast %broadcast_in_dim3A_761 : i32 to vector<16xi32>
      %gt3A_763 = arith.cmpf ogt, %get3A_680, %broadcast_in_dim3A_760 : vector<16xf32>
      %ne3A_764 = arith.constant 0 : i32
      %ne3A_765 = vector.broadcast %ne3A_764 : i32 to vector<16xi32>
      %ne3A_766 = arith.cmpi ne, %select_n3A_757, %ne3A_765 : vector<16xi32>
      %and3A_767 = arith.andi %gt3A_763, %ne3A_766 : vector<16xi1>
      %jit3A_768 = arith.constant 0 : i32
      %broadcast_in_dim3A_769 = vector.broadcast %jit3A_768 : i32 to vector<16xi32>
      %select_n3A_770 = arith.select %and3A_767, %broadcast_in_dim3A_769, %broadcast_in_dim3A_762 : vector<16xi1>, vector<16xi32>
      %select_n3A_771 = arith.select %and3A_767, %get3A_680, %broadcast_in_dim3A_760 : vector<16xi1>, vector<16xf32>
      %gt3A_772 = arith.cmpf ogt, %get3A_686, %select_n3A_771 : vector<16xf32>
      %ne3A_773 = arith.constant 1 : i32
      %ne3A_774 = vector.broadcast %ne3A_773 : i32 to vector<16xi32>
      %ne3A_775 = arith.cmpi ne, %select_n3A_757, %ne3A_774 : vector<16xi32>
      %and3A_776 = arith.andi %gt3A_772, %ne3A_775 : vector<16xi1>
      %jit3A_777 = arith.constant 1 : i32
      %broadcast_in_dim3A_778 = vector.broadcast %jit3A_777 : i32 to vector<16xi32>
      %select_n3A_779 = arith.select %and3A_776, %broadcast_in_dim3A_778, %select_n3A_770 : vector<16xi1>, vector<16xi32>
      %select_n3A_780 = arith.select %and3A_776, %get3A_686, %select_n3A_771 : vector<16xi1>, vector<16xf32>
      %gt3A_781 = arith.cmpf ogt, %get3A_692, %select_n3A_780 : vector<16xf32>
      %ne3A_782 = arith.constant 2 : i32
      %ne3A_783 = vector.broadcast %ne3A_782 : i32 to vector<16xi32>
      %ne3A_784 = arith.cmpi ne, %select_n3A_757, %ne3A_783 : vector<16xi32>
      %and3A_785 = arith.andi %gt3A_781, %ne3A_784 : vector<16xi1>
      %jit3A_786 = arith.constant 2 : i32
      %broadcast_in_dim3A_787 = vector.broadcast %jit3A_786 : i32 to vector<16xi32>
      %select_n3A_788 = arith.select %and3A_785, %broadcast_in_dim3A_787, %select_n3A_779 : vector<16xi1>, vector<16xi32>
      %select_n3A_789 = arith.select %and3A_785, %get3A_692, %select_n3A_780 : vector<16xi1>, vector<16xf32>
      %gt3A_790 = arith.cmpf ogt, %get3A_698, %select_n3A_789 : vector<16xf32>
      %ne3A_791 = arith.constant 3 : i32
      %ne3A_792 = vector.broadcast %ne3A_791 : i32 to vector<16xi32>
      %ne3A_793 = arith.cmpi ne, %select_n3A_757, %ne3A_792 : vector<16xi32>
      %and3A_794 = arith.andi %gt3A_790, %ne3A_793 : vector<16xi1>
      %jit3A_795 = arith.constant 3 : i32
      %broadcast_in_dim3A_796 = vector.broadcast %jit3A_795 : i32 to vector<16xi32>
      %select_n3A_797 = arith.select %and3A_794, %broadcast_in_dim3A_796, %select_n3A_788 : vector<16xi1>, vector<16xi32>
      %select_n3A_798 = arith.select %and3A_794, %get3A_698, %select_n3A_789 : vector<16xi1>, vector<16xf32>
      %gt3A_799 = arith.cmpf ogt, %get3A_704, %select_n3A_798 : vector<16xf32>
      %ne3A_800 = arith.constant 4 : i32
      %ne3A_801 = vector.broadcast %ne3A_800 : i32 to vector<16xi32>
      %ne3A_802 = arith.cmpi ne, %select_n3A_757, %ne3A_801 : vector<16xi32>
      %and3A_803 = arith.andi %gt3A_799, %ne3A_802 : vector<16xi1>
      %jit3A_804 = arith.constant 4 : i32
      %broadcast_in_dim3A_805 = vector.broadcast %jit3A_804 : i32 to vector<16xi32>
      %select_n3A_806 = arith.select %and3A_803, %broadcast_in_dim3A_805, %select_n3A_797 : vector<16xi1>, vector<16xi32>
      %select_n3A_807 = arith.select %and3A_803, %get3A_704, %select_n3A_798 : vector<16xi1>, vector<16xf32>
      %gt3A_808 = arith.cmpf ogt, %get3A_710, %select_n3A_807 : vector<16xf32>
      %ne3A_809 = arith.constant 5 : i32
      %ne3A_810 = vector.broadcast %ne3A_809 : i32 to vector<16xi32>
      %ne3A_811 = arith.cmpi ne, %select_n3A_757, %ne3A_810 : vector<16xi32>
      %and3A_812 = arith.andi %gt3A_808, %ne3A_811 : vector<16xi1>
      %jit3A_813 = arith.constant 5 : i32
      %broadcast_in_dim3A_814 = vector.broadcast %jit3A_813 : i32 to vector<16xi32>
      %select_n3A_815 = arith.select %and3A_812, %broadcast_in_dim3A_814, %select_n3A_806 : vector<16xi1>, vector<16xi32>
      %select_n3A_816 = arith.select %and3A_812, %get3A_710, %select_n3A_807 : vector<16xi1>, vector<16xf32>
      %gt3A_817 = arith.cmpf ogt, %get3A_716, %select_n3A_816 : vector<16xf32>
      %ne3A_818 = arith.constant 6 : i32
      %ne3A_819 = vector.broadcast %ne3A_818 : i32 to vector<16xi32>
      %ne3A_820 = arith.cmpi ne, %select_n3A_757, %ne3A_819 : vector<16xi32>
      %and3A_821 = arith.andi %gt3A_817, %ne3A_820 : vector<16xi1>
      %jit3A_822 = arith.constant 6 : i32
      %broadcast_in_dim3A_823 = vector.broadcast %jit3A_822 : i32 to vector<16xi32>
      %select_n3A_824 = arith.select %and3A_821, %broadcast_in_dim3A_823, %select_n3A_815 : vector<16xi1>, vector<16xi32>
      %select_n3A_825 = arith.select %and3A_821, %get3A_716, %select_n3A_816 : vector<16xi1>, vector<16xf32>
      %gt3A_826 = arith.cmpf ogt, %get3A_722, %select_n3A_825 : vector<16xf32>
      %ne3A_827 = arith.constant 7 : i32
      %ne3A_828 = vector.broadcast %ne3A_827 : i32 to vector<16xi32>
      %ne3A_829 = arith.cmpi ne, %select_n3A_757, %ne3A_828 : vector<16xi32>
      %and3A_830 = arith.andi %gt3A_826, %ne3A_829 : vector<16xi1>
      %jit3A_831 = arith.constant 7 : i32
      %broadcast_in_dim3A_832 = vector.broadcast %jit3A_831 : i32 to vector<16xi32>
      %select_n3A_833 = arith.select %and3A_830, %broadcast_in_dim3A_832, %select_n3A_824 : vector<16xi1>, vector<16xi32>
      %select_n3A_834 = arith.select %and3A_830, %get3A_722, %select_n3A_825 : vector<16xi1>, vector<16xf32>
      %ge3A = arith.cmpi sge, %scan3A_658, %mul3A_2 : i32
      %add3A_835 = arith.constant 4 : i32
      %add3A_836 = arith.addi %mul3A_2, %add3A_835 : i32
      %lt3A = arith.cmpi slt, %scan3A_658, %add3A_836 : i32
      %and3A_837 = arith.andi %ge3A, %lt3A : i1
      %convert_element_type3A_838 = arith.extui %and3A_837 : i1 to i32
      %cond3A_839 = arith.constant 0 : i32
      %cond3A_840 = arith.cmpi ne, %convert_element_type3A_838, %cond3A_839 : i32
      scf.if %cond3A_840 {
        %sub3A_984 = arith.subi %scan3A_658, %mul3A_2 : i32
        %mul3A_985 = arith.constant 16 : i32
        %mul3A_986 = arith.muli %sub3A_984, %mul3A_985 : i32
        %broadcast_in_dim3A_987 = arith.constant 0 : i32
        %broadcast_in_dim3A_988 = vector.broadcast %broadcast_in_dim3A_987 : i32 to vector<16xi32>
        %broadcast_in_dim3A_989 = arith.constant 0 : i32
        %broadcast_in_dim3A_990 = vector.broadcast %broadcast_in_dim3A_989 : i32 to vector<16xi32>
        %eq3A_991 = arith.constant 0 : i32
        %eq3A_992 = vector.broadcast %eq3A_991 : i32 to vector<16xi32>
        %eq3A_993 = arith.cmpi eq, %select_n3A_757, %eq3A_992 : vector<16xi32>
        %eq3A_994 = arith.constant 0 : i32
        %eq3A_995 = vector.broadcast %eq3A_994 : i32 to vector<16xi32>
        %eq3A_996 = arith.cmpi eq, %select_n3A_833, %eq3A_995 : vector<16xi32>
        %convert_element_type3A_997 = arith.extui %eq3A_993 : vector<16xi1> to vector<16xi32>
        %cumsum3A = arith.constant true
        %cumsum3A_998 = vector.broadcast %cumsum3A : i1 to vector<16xi1>
        %cumsum3A_999 = tpu.scan <sum>, %convert_element_type3A_997 masked %cumsum3A_998 : vector<16xi32>, vector<16xi1> -> vector<16xi32>
        %convert_element_type3A_1000 = arith.extui %eq3A_996 : vector<16xi1> to vector<16xi32>
        %cumsum3A_1001 = arith.constant true
        %cumsum3A_1002 = vector.broadcast %cumsum3A_1001 : i1 to vector<16xi1>
        %cumsum3A_1003 = tpu.scan <sum>, %convert_element_type3A_1000 masked %cumsum3A_1002 : vector<16xi32>, vector<16xi1> -> vector<16xi32>
        %sub3A_1004 = arith.constant 1 : i32
        %sub3A_1005 = vector.broadcast %sub3A_1004 : i32 to vector<16xi32>
        %sub3A_1006 = arith.subi %cumsum3A_999, %sub3A_1005 : vector<16xi32>
        %add3A_1007 = vector.broadcast %scan3A_659 : i32 to vector<16xi32>
        %add3A_1008 = arith.addi %sub3A_1006, %add3A_1007 : vector<16xi32>
        %jit3A_1009 = arith.constant 0 : i32
        %broadcast_in_dim3A_1010 = vector.broadcast %jit3A_1009 : i32 to vector<16xi32>
        %select_n3A_1011 = arith.select %eq3A_993, %add3A_1008, %broadcast_in_dim3A_1010 : vector<16xi1>, vector<16xi32>
        %add3A_1012 = arith.addi %broadcast_in_dim3A_988, %select_n3A_1011 : vector<16xi32>
        %sub3A_1013 = arith.constant 1 : i32
        %sub3A_1014 = vector.broadcast %sub3A_1013 : i32 to vector<16xi32>
        %sub3A_1015 = arith.subi %cumsum3A_1003, %sub3A_1014 : vector<16xi32>
        %add3A_1016 = vector.broadcast %scan3A_667 : i32 to vector<16xi32>
        %add3A_1017 = arith.addi %sub3A_1015, %add3A_1016 : vector<16xi32>
        %jit3A_1018 = arith.constant 0 : i32
        %broadcast_in_dim3A_1019 = vector.broadcast %jit3A_1018 : i32 to vector<16xi32>
        %select_n3A_1020 = arith.select %eq3A_996, %add3A_1017, %broadcast_in_dim3A_1019 : vector<16xi1>, vector<16xi32>
        %add3A_1021 = arith.addi %broadcast_in_dim3A_990, %select_n3A_1020 : vector<16xi32>
        %eq3A_1022 = arith.constant 1 : i32
        %eq3A_1023 = vector.broadcast %eq3A_1022 : i32 to vector<16xi32>
        %eq3A_1024 = arith.cmpi eq, %select_n3A_757, %eq3A_1023 : vector<16xi32>
        %eq3A_1025 = arith.constant 1 : i32
        %eq3A_1026 = vector.broadcast %eq3A_1025 : i32 to vector<16xi32>
        %eq3A_1027 = arith.cmpi eq, %select_n3A_833, %eq3A_1026 : vector<16xi32>
        %convert_element_type3A_1028 = arith.extui %eq3A_1024 : vector<16xi1> to vector<16xi32>
        %cumsum3A_1029 = arith.constant true
        %cumsum3A_1030 = vector.broadcast %cumsum3A_1029 : i1 to vector<16xi1>
        %cumsum3A_1031 = tpu.scan <sum>, %convert_element_type3A_1028 masked %cumsum3A_1030 : vector<16xi32>, vector<16xi1> -> vector<16xi32>
        %convert_element_type3A_1032 = arith.extui %eq3A_1027 : vector<16xi1> to vector<16xi32>
        %cumsum3A_1033 = arith.constant true
        %cumsum3A_1034 = vector.broadcast %cumsum3A_1033 : i1 to vector<16xi1>
        %cumsum3A_1035 = tpu.scan <sum>, %convert_element_type3A_1032 masked %cumsum3A_1034 : vector<16xi32>, vector<16xi1> -> vector<16xi32>
        %sub3A_1036 = arith.constant 1 : i32
        %sub3A_1037 = vector.broadcast %sub3A_1036 : i32 to vector<16xi32>
        %sub3A_1038 = arith.subi %cumsum3A_1031, %sub3A_1037 : vector<16xi32>
        %add3A_1039 = vector.broadcast %scan3A_660 : i32 to vector<16xi32>
        %add3A_1040 = arith.addi %sub3A_1038, %add3A_1039 : vector<16xi32>
        %jit3A_1041 = arith.constant 0 : i32
        %broadcast_in_dim3A_1042 = vector.broadcast %jit3A_1041 : i32 to vector<16xi32>
        %select_n3A_1043 = arith.select %eq3A_1024, %add3A_1040, %broadcast_in_dim3A_1042 : vector<16xi1>, vector<16xi32>
        %add3A_1044 = arith.addi %add3A_1012, %select_n3A_1043 : vector<16xi32>
        %sub3A_1045 = arith.constant 1 : i32
        %sub3A_1046 = vector.broadcast %sub3A_1045 : i32 to vector<16xi32>
        %sub3A_1047 = arith.subi %cumsum3A_1035, %sub3A_1046 : vector<16xi32>
        %add3A_1048 = vector.broadcast %scan3A_668 : i32 to vector<16xi32>
        %add3A_1049 = arith.addi %sub3A_1047, %add3A_1048 : vector<16xi32>
        %jit3A_1050 = arith.constant 0 : i32
        %broadcast_in_dim3A_1051 = vector.broadcast %jit3A_1050 : i32 to vector<16xi32>
        %select_n3A_1052 = arith.select %eq3A_1027, %add3A_1049, %broadcast_in_dim3A_1051 : vector<16xi1>, vector<16xi32>
        %add3A_1053 = arith.addi %add3A_1021, %select_n3A_1052 : vector<16xi32>
        %eq3A_1054 = arith.constant 2 : i32
        %eq3A_1055 = vector.broadcast %eq3A_1054 : i32 to vector<16xi32>
        %eq3A_1056 = arith.cmpi eq, %select_n3A_757, %eq3A_1055 : vector<16xi32>
        %eq3A_1057 = arith.constant 2 : i32
        %eq3A_1058 = vector.broadcast %eq3A_1057 : i32 to vector<16xi32>
        %eq3A_1059 = arith.cmpi eq, %select_n3A_833, %eq3A_1058 : vector<16xi32>
        %convert_element_type3A_1060 = arith.extui %eq3A_1056 : vector<16xi1> to vector<16xi32>
        %cumsum3A_1061 = arith.constant true
        %cumsum3A_1062 = vector.broadcast %cumsum3A_1061 : i1 to vector<16xi1>
        %cumsum3A_1063 = tpu.scan <sum>, %convert_element_type3A_1060 masked %cumsum3A_1062 : vector<16xi32>, vector<16xi1> -> vector<16xi32>
        %convert_element_type3A_1064 = arith.extui %eq3A_1059 : vector<16xi1> to vector<16xi32>
        %cumsum3A_1065 = arith.constant true
        %cumsum3A_1066 = vector.broadcast %cumsum3A_1065 : i1 to vector<16xi1>
        %cumsum3A_1067 = tpu.scan <sum>, %convert_element_type3A_1064 masked %cumsum3A_1066 : vector<16xi32>, vector<16xi1> -> vector<16xi32>
        %sub3A_1068 = arith.constant 1 : i32
        %sub3A_1069 = vector.broadcast %sub3A_1068 : i32 to vector<16xi32>
        %sub3A_1070 = arith.subi %cumsum3A_1063, %sub3A_1069 : vector<16xi32>
        %add3A_1071 = vector.broadcast %scan3A_661 : i32 to vector<16xi32>
        %add3A_1072 = arith.addi %sub3A_1070, %add3A_1071 : vector<16xi32>
        %jit3A_1073 = arith.constant 0 : i32
        %broadcast_in_dim3A_1074 = vector.broadcast %jit3A_1073 : i32 to vector<16xi32>
        %select_n3A_1075 = arith.select %eq3A_1056, %add3A_1072, %broadcast_in_dim3A_1074 : vector<16xi1>, vector<16xi32>
        %add3A_1076 = arith.addi %add3A_1044, %select_n3A_1075 : vector<16xi32>
        %sub3A_1077 = arith.constant 1 : i32
        %sub3A_1078 = vector.broadcast %sub3A_1077 : i32 to vector<16xi32>
        %sub3A_1079 = arith.subi %cumsum3A_1067, %sub3A_1078 : vector<16xi32>
        %add3A_1080 = vector.broadcast %scan3A_669 : i32 to vector<16xi32>
        %add3A_1081 = arith.addi %sub3A_1079, %add3A_1080 : vector<16xi32>
        %jit3A_1082 = arith.constant 0 : i32
        %broadcast_in_dim3A_1083 = vector.broadcast %jit3A_1082 : i32 to vector<16xi32>
        %select_n3A_1084 = arith.select %eq3A_1059, %add3A_1081, %broadcast_in_dim3A_1083 : vector<16xi1>, vector<16xi32>
        %add3A_1085 = arith.addi %add3A_1053, %select_n3A_1084 : vector<16xi32>
        %eq3A_1086 = arith.constant 3 : i32
        %eq3A_1087 = vector.broadcast %eq3A_1086 : i32 to vector<16xi32>
        %eq3A_1088 = arith.cmpi eq, %select_n3A_757, %eq3A_1087 : vector<16xi32>
        %eq3A_1089 = arith.constant 3 : i32
        %eq3A_1090 = vector.broadcast %eq3A_1089 : i32 to vector<16xi32>
        %eq3A_1091 = arith.cmpi eq, %select_n3A_833, %eq3A_1090 : vector<16xi32>
        %convert_element_type3A_1092 = arith.extui %eq3A_1088 : vector<16xi1> to vector<16xi32>
        %cumsum3A_1093 = arith.constant true
        %cumsum3A_1094 = vector.broadcast %cumsum3A_1093 : i1 to vector<16xi1>
        %cumsum3A_1095 = tpu.scan <sum>, %convert_element_type3A_1092 masked %cumsum3A_1094 : vector<16xi32>, vector<16xi1> -> vector<16xi32>
        %convert_element_type3A_1096 = arith.extui %eq3A_1091 : vector<16xi1> to vector<16xi32>
        %cumsum3A_1097 = arith.constant true
        %cumsum3A_1098 = vector.broadcast %cumsum3A_1097 : i1 to vector<16xi1>
        %cumsum3A_1099 = tpu.scan <sum>, %convert_element_type3A_1096 masked %cumsum3A_1098 : vector<16xi32>, vector<16xi1> -> vector<16xi32>
        %sub3A_1100 = arith.constant 1 : i32
        %sub3A_1101 = vector.broadcast %sub3A_1100 : i32 to vector<16xi32>
        %sub3A_1102 = arith.subi %cumsum3A_1095, %sub3A_1101 : vector<16xi32>
        %add3A_1103 = vector.broadcast %scan3A_662 : i32 to vector<16xi32>
        %add3A_1104 = arith.addi %sub3A_1102, %add3A_1103 : vector<16xi32>
        %jit3A_1105 = arith.constant 0 : i32
        %broadcast_in_dim3A_1106 = vector.broadcast %jit3A_1105 : i32 to vector<16xi32>
        %select_n3A_1107 = arith.select %eq3A_1088, %add3A_1104, %broadcast_in_dim3A_1106 : vector<16xi1>, vector<16xi32>
        %add3A_1108 = arith.addi %add3A_1076, %select_n3A_1107 : vector<16xi32>
        %sub3A_1109 = arith.constant 1 : i32
        %sub3A_1110 = vector.broadcast %sub3A_1109 : i32 to vector<16xi32>
        %sub3A_1111 = arith.subi %cumsum3A_1099, %sub3A_1110 : vector<16xi32>
        %add3A_1112 = vector.broadcast %scan3A_670 : i32 to vector<16xi32>
        %add3A_1113 = arith.addi %sub3A_1111, %add3A_1112 : vector<16xi32>
        %jit3A_1114 = arith.constant 0 : i32
        %broadcast_in_dim3A_1115 = vector.broadcast %jit3A_1114 : i32 to vector<16xi32>
        %select_n3A_1116 = arith.select %eq3A_1091, %add3A_1113, %broadcast_in_dim3A_1115 : vector<16xi1>, vector<16xi32>
        %add3A_1117 = arith.addi %add3A_1085, %select_n3A_1116 : vector<16xi32>
        %eq3A_1118 = arith.constant 4 : i32
        %eq3A_1119 = vector.broadcast %eq3A_1118 : i32 to vector<16xi32>
        %eq3A_1120 = arith.cmpi eq, %select_n3A_757, %eq3A_1119 : vector<16xi32>
        %eq3A_1121 = arith.constant 4 : i32
        %eq3A_1122 = vector.broadcast %eq3A_1121 : i32 to vector<16xi32>
        %eq3A_1123 = arith.cmpi eq, %select_n3A_833, %eq3A_1122 : vector<16xi32>
        %convert_element_type3A_1124 = arith.extui %eq3A_1120 : vector<16xi1> to vector<16xi32>
        %cumsum3A_1125 = arith.constant true
        %cumsum3A_1126 = vector.broadcast %cumsum3A_1125 : i1 to vector<16xi1>
        %cumsum3A_1127 = tpu.scan <sum>, %convert_element_type3A_1124 masked %cumsum3A_1126 : vector<16xi32>, vector<16xi1> -> vector<16xi32>
        %convert_element_type3A_1128 = arith.extui %eq3A_1123 : vector<16xi1> to vector<16xi32>
        %cumsum3A_1129 = arith.constant true
        %cumsum3A_1130 = vector.broadcast %cumsum3A_1129 : i1 to vector<16xi1>
        %cumsum3A_1131 = tpu.scan <sum>, %convert_element_type3A_1128 masked %cumsum3A_1130 : vector<16xi32>, vector<16xi1> -> vector<16xi32>
        %sub3A_1132 = arith.constant 1 : i32
        %sub3A_1133 = vector.broadcast %sub3A_1132 : i32 to vector<16xi32>
        %sub3A_1134 = arith.subi %cumsum3A_1127, %sub3A_1133 : vector<16xi32>
        %add3A_1135 = vector.broadcast %scan3A_663 : i32 to vector<16xi32>
        %add3A_1136 = arith.addi %sub3A_1134, %add3A_1135 : vector<16xi32>
        %jit3A_1137 = arith.constant 0 : i32
        %broadcast_in_dim3A_1138 = vector.broadcast %jit3A_1137 : i32 to vector<16xi32>
        %select_n3A_1139 = arith.select %eq3A_1120, %add3A_1136, %broadcast_in_dim3A_1138 : vector<16xi1>, vector<16xi32>
        %add3A_1140 = arith.addi %add3A_1108, %select_n3A_1139 : vector<16xi32>
        %sub3A_1141 = arith.constant 1 : i32
        %sub3A_1142 = vector.broadcast %sub3A_1141 : i32 to vector<16xi32>
        %sub3A_1143 = arith.subi %cumsum3A_1131, %sub3A_1142 : vector<16xi32>
        %add3A_1144 = vector.broadcast %scan3A_671 : i32 to vector<16xi32>
        %add3A_1145 = arith.addi %sub3A_1143, %add3A_1144 : vector<16xi32>
        %jit3A_1146 = arith.constant 0 : i32
        %broadcast_in_dim3A_1147 = vector.broadcast %jit3A_1146 : i32 to vector<16xi32>
        %select_n3A_1148 = arith.select %eq3A_1123, %add3A_1145, %broadcast_in_dim3A_1147 : vector<16xi1>, vector<16xi32>
        %add3A_1149 = arith.addi %add3A_1117, %select_n3A_1148 : vector<16xi32>
        %eq3A_1150 = arith.constant 5 : i32
        %eq3A_1151 = vector.broadcast %eq3A_1150 : i32 to vector<16xi32>
        %eq3A_1152 = arith.cmpi eq, %select_n3A_757, %eq3A_1151 : vector<16xi32>
        %eq3A_1153 = arith.constant 5 : i32
        %eq3A_1154 = vector.broadcast %eq3A_1153 : i32 to vector<16xi32>
        %eq3A_1155 = arith.cmpi eq, %select_n3A_833, %eq3A_1154 : vector<16xi32>
        %convert_element_type3A_1156 = arith.extui %eq3A_1152 : vector<16xi1> to vector<16xi32>
        %cumsum3A_1157 = arith.constant true
        %cumsum3A_1158 = vector.broadcast %cumsum3A_1157 : i1 to vector<16xi1>
        %cumsum3A_1159 = tpu.scan <sum>, %convert_element_type3A_1156 masked %cumsum3A_1158 : vector<16xi32>, vector<16xi1> -> vector<16xi32>
        %convert_element_type3A_1160 = arith.extui %eq3A_1155 : vector<16xi1> to vector<16xi32>
        %cumsum3A_1161 = arith.constant true
        %cumsum3A_1162 = vector.broadcast %cumsum3A_1161 : i1 to vector<16xi1>
        %cumsum3A_1163 = tpu.scan <sum>, %convert_element_type3A_1160 masked %cumsum3A_1162 : vector<16xi32>, vector<16xi1> -> vector<16xi32>
        %sub3A_1164 = arith.constant 1 : i32
        %sub3A_1165 = vector.broadcast %sub3A_1164 : i32 to vector<16xi32>
        %sub3A_1166 = arith.subi %cumsum3A_1159, %sub3A_1165 : vector<16xi32>
        %add3A_1167 = vector.broadcast %scan3A_664 : i32 to vector<16xi32>
        %add3A_1168 = arith.addi %sub3A_1166, %add3A_1167 : vector<16xi32>
        %jit3A_1169 = arith.constant 0 : i32
        %broadcast_in_dim3A_1170 = vector.broadcast %jit3A_1169 : i32 to vector<16xi32>
        %select_n3A_1171 = arith.select %eq3A_1152, %add3A_1168, %broadcast_in_dim3A_1170 : vector<16xi1>, vector<16xi32>
        %add3A_1172 = arith.addi %add3A_1140, %select_n3A_1171 : vector<16xi32>
        %sub3A_1173 = arith.constant 1 : i32
        %sub3A_1174 = vector.broadcast %sub3A_1173 : i32 to vector<16xi32>
        %sub3A_1175 = arith.subi %cumsum3A_1163, %sub3A_1174 : vector<16xi32>
        %add3A_1176 = vector.broadcast %scan3A_672 : i32 to vector<16xi32>
        %add3A_1177 = arith.addi %sub3A_1175, %add3A_1176 : vector<16xi32>
        %jit3A_1178 = arith.constant 0 : i32
        %broadcast_in_dim3A_1179 = vector.broadcast %jit3A_1178 : i32 to vector<16xi32>
        %select_n3A_1180 = arith.select %eq3A_1155, %add3A_1177, %broadcast_in_dim3A_1179 : vector<16xi1>, vector<16xi32>
        %add3A_1181 = arith.addi %add3A_1149, %select_n3A_1180 : vector<16xi32>
        %eq3A_1182 = arith.constant 6 : i32
        %eq3A_1183 = vector.broadcast %eq3A_1182 : i32 to vector<16xi32>
        %eq3A_1184 = arith.cmpi eq, %select_n3A_757, %eq3A_1183 : vector<16xi32>
        %eq3A_1185 = arith.constant 6 : i32
        %eq3A_1186 = vector.broadcast %eq3A_1185 : i32 to vector<16xi32>
        %eq3A_1187 = arith.cmpi eq, %select_n3A_833, %eq3A_1186 : vector<16xi32>
        %convert_element_type3A_1188 = arith.extui %eq3A_1184 : vector<16xi1> to vector<16xi32>
        %cumsum3A_1189 = arith.constant true
        %cumsum3A_1190 = vector.broadcast %cumsum3A_1189 : i1 to vector<16xi1>
        %cumsum3A_1191 = tpu.scan <sum>, %convert_element_type3A_1188 masked %cumsum3A_1190 : vector<16xi32>, vector<16xi1> -> vector<16xi32>
        %convert_element_type3A_1192 = arith.extui %eq3A_1187 : vector<16xi1> to vector<16xi32>
        %cumsum3A_1193 = arith.constant true
        %cumsum3A_1194 = vector.broadcast %cumsum3A_1193 : i1 to vector<16xi1>
        %cumsum3A_1195 = tpu.scan <sum>, %convert_element_type3A_1192 masked %cumsum3A_1194 : vector<16xi32>, vector<16xi1> -> vector<16xi32>
        %sub3A_1196 = arith.constant 1 : i32
        %sub3A_1197 = vector.broadcast %sub3A_1196 : i32 to vector<16xi32>
        %sub3A_1198 = arith.subi %cumsum3A_1191, %sub3A_1197 : vector<16xi32>
        %add3A_1199 = vector.broadcast %scan3A_665 : i32 to vector<16xi32>
        %add3A_1200 = arith.addi %sub3A_1198, %add3A_1199 : vector<16xi32>
        %jit3A_1201 = arith.constant 0 : i32
        %broadcast_in_dim3A_1202 = vector.broadcast %jit3A_1201 : i32 to vector<16xi32>
        %select_n3A_1203 = arith.select %eq3A_1184, %add3A_1200, %broadcast_in_dim3A_1202 : vector<16xi1>, vector<16xi32>
        %add3A_1204 = arith.addi %add3A_1172, %select_n3A_1203 : vector<16xi32>
        %sub3A_1205 = arith.constant 1 : i32
        %sub3A_1206 = vector.broadcast %sub3A_1205 : i32 to vector<16xi32>
        %sub3A_1207 = arith.subi %cumsum3A_1195, %sub3A_1206 : vector<16xi32>
        %add3A_1208 = vector.broadcast %scan3A_673 : i32 to vector<16xi32>
        %add3A_1209 = arith.addi %sub3A_1207, %add3A_1208 : vector<16xi32>
        %jit3A_1210 = arith.constant 0 : i32
        %broadcast_in_dim3A_1211 = vector.broadcast %jit3A_1210 : i32 to vector<16xi32>
        %select_n3A_1212 = arith.select %eq3A_1187, %add3A_1209, %broadcast_in_dim3A_1211 : vector<16xi1>, vector<16xi32>
        %add3A_1213 = arith.addi %add3A_1181, %select_n3A_1212 : vector<16xi32>
        %eq3A_1214 = arith.constant 7 : i32
        %eq3A_1215 = vector.broadcast %eq3A_1214 : i32 to vector<16xi32>
        %eq3A_1216 = arith.cmpi eq, %select_n3A_757, %eq3A_1215 : vector<16xi32>
        %eq3A_1217 = arith.constant 7 : i32
        %eq3A_1218 = vector.broadcast %eq3A_1217 : i32 to vector<16xi32>
        %eq3A_1219 = arith.cmpi eq, %select_n3A_833, %eq3A_1218 : vector<16xi32>
        %convert_element_type3A_1220 = arith.extui %eq3A_1216 : vector<16xi1> to vector<16xi32>
        %cumsum3A_1221 = arith.constant true
        %cumsum3A_1222 = vector.broadcast %cumsum3A_1221 : i1 to vector<16xi1>
        %cumsum3A_1223 = tpu.scan <sum>, %convert_element_type3A_1220 masked %cumsum3A_1222 : vector<16xi32>, vector<16xi1> -> vector<16xi32>
        %convert_element_type3A_1224 = arith.extui %eq3A_1219 : vector<16xi1> to vector<16xi32>
        %cumsum3A_1225 = arith.constant true
        %cumsum3A_1226 = vector.broadcast %cumsum3A_1225 : i1 to vector<16xi1>
        %cumsum3A_1227 = tpu.scan <sum>, %convert_element_type3A_1224 masked %cumsum3A_1226 : vector<16xi32>, vector<16xi1> -> vector<16xi32>
        %sub3A_1228 = arith.constant 1 : i32
        %sub3A_1229 = vector.broadcast %sub3A_1228 : i32 to vector<16xi32>
        %sub3A_1230 = arith.subi %cumsum3A_1223, %sub3A_1229 : vector<16xi32>
        %add3A_1231 = vector.broadcast %scan3A_666 : i32 to vector<16xi32>
        %add3A_1232 = arith.addi %sub3A_1230, %add3A_1231 : vector<16xi32>
        %jit3A_1233 = arith.constant 0 : i32
        %broadcast_in_dim3A_1234 = vector.broadcast %jit3A_1233 : i32 to vector<16xi32>
        %select_n3A_1235 = arith.select %eq3A_1216, %add3A_1232, %broadcast_in_dim3A_1234 : vector<16xi1>, vector<16xi32>
        %add3A_1236 = arith.addi %add3A_1204, %select_n3A_1235 : vector<16xi32>
        %sub3A_1237 = arith.constant 1 : i32
        %sub3A_1238 = vector.broadcast %sub3A_1237 : i32 to vector<16xi32>
        %sub3A_1239 = arith.subi %cumsum3A_1227, %sub3A_1238 : vector<16xi32>
        %add3A_1240 = vector.broadcast %scan3A_674 : i32 to vector<16xi32>
        %add3A_1241 = arith.addi %sub3A_1239, %add3A_1240 : vector<16xi32>
        %jit3A_1242 = arith.constant 0 : i32
        %broadcast_in_dim3A_1243 = vector.broadcast %jit3A_1242 : i32 to vector<16xi32>
        %select_n3A_1244 = arith.select %eq3A_1219, %add3A_1241, %broadcast_in_dim3A_1243 : vector<16xi1>, vector<16xi32>
        %add3A_1245 = arith.addi %add3A_1213, %select_n3A_1244 : vector<16xi32>
        %sub3A_1246 = arith.subf %select_n3A_834, %select_n3A_758 : vector<16xf32>
        %exp3A = math.exp %sub3A_1246 : vector<16xf32>
        %add3A_1247 = arith.constant 1.000000e+00 : f32
        %add3A_1248 = vector.broadcast %add3A_1247 : f32 to vector<16xf32>
        %add3A_1249 = arith.addf %add3A_1248, %exp3A : vector<16xf32>
        %div3A_1250 = arith.constant 1.000000e+00 : f32
        %div3A_1251 = vector.broadcast %div3A_1250 : f32 to vector<16xf32>
        %div3A_1252 = arith.divf %div3A_1251, %add3A_1249 : vector<16xf32>
        %swap3A_1253 = arith.index_cast %mul3A_986 : i32 to index
        %swap3A_1254 = tpu.vector_load %arg11[%swap3A_1253] {strides = array<i32>} : memref<64xi32, #tpu.memory_space<vmem>>, vector<16xi32>,
        tpu.vector_store %arg11[%swap3A_1253], %select_n3A_757 {strides = array<i32>} : memref<64xi32, #tpu.memory_space<vmem>>, vector<16xi32>,
        %swap3A_1255 = arith.index_cast %mul3A_986 : i32 to index
        %swap3A_1256 = tpu.vector_load %arg12[%swap3A_1255] {strides = array<i32>} : memref<64xi32, #tpu.memory_space<vmem>>, vector<16xi32>,
        tpu.vector_store %arg12[%swap3A_1255], %select_n3A_833 {strides = array<i32>} : memref<64xi32, #tpu.memory_space<vmem>>, vector<16xi32>,
        %swap3A_1257 = arith.index_cast %mul3A_986 : i32 to index
        %swap3A_1258 = tpu.vector_load %arg13[%swap3A_1257] {strides = array<i32>} : memref<64xi32, #tpu.memory_space<vmem>>, vector<16xi32>,
        tpu.vector_store %arg13[%swap3A_1257], %add3A_1236 {strides = array<i32>} : memref<64xi32, #tpu.memory_space<vmem>>, vector<16xi32>,
        %swap3A_1259 = arith.index_cast %mul3A_986 : i32 to index
        %swap3A_1260 = tpu.vector_load %arg14[%swap3A_1259] {strides = array<i32>} : memref<64xi32, #tpu.memory_space<vmem>>, vector<16xi32>,
        tpu.vector_store %arg14[%swap3A_1259], %add3A_1245 {strides = array<i32>} : memref<64xi32, #tpu.memory_space<vmem>>, vector<16xi32>,
        %swap3A_1261 = arith.index_cast %mul3A_986 : i32 to index
        %swap3A_1262 = tpu.vector_load %arg15[%swap3A_1261] {strides = array<i32>} : memref<64xf32, #tpu.memory_space<vmem>>, vector<16xf32>,
        tpu.vector_store %arg15[%swap3A_1261], %div3A_1252 {strides = array<i32>} : memref<64xf32, #tpu.memory_space<vmem>>, vector<16xf32>,
        %sub3A_1263 = arith.constant 1.000000e+00 : f32
        %sub3A_1264 = vector.broadcast %sub3A_1263 : f32 to vector<16xf32>
        %sub3A_1265 = arith.subf %sub3A_1264, %div3A_1252 : vector<16xf32>
        %swap3A_1266 = arith.index_cast %mul3A_986 : i32 to index
        %swap3A_1267 = tpu.vector_load %arg16[%swap3A_1266] {strides = array<i32>} : memref<64xf32, #tpu.memory_space<vmem>>, vector<16xf32>,
        tpu.vector_store %arg16[%swap3A_1266], %sub3A_1265 {strides = array<i32>} : memref<64xf32, #tpu.memory_space<vmem>>, vector<16xf32>,
      } else {
      }
      %eq3A_841 = arith.constant 0 : i32
      %eq3A_842 = vector.broadcast %eq3A_841 : i32 to vector<16xi32>
      %eq3A_843 = arith.cmpi eq, %select_n3A_757, %eq3A_842 : vector<16xi32>
      %convert_element_type3A_844 = arith.extui %eq3A_843 : vector<16xi1> to vector<16xi32>
      %reduce_sum3A = arith.constant true
      %reduce_sum3A_845 = vector.broadcast %reduce_sum3A : i1 to vector<16xi1>
      %reduce_sum3A_846 = tpu.scan <sum>, %convert_element_type3A_844 masked %reduce_sum3A_845 : vector<16xi32>, vector<16xi1> -> vector<16xi32>
      %reduce_sum3A_847 = vector.extract %reduce_sum3A_846[15] : i32 from vector<16xi32>
      %add3A_848 = arith.addi %scan3A_659, %reduce_sum3A_847 : i32
      %eq3A_849 = arith.constant 1 : i32
      %eq3A_850 = vector.broadcast %eq3A_849 : i32 to vector<16xi32>
      %eq3A_851 = arith.cmpi eq, %select_n3A_757, %eq3A_850 : vector<16xi32>
      %convert_element_type3A_852 = arith.extui %eq3A_851 : vector<16xi1> to vector<16xi32>
      %reduce_sum3A_853 = arith.constant true
      %reduce_sum3A_854 = vector.broadcast %reduce_sum3A_853 : i1 to vector<16xi1>
      %reduce_sum3A_855 = tpu.scan <sum>, %convert_element_type3A_852 masked %reduce_sum3A_854 : vector<16xi32>, vector<16xi1> -> vector<16xi32>
      %reduce_sum3A_856 = vector.extract %reduce_sum3A_855[15] : i32 from vector<16xi32>
      %add3A_857 = arith.addi %scan3A_660, %reduce_sum3A_856 : i32
      %eq3A_858 = arith.constant 2 : i32
      %eq3A_859 = vector.broadcast %eq3A_858 : i32 to vector<16xi32>
      %eq3A_860 = arith.cmpi eq, %select_n3A_757, %eq3A_859 : vector<16xi32>
      %convert_element_type3A_861 = arith.extui %eq3A_860 : vector<16xi1> to vector<16xi32>
      %reduce_sum3A_862 = arith.constant true
      %reduce_sum3A_863 = vector.broadcast %reduce_sum3A_862 : i1 to vector<16xi1>
      %reduce_sum3A_864 = tpu.scan <sum>, %convert_element_type3A_861 masked %reduce_sum3A_863 : vector<16xi32>, vector<16xi1> -> vector<16xi32>
      %reduce_sum3A_865 = vector.extract %reduce_sum3A_864[15] : i32 from vector<16xi32>
      %add3A_866 = arith.addi %scan3A_661, %reduce_sum3A_865 : i32
      %eq3A_867 = arith.constant 3 : i32
      %eq3A_868 = vector.broadcast %eq3A_867 : i32 to vector<16xi32>
      %eq3A_869 = arith.cmpi eq, %select_n3A_757, %eq3A_868 : vector<16xi32>
      %convert_element_type3A_870 = arith.extui %eq3A_869 : vector<16xi1> to vector<16xi32>
      %reduce_sum3A_871 = arith.constant true
      %reduce_sum3A_872 = vector.broadcast %reduce_sum3A_871 : i1 to vector<16xi1>
      %reduce_sum3A_873 = tpu.scan <sum>, %convert_element_type3A_870 masked %reduce_sum3A_872 : vector<16xi32>, vector<16xi1> -> vector<16xi32>
      %reduce_sum3A_874 = vector.extract %reduce_sum3A_873[15] : i32 from vector<16xi32>
      %add3A_875 = arith.addi %scan3A_662, %reduce_sum3A_874 : i32
      %eq3A_876 = arith.constant 4 : i32
      %eq3A_877 = vector.broadcast %eq3A_876 : i32 to vector<16xi32>
      %eq3A_878 = arith.cmpi eq, %select_n3A_757, %eq3A_877 : vector<16xi32>
      %convert_element_type3A_879 = arith.extui %eq3A_878 : vector<16xi1> to vector<16xi32>
      %reduce_sum3A_880 = arith.constant true
      %reduce_sum3A_881 = vector.broadcast %reduce_sum3A_880 : i1 to vector<16xi1>
      %reduce_sum3A_882 = tpu.scan <sum>, %convert_element_type3A_879 masked %reduce_sum3A_881 : vector<16xi32>, vector<16xi1> -> vector<16xi32>
      %reduce_sum3A_883 = vector.extract %reduce_sum3A_882[15] : i32 from vector<16xi32>
      %add3A_884 = arith.addi %scan3A_663, %reduce_sum3A_883 : i32
      %eq3A_885 = arith.constant 5 : i32
      %eq3A_886 = vector.broadcast %eq3A_885 : i32 to vector<16xi32>
      %eq3A_887 = arith.cmpi eq, %select_n3A_757, %eq3A_886 : vector<16xi32>
      %convert_element_type3A_888 = arith.extui %eq3A_887 : vector<16xi1> to vector<16xi32>
      %reduce_sum3A_889 = arith.constant true
      %reduce_sum3A_890 = vector.broadcast %reduce_sum3A_889 : i1 to vector<16xi1>
      %reduce_sum3A_891 = tpu.scan <sum>, %convert_element_type3A_888 masked %reduce_sum3A_890 : vector<16xi32>, vector<16xi1> -> vector<16xi32>
      %reduce_sum3A_892 = vector.extract %reduce_sum3A_891[15] : i32 from vector<16xi32>
      %add3A_893 = arith.addi %scan3A_664, %reduce_sum3A_892 : i32
      %eq3A_894 = arith.constant 6 : i32
      %eq3A_895 = vector.broadcast %eq3A_894 : i32 to vector<16xi32>
      %eq3A_896 = arith.cmpi eq, %select_n3A_757, %eq3A_895 : vector<16xi32>
      %convert_element_type3A_897 = arith.extui %eq3A_896 : vector<16xi1> to vector<16xi32>
      %reduce_sum3A_898 = arith.constant true
      %reduce_sum3A_899 = vector.broadcast %reduce_sum3A_898 : i1 to vector<16xi1>
      %reduce_sum3A_900 = tpu.scan <sum>, %convert_element_type3A_897 masked %reduce_sum3A_899 : vector<16xi32>, vector<16xi1> -> vector<16xi32>
      %reduce_sum3A_901 = vector.extract %reduce_sum3A_900[15] : i32 from vector<16xi32>
      %add3A_902 = arith.addi %scan3A_665, %reduce_sum3A_901 : i32
      %eq3A_903 = arith.constant 7 : i32
      %eq3A_904 = vector.broadcast %eq3A_903 : i32 to vector<16xi32>
      %eq3A_905 = arith.cmpi eq, %select_n3A_757, %eq3A_904 : vector<16xi32>
      %convert_element_type3A_906 = arith.extui %eq3A_905 : vector<16xi1> to vector<16xi32>
      %reduce_sum3A_907 = arith.constant true
      %reduce_sum3A_908 = vector.broadcast %reduce_sum3A_907 : i1 to vector<16xi1>
      %reduce_sum3A_909 = tpu.scan <sum>, %convert_element_type3A_906 masked %reduce_sum3A_908 : vector<16xi32>, vector<16xi1> -> vector<16xi32>
      %reduce_sum3A_910 = vector.extract %reduce_sum3A_909[15] : i32 from vector<16xi32>
      %add3A_911 = arith.addi %scan3A_666, %reduce_sum3A_910 : i32
      %eq3A_912 = arith.constant 0 : i32
      %eq3A_913 = vector.broadcast %eq3A_912 : i32 to vector<16xi32>
      %eq3A_914 = arith.cmpi eq, %select_n3A_833, %eq3A_913 : vector<16xi32>
      %convert_element_type3A_915 = arith.extui %eq3A_914 : vector<16xi1> to vector<16xi32>
      %reduce_sum3A_916 = arith.constant true
      %reduce_sum3A_917 = vector.broadcast %reduce_sum3A_916 : i1 to vector<16xi1>
      %reduce_sum3A_918 = tpu.scan <sum>, %convert_element_type3A_915 masked %reduce_sum3A_917 : vector<16xi32>, vector<16xi1> -> vector<16xi32>
      %reduce_sum3A_919 = vector.extract %reduce_sum3A_918[15] : i32 from vector<16xi32>
      %add3A_920 = arith.addi %scan3A_667, %reduce_sum3A_919 : i32
      %eq3A_921 = arith.constant 1 : i32
      %eq3A_922 = vector.broadcast %eq3A_921 : i32 to vector<16xi32>
      %eq3A_923 = arith.cmpi eq, %select_n3A_833, %eq3A_922 : vector<16xi32>
      %convert_element_type3A_924 = arith.extui %eq3A_923 : vector<16xi1> to vector<16xi32>
      %reduce_sum3A_925 = arith.constant true
      %reduce_sum3A_926 = vector.broadcast %reduce_sum3A_925 : i1 to vector<16xi1>
      %reduce_sum3A_927 = tpu.scan <sum>, %convert_element_type3A_924 masked %reduce_sum3A_926 : vector<16xi32>, vector<16xi1> -> vector<16xi32>
      %reduce_sum3A_928 = vector.extract %reduce_sum3A_927[15] : i32 from vector<16xi32>
      %add3A_929 = arith.addi %scan3A_668, %reduce_sum3A_928 : i32
      %eq3A_930 = arith.constant 2 : i32
      %eq3A_931 = vector.broadcast %eq3A_930 : i32 to vector<16xi32>
      %eq3A_932 = arith.cmpi eq, %select_n3A_833, %eq3A_931 : vector<16xi32>
      %convert_element_type3A_933 = arith.extui %eq3A_932 : vector<16xi1> to vector<16xi32>
      %reduce_sum3A_934 = arith.constant true
      %reduce_sum3A_935 = vector.broadcast %reduce_sum3A_934 : i1 to vector<16xi1>
      %reduce_sum3A_936 = tpu.scan <sum>, %convert_element_type3A_933 masked %reduce_sum3A_935 : vector<16xi32>, vector<16xi1> -> vector<16xi32>
      %reduce_sum3A_937 = vector.extract %reduce_sum3A_936[15] : i32 from vector<16xi32>
      %add3A_938 = arith.addi %scan3A_669, %reduce_sum3A_937 : i32
      %eq3A_939 = arith.constant 3 : i32
      %eq3A_940 = vector.broadcast %eq3A_939 : i32 to vector<16xi32>
      %eq3A_941 = arith.cmpi eq, %select_n3A_833, %eq3A_940 : vector<16xi32>
      %convert_element_type3A_942 = arith.extui %eq3A_941 : vector<16xi1> to vector<16xi32>
      %reduce_sum3A_943 = arith.constant true
      %reduce_sum3A_944 = vector.broadcast %reduce_sum3A_943 : i1 to vector<16xi1>
      %reduce_sum3A_945 = tpu.scan <sum>, %convert_element_type3A_942 masked %reduce_sum3A_944 : vector<16xi32>, vector<16xi1> -> vector<16xi32>
      %reduce_sum3A_946 = vector.extract %reduce_sum3A_945[15] : i32 from vector<16xi32>
      %add3A_947 = arith.addi %scan3A_670, %reduce_sum3A_946 : i32
      %eq3A_948 = arith.constant 4 : i32
      %eq3A_949 = vector.broadcast %eq3A_948 : i32 to vector<16xi32>
      %eq3A_950 = arith.cmpi eq, %select_n3A_833, %eq3A_949 : vector<16xi32>
      %convert_element_type3A_951 = arith.extui %eq3A_950 : vector<16xi1> to vector<16xi32>
      %reduce_sum3A_952 = arith.constant true
      %reduce_sum3A_953 = vector.broadcast %reduce_sum3A_952 : i1 to vector<16xi1>
      %reduce_sum3A_954 = tpu.scan <sum>, %convert_element_type3A_951 masked %reduce_sum3A_953 : vector<16xi32>, vector<16xi1> -> vector<16xi32>
      %reduce_sum3A_955 = vector.extract %reduce_sum3A_954[15] : i32 from vector<16xi32>
      %add3A_956 = arith.addi %scan3A_671, %reduce_sum3A_955 : i32
      %eq3A_957 = arith.constant 5 : i32
      %eq3A_958 = vector.broadcast %eq3A_957 : i32 to vector<16xi32>
      %eq3A_959 = arith.cmpi eq, %select_n3A_833, %eq3A_958 : vector<16xi32>
      %convert_element_type3A_960 = arith.extui %eq3A_959 : vector<16xi1> to vector<16xi32>
      %reduce_sum3A_961 = arith.constant true
      %reduce_sum3A_962 = vector.broadcast %reduce_sum3A_961 : i1 to vector<16xi1>
      %reduce_sum3A_963 = tpu.scan <sum>, %convert_element_type3A_960 masked %reduce_sum3A_962 : vector<16xi32>, vector<16xi1> -> vector<16xi32>
      %reduce_sum3A_964 = vector.extract %reduce_sum3A_963[15] : i32 from vector<16xi32>
      %add3A_965 = arith.addi %scan3A_672, %reduce_sum3A_964 : i32
      %eq3A_966 = arith.constant 6 : i32
      %eq3A_967 = vector.broadcast %eq3A_966 : i32 to vector<16xi32>
      %eq3A_968 = arith.cmpi eq, %select_n3A_833, %eq3A_967 : vector<16xi32>
      %convert_element_type3A_969 = arith.extui %eq3A_968 : vector<16xi1> to vector<16xi32>
      %reduce_sum3A_970 = arith.constant true
      %reduce_sum3A_971 = vector.broadcast %reduce_sum3A_970 : i1 to vector<16xi1>
      %reduce_sum3A_972 = tpu.scan <sum>, %convert_element_type3A_969 masked %reduce_sum3A_971 : vector<16xi32>, vector<16xi1> -> vector<16xi32>
      %reduce_sum3A_973 = vector.extract %reduce_sum3A_972[15] : i32 from vector<16xi32>
      %add3A_974 = arith.addi %scan3A_673, %reduce_sum3A_973 : i32
      %eq3A_975 = arith.constant 7 : i32
      %eq3A_976 = vector.broadcast %eq3A_975 : i32 to vector<16xi32>
      %eq3A_977 = arith.cmpi eq, %select_n3A_833, %eq3A_976 : vector<16xi32>
      %convert_element_type3A_978 = arith.extui %eq3A_977 : vector<16xi1> to vector<16xi32>
      %reduce_sum3A_979 = arith.constant true
      %reduce_sum3A_980 = vector.broadcast %reduce_sum3A_979 : i1 to vector<16xi1>
      %reduce_sum3A_981 = tpu.scan <sum>, %convert_element_type3A_978 masked %reduce_sum3A_980 : vector<16xi32>, vector<16xi1> -> vector<16xi32>
      %reduce_sum3A_982 = vector.extract %reduce_sum3A_981[15] : i32 from vector<16xi32>
      %add3A_983 = arith.addi %scan3A_674, %reduce_sum3A_982 : i32
      scf.yield %add3A_848, %add3A_857, %add3A_866, %add3A_875, %add3A_884, %add3A_893, %add3A_902, %add3A_911, %add3A_920, %add3A_929, %add3A_938, %add3A_947, %add3A_956, %add3A_965, %add3A_974, %add3A_983 : i32, i32, i32, i32, i32, i32, i32, i32, i32, i32, i32, i32, i32, i32, i32, i32
    }
    %scan3A_28 = arith.constant 128 : i32
    %broadcast_in_dim3A = arith.constant 0 : i32
    %broadcast_in_dim3A_29 = vector.broadcast %broadcast_in_dim3A : i32 to vector<16xi32>
    %broadcast_in_dim3A_30 = arith.constant 0 : i32
    %broadcast_in_dim3A_31 = vector.broadcast %broadcast_in_dim3A_30 : i32 to vector<16xi32>
    %add3A_32 = arith.addi %scan3A_27#0, %scan3A_27#8 : i32
    %add3A_33 = arith.constant 383 : i32
    %add3A_34 = arith.addi %add3A_32, %add3A_33 : i32
    %jit3A = arith.constant 384 : i32
    %div3A = arith.divsi %add3A_34, %jit3A : i32
    %sign3A = arith.constant 0 : i32
    %sign3A_35 = arith.cmpi sgt, %add3A_34, %sign3A : i32
    %sign3A_36 = arith.extui %sign3A_35 : i1 to i32
    %sign3A_37 = arith.constant 0 : i32
    %sign3A_38 = arith.cmpi slt, %add3A_34, %sign3A_37 : i32
    %sign3A_39 = arith.extui %sign3A_38 : i1 to i32
    %sign3A_40 = arith.subi %sign3A_36, %sign3A_39 : i32
    %sign3A_41 = arith.constant 0 : i32
    %sign3A_42 = arith.cmpi sgt, %jit3A, %sign3A_41 : i32
    %sign3A_43 = arith.extui %sign3A_42 : i1 to i32
    %sign3A_44 = arith.constant 0 : i32
    %sign3A_45 = arith.cmpi slt, %jit3A, %sign3A_44 : i32
    %sign3A_46 = arith.extui %sign3A_45 : i1 to i32
    %sign3A_47 = arith.subi %sign3A_43, %sign3A_46 : i32
    %ne3A = arith.cmpi ne, %sign3A_40, %sign3A_47 : i32
    %rem3A = arith.remsi %add3A_34, %jit3A : i32
    %ne3A_48 = arith.constant 0 : i32
    %ne3A_49 = arith.cmpi ne, %rem3A, %ne3A_48 : i32
    %and3A = arith.andi %ne3A, %ne3A_49 : i1
    %sub3A = arith.constant 1 : i32
    %sub3A_50 = arith.subi %div3A, %sub3A : i32
    %select_n3A = arith.select %and3A, %sub3A_50, %div3A : i32
    %eq3A = arith.constant 0 : i32
    %eq3A_51 = vector.broadcast %eq3A : i32 to vector<16xi32>
    %eq3A_52 = arith.cmpi eq, %iota3A, %eq3A_51 : vector<16xi32>
    %jit3A_53 = arith.constant 0 : i32
    %jit3A_54 = arith.constant 0 : i32
    %broadcast_in_dim3A_55 = vector.broadcast %jit3A_53 : i32 to vector<16xi32>
    %broadcast_in_dim3A_56 = vector.broadcast %jit3A_54 : i32 to vector<16xi32>
    %select_n3A_57 = arith.select %eq3A_52, %broadcast_in_dim3A_55, %broadcast_in_dim3A_56 : vector<16xi1>, vector<16xi32>
    %add3A_58 = arith.addi %broadcast_in_dim3A_29, %select_n3A_57 : vector<16xi32>
    %eq3A_59 = arith.constant 0 : i32
    %eq3A_60 = vector.broadcast %eq3A_59 : i32 to vector<16xi32>
    %eq3A_61 = arith.cmpi eq, %iota3A, %eq3A_60 : vector<16xi32>
    %add3A_62 = arith.constant 0 : i32
    %add3A_63 = arith.addi %add3A_62, %scan3A_27#0 : i32
    %jit3A_64 = arith.constant 0 : i32
    %broadcast_in_dim3A_65 = vector.broadcast %add3A_63 : i32 to vector<16xi32>
    %broadcast_in_dim3A_66 = vector.broadcast %jit3A_64 : i32 to vector<16xi32>
    %select_n3A_67 = arith.select %eq3A_61, %broadcast_in_dim3A_65, %broadcast_in_dim3A_66 : vector<16xi1>, vector<16xi32>
    %add3A_68 = arith.addi %broadcast_in_dim3A_31, %select_n3A_67 : vector<16xi32>
    %add3A_69 = arith.constant 0 : i32
    %add3A_70 = arith.addi %add3A_69, %select_n3A : i32
    %mul3A_71 = arith.constant 384 : i32
    %mul3A_72 = arith.muli %select_n3A, %mul3A_71 : i32
    %add3A_73 = arith.constant 0 : i32
    %add3A_74 = arith.addi %add3A_73, %mul3A_72 : i32
    %add3A_75 = arith.addi %scan3A_27#1, %scan3A_27#9 : i32
    %add3A_76 = arith.constant 383 : i32
    %add3A_77 = arith.addi %add3A_75, %add3A_76 : i32
    %jit3A_78 = arith.constant 384 : i32
    %div3A_79 = arith.divsi %add3A_77, %jit3A_78 : i32
    %sign3A_80 = arith.constant 0 : i32
    %sign3A_81 = arith.cmpi sgt, %add3A_77, %sign3A_80 : i32
    %sign3A_82 = arith.extui %sign3A_81 : i1 to i32
    %sign3A_83 = arith.constant 0 : i32
    %sign3A_84 = arith.cmpi slt, %add3A_77, %sign3A_83 : i32
    %sign3A_85 = arith.extui %sign3A_84 : i1 to i32
    %sign3A_86 = arith.subi %sign3A_82, %sign3A_85 : i32
    %sign3A_87 = arith.constant 0 : i32
    %sign3A_88 = arith.cmpi sgt, %jit3A_78, %sign3A_87 : i32
    %sign3A_89 = arith.extui %sign3A_88 : i1 to i32
    %sign3A_90 = arith.constant 0 : i32
    %sign3A_91 = arith.cmpi slt, %jit3A_78, %sign3A_90 : i32
    %sign3A_92 = arith.extui %sign3A_91 : i1 to i32
    %sign3A_93 = arith.subi %sign3A_89, %sign3A_92 : i32
    %ne3A_94 = arith.cmpi ne, %sign3A_86, %sign3A_93 : i32
    %rem3A_95 = arith.remsi %add3A_77, %jit3A_78 : i32
    %ne3A_96 = arith.constant 0 : i32
    %ne3A_97 = arith.cmpi ne, %rem3A_95, %ne3A_96 : i32
    %and3A_98 = arith.andi %ne3A_94, %ne3A_97 : i1
    %sub3A_99 = arith.constant 1 : i32
    %sub3A_100 = arith.subi %div3A_79, %sub3A_99 : i32
    %select_n3A_101 = arith.select %and3A_98, %sub3A_100, %div3A_79 : i32
    %eq3A_102 = arith.constant 1 : i32
    %eq3A_103 = vector.broadcast %eq3A_102 : i32 to vector<16xi32>
    %eq3A_104 = arith.cmpi eq, %iota3A, %eq3A_103 : vector<16xi32>
    %jit3A_105 = arith.constant 0 : i32
    %broadcast_in_dim3A_106 = vector.broadcast %add3A_74 : i32 to vector<16xi32>
    %broadcast_in_dim3A_107 = vector.broadcast %jit3A_105 : i32 to vector<16xi32>
    %select_n3A_108 = arith.select %eq3A_104, %broadcast_in_dim3A_106, %broadcast_in_dim3A_107 : vector<16xi1>, vector<16xi32>
    %add3A_109 = arith.addi %add3A_58, %select_n3A_108 : vector<16xi32>
    %eq3A_110 = arith.constant 1 : i32
    %eq3A_111 = vector.broadcast %eq3A_110 : i32 to vector<16xi32>
    %eq3A_112 = arith.cmpi eq, %iota3A, %eq3A_111 : vector<16xi32>
    %add3A_113 = arith.addi %add3A_74, %scan3A_27#1 : i32
    %jit3A_114 = arith.constant 0 : i32
    %broadcast_in_dim3A_115 = vector.broadcast %add3A_113 : i32 to vector<16xi32>
    %broadcast_in_dim3A_116 = vector.broadcast %jit3A_114 : i32 to vector<16xi32>
    %select_n3A_117 = arith.select %eq3A_112, %broadcast_in_dim3A_115, %broadcast_in_dim3A_116 : vector<16xi1>, vector<16xi32>
    %add3A_118 = arith.addi %add3A_68, %select_n3A_117 : vector<16xi32>
    %add3A_119 = arith.addi %add3A_70, %select_n3A_101 : i32
    %mul3A_120 = arith.constant 384 : i32
    %mul3A_121 = arith.muli %select_n3A_101, %mul3A_120 : i32
    %add3A_122 = arith.addi %add3A_74, %mul3A_121 : i32
    %add3A_123 = arith.addi %scan3A_27#2, %scan3A_27#10 : i32
    %add3A_124 = arith.constant 383 : i32
    %add3A_125 = arith.addi %add3A_123, %add3A_124 : i32
    %jit3A_126 = arith.constant 384 : i32
    %div3A_127 = arith.divsi %add3A_125, %jit3A_126 : i32
    %sign3A_128 = arith.constant 0 : i32
    %sign3A_129 = arith.cmpi sgt, %add3A_125, %sign3A_128 : i32
    %sign3A_130 = arith.extui %sign3A_129 : i1 to i32
    %sign3A_131 = arith.constant 0 : i32
    %sign3A_132 = arith.cmpi slt, %add3A_125, %sign3A_131 : i32
    %sign3A_133 = arith.extui %sign3A_132 : i1 to i32
    %sign3A_134 = arith.subi %sign3A_130, %sign3A_133 : i32
    %sign3A_135 = arith.constant 0 : i32
    %sign3A_136 = arith.cmpi sgt, %jit3A_126, %sign3A_135 : i32
    %sign3A_137 = arith.extui %sign3A_136 : i1 to i32
    %sign3A_138 = arith.constant 0 : i32
    %sign3A_139 = arith.cmpi slt, %jit3A_126, %sign3A_138 : i32
    %sign3A_140 = arith.extui %sign3A_139 : i1 to i32
    %sign3A_141 = arith.subi %sign3A_137, %sign3A_140 : i32
    %ne3A_142 = arith.cmpi ne, %sign3A_134, %sign3A_141 : i32
    %rem3A_143 = arith.remsi %add3A_125, %jit3A_126 : i32
    %ne3A_144 = arith.constant 0 : i32
    %ne3A_145 = arith.cmpi ne, %rem3A_143, %ne3A_144 : i32
    %and3A_146 = arith.andi %ne3A_142, %ne3A_145 : i1
    %sub3A_147 = arith.constant 1 : i32
    %sub3A_148 = arith.subi %div3A_127, %sub3A_147 : i32
    %select_n3A_149 = arith.select %and3A_146, %sub3A_148, %div3A_127 : i32
    %eq3A_150 = arith.constant 2 : i32
    %eq3A_151 = vector.broadcast %eq3A_150 : i32 to vector<16xi32>
    %eq3A_152 = arith.cmpi eq, %iota3A, %eq3A_151 : vector<16xi32>
    %jit3A_153 = arith.constant 0 : i32
    %broadcast_in_dim3A_154 = vector.broadcast %add3A_122 : i32 to vector<16xi32>
    %broadcast_in_dim3A_155 = vector.broadcast %jit3A_153 : i32 to vector<16xi32>
    %select_n3A_156 = arith.select %eq3A_152, %broadcast_in_dim3A_154, %broadcast_in_dim3A_155 : vector<16xi1>, vector<16xi32>
    %add3A_157 = arith.addi %add3A_109, %select_n3A_156 : vector<16xi32>
    %eq3A_158 = arith.constant 2 : i32
    %eq3A_159 = vector.broadcast %eq3A_158 : i32 to vector<16xi32>
    %eq3A_160 = arith.cmpi eq, %iota3A, %eq3A_159 : vector<16xi32>
    %add3A_161 = arith.addi %add3A_122, %scan3A_27#2 : i32
    %jit3A_162 = arith.constant 0 : i32
    %broadcast_in_dim3A_163 = vector.broadcast %add3A_161 : i32 to vector<16xi32>
    %broadcast_in_dim3A_164 = vector.broadcast %jit3A_162 : i32 to vector<16xi32>
    %select_n3A_165 = arith.select %eq3A_160, %broadcast_in_dim3A_163, %broadcast_in_dim3A_164 : vector<16xi1>, vector<16xi32>
    %add3A_166 = arith.addi %add3A_118, %select_n3A_165 : vector<16xi32>
    %add3A_167 = arith.addi %add3A_119, %select_n3A_149 : i32
    %mul3A_168 = arith.constant 384 : i32
    %mul3A_169 = arith.muli %select_n3A_149, %mul3A_168 : i32
    %add3A_170 = arith.addi %add3A_122, %mul3A_169 : i32
    %add3A_171 = arith.addi %scan3A_27#3, %scan3A_27#11 : i32
    %add3A_172 = arith.constant 383 : i32
    %add3A_173 = arith.addi %add3A_171, %add3A_172 : i32
    %jit3A_174 = arith.constant 384 : i32
    %div3A_175 = arith.divsi %add3A_173, %jit3A_174 : i32
    %sign3A_176 = arith.constant 0 : i32
    %sign3A_177 = arith.cmpi sgt, %add3A_173, %sign3A_176 : i32
    %sign3A_178 = arith.extui %sign3A_177 : i1 to i32
    %sign3A_179 = arith.constant 0 : i32
    %sign3A_180 = arith.cmpi slt, %add3A_173, %sign3A_179 : i32
    %sign3A_181 = arith.extui %sign3A_180 : i1 to i32
    %sign3A_182 = arith.subi %sign3A_178, %sign3A_181 : i32
    %sign3A_183 = arith.constant 0 : i32
    %sign3A_184 = arith.cmpi sgt, %jit3A_174, %sign3A_183 : i32
    %sign3A_185 = arith.extui %sign3A_184 : i1 to i32
    %sign3A_186 = arith.constant 0 : i32
    %sign3A_187 = arith.cmpi slt, %jit3A_174, %sign3A_186 : i32
    %sign3A_188 = arith.extui %sign3A_187 : i1 to i32
    %sign3A_189 = arith.subi %sign3A_185, %sign3A_188 : i32
    %ne3A_190 = arith.cmpi ne, %sign3A_182, %sign3A_189 : i32
    %rem3A_191 = arith.remsi %add3A_173, %jit3A_174 : i32
    %ne3A_192 = arith.constant 0 : i32
    %ne3A_193 = arith.cmpi ne, %rem3A_191, %ne3A_192 : i32
    %and3A_194 = arith.andi %ne3A_190, %ne3A_193 : i1
    %sub3A_195 = arith.constant 1 : i32
    %sub3A_196 = arith.subi %div3A_175, %sub3A_195 : i32
    %select_n3A_197 = arith.select %and3A_194, %sub3A_196, %div3A_175 : i32
    %eq3A_198 = arith.constant 3 : i32
    %eq3A_199 = vector.broadcast %eq3A_198 : i32 to vector<16xi32>
    %eq3A_200 = arith.cmpi eq, %iota3A, %eq3A_199 : vector<16xi32>
    %jit3A_201 = arith.constant 0 : i32
    %broadcast_in_dim3A_202 = vector.broadcast %add3A_170 : i32 to vector<16xi32>
    %broadcast_in_dim3A_203 = vector.broadcast %jit3A_201 : i32 to vector<16xi32>
    %select_n3A_204 = arith.select %eq3A_200, %broadcast_in_dim3A_202, %broadcast_in_dim3A_203 : vector<16xi1>, vector<16xi32>
    %add3A_205 = arith.addi %add3A_157, %select_n3A_204 : vector<16xi32>
    %eq3A_206 = arith.constant 3 : i32
    %eq3A_207 = vector.broadcast %eq3A_206 : i32 to vector<16xi32>
    %eq3A_208 = arith.cmpi eq, %iota3A, %eq3A_207 : vector<16xi32>
    %add3A_209 = arith.addi %add3A_170, %scan3A_27#3 : i32
    %jit3A_210 = arith.constant 0 : i32
    %broadcast_in_dim3A_211 = vector.broadcast %add3A_209 : i32 to vector<16xi32>
    %broadcast_in_dim3A_212 = vector.broadcast %jit3A_210 : i32 to vector<16xi32>
    %select_n3A_213 = arith.select %eq3A_208, %broadcast_in_dim3A_211, %broadcast_in_dim3A_212 : vector<16xi1>, vector<16xi32>
    %add3A_214 = arith.addi %add3A_166, %select_n3A_213 : vector<16xi32>
    %add3A_215 = arith.addi %add3A_167, %select_n3A_197 : i32
    %mul3A_216 = arith.constant 384 : i32
    %mul3A_217 = arith.muli %select_n3A_197, %mul3A_216 : i32
    %add3A_218 = arith.addi %add3A_170, %mul3A_217 : i32
    %add3A_219 = arith.addi %scan3A_27#4, %scan3A_27#12 : i32
    %add3A_220 = arith.constant 383 : i32
    %add3A_221 = arith.addi %add3A_219, %add3A_220 : i32
    %jit3A_222 = arith.constant 384 : i32
    %div3A_223 = arith.divsi %add3A_221, %jit3A_222 : i32
    %sign3A_224 = arith.constant 0 : i32
    %sign3A_225 = arith.cmpi sgt, %add3A_221, %sign3A_224 : i32
    %sign3A_226 = arith.extui %sign3A_225 : i1 to i32
    %sign3A_227 = arith.constant 0 : i32
    %sign3A_228 = arith.cmpi slt, %add3A_221, %sign3A_227 : i32
    %sign3A_229 = arith.extui %sign3A_228 : i1 to i32
    %sign3A_230 = arith.subi %sign3A_226, %sign3A_229 : i32
    %sign3A_231 = arith.constant 0 : i32
    %sign3A_232 = arith.cmpi sgt, %jit3A_222, %sign3A_231 : i32
    %sign3A_233 = arith.extui %sign3A_232 : i1 to i32
    %sign3A_234 = arith.constant 0 : i32
    %sign3A_235 = arith.cmpi slt, %jit3A_222, %sign3A_234 : i32
    %sign3A_236 = arith.extui %sign3A_235 : i1 to i32
    %sign3A_237 = arith.subi %sign3A_233, %sign3A_236 : i32
    %ne3A_238 = arith.cmpi ne, %sign3A_230, %sign3A_237 : i32
    %rem3A_239 = arith.remsi %add3A_221, %jit3A_222 : i32
    %ne3A_240 = arith.constant 0 : i32
    %ne3A_241 = arith.cmpi ne, %rem3A_239, %ne3A_240 : i32
    %and3A_242 = arith.andi %ne3A_238, %ne3A_241 : i1
    %sub3A_243 = arith.constant 1 : i32
    %sub3A_244 = arith.subi %div3A_223, %sub3A_243 : i32
    %select_n3A_245 = arith.select %and3A_242, %sub3A_244, %div3A_223 : i32
    %eq3A_246 = arith.constant 4 : i32
    %eq3A_247 = vector.broadcast %eq3A_246 : i32 to vector<16xi32>
    %eq3A_248 = arith.cmpi eq, %iota3A, %eq3A_247 : vector<16xi32>
    %jit3A_249 = arith.constant 0 : i32
    %broadcast_in_dim3A_250 = vector.broadcast %add3A_218 : i32 to vector<16xi32>
    %broadcast_in_dim3A_251 = vector.broadcast %jit3A_249 : i32 to vector<16xi32>
    %select_n3A_252 = arith.select %eq3A_248, %broadcast_in_dim3A_250, %broadcast_in_dim3A_251 : vector<16xi1>, vector<16xi32>
    %add3A_253 = arith.addi %add3A_205, %select_n3A_252 : vector<16xi32>
    %eq3A_254 = arith.constant 4 : i32
    %eq3A_255 = vector.broadcast %eq3A_254 : i32 to vector<16xi32>
    %eq3A_256 = arith.cmpi eq, %iota3A, %eq3A_255 : vector<16xi32>
    %add3A_257 = arith.addi %add3A_218, %scan3A_27#4 : i32
    %jit3A_258 = arith.constant 0 : i32
    %broadcast_in_dim3A_259 = vector.broadcast %add3A_257 : i32 to vector<16xi32>
    %broadcast_in_dim3A_260 = vector.broadcast %jit3A_258 : i32 to vector<16xi32>
    %select_n3A_261 = arith.select %eq3A_256, %broadcast_in_dim3A_259, %broadcast_in_dim3A_260 : vector<16xi1>, vector<16xi32>
    %add3A_262 = arith.addi %add3A_214, %select_n3A_261 : vector<16xi32>
    %add3A_263 = arith.addi %add3A_215, %select_n3A_245 : i32
    %mul3A_264 = arith.constant 384 : i32
    %mul3A_265 = arith.muli %select_n3A_245, %mul3A_264 : i32
    %add3A_266 = arith.addi %add3A_218, %mul3A_265 : i32
    %add3A_267 = arith.addi %scan3A_27#5, %scan3A_27#13 : i32
    %add3A_268 = arith.constant 383 : i32
    %add3A_269 = arith.addi %add3A_267, %add3A_268 : i32
    %jit3A_270 = arith.constant 384 : i32
    %div3A_271 = arith.divsi %add3A_269, %jit3A_270 : i32
    %sign3A_272 = arith.constant 0 : i32
    %sign3A_273 = arith.cmpi sgt, %add3A_269, %sign3A_272 : i32
    %sign3A_274 = arith.extui %sign3A_273 : i1 to i32
    %sign3A_275 = arith.constant 0 : i32
    %sign3A_276 = arith.cmpi slt, %add3A_269, %sign3A_275 : i32
    %sign3A_277 = arith.extui %sign3A_276 : i1 to i32
    %sign3A_278 = arith.subi %sign3A_274, %sign3A_277 : i32
    %sign3A_279 = arith.constant 0 : i32
    %sign3A_280 = arith.cmpi sgt, %jit3A_270, %sign3A_279 : i32
    %sign3A_281 = arith.extui %sign3A_280 : i1 to i32
    %sign3A_282 = arith.constant 0 : i32
    %sign3A_283 = arith.cmpi slt, %jit3A_270, %sign3A_282 : i32
    %sign3A_284 = arith.extui %sign3A_283 : i1 to i32
    %sign3A_285 = arith.subi %sign3A_281, %sign3A_284 : i32
    %ne3A_286 = arith.cmpi ne, %sign3A_278, %sign3A_285 : i32
    %rem3A_287 = arith.remsi %add3A_269, %jit3A_270 : i32
    %ne3A_288 = arith.constant 0 : i32
    %ne3A_289 = arith.cmpi ne, %rem3A_287, %ne3A_288 : i32
    %and3A_290 = arith.andi %ne3A_286, %ne3A_289 : i1
    %sub3A_291 = arith.constant 1 : i32
    %sub3A_292 = arith.subi %div3A_271, %sub3A_291 : i32
    %select_n3A_293 = arith.select %and3A_290, %sub3A_292, %div3A_271 : i32
    %eq3A_294 = arith.constant 5 : i32
    %eq3A_295 = vector.broadcast %eq3A_294 : i32 to vector<16xi32>
    %eq3A_296 = arith.cmpi eq, %iota3A, %eq3A_295 : vector<16xi32>
    %jit3A_297 = arith.constant 0 : i32
    %broadcast_in_dim3A_298 = vector.broadcast %add3A_266 : i32 to vector<16xi32>
    %broadcast_in_dim3A_299 = vector.broadcast %jit3A_297 : i32 to vector<16xi32>
    %select_n3A_300 = arith.select %eq3A_296, %broadcast_in_dim3A_298, %broadcast_in_dim3A_299 : vector<16xi1>, vector<16xi32>
    %add3A_301 = arith.addi %add3A_253, %select_n3A_300 : vector<16xi32>
    %eq3A_302 = arith.constant 5 : i32
    %eq3A_303 = vector.broadcast %eq3A_302 : i32 to vector<16xi32>
    %eq3A_304 = arith.cmpi eq, %iota3A, %eq3A_303 : vector<16xi32>
    %add3A_305 = arith.addi %add3A_266, %scan3A_27#5 : i32
    %jit3A_306 = arith.constant 0 : i32
    %broadcast_in_dim3A_307 = vector.broadcast %add3A_305 : i32 to vector<16xi32>
    %broadcast_in_dim3A_308 = vector.broadcast %jit3A_306 : i32 to vector<16xi32>
    %select_n3A_309 = arith.select %eq3A_304, %broadcast_in_dim3A_307, %broadcast_in_dim3A_308 : vector<16xi1>, vector<16xi32>
    %add3A_310 = arith.addi %add3A_262, %select_n3A_309 : vector<16xi32>
    %add3A_311 = arith.addi %add3A_263, %select_n3A_293 : i32
    %mul3A_312 = arith.constant 384 : i32
    %mul3A_313 = arith.muli %select_n3A_293, %mul3A_312 : i32
    %add3A_314 = arith.addi %add3A_266, %mul3A_313 : i32
    %add3A_315 = arith.addi %scan3A_27#6, %scan3A_27#14 : i32
    %add3A_316 = arith.constant 383 : i32
    %add3A_317 = arith.addi %add3A_315, %add3A_316 : i32
    %jit3A_318 = arith.constant 384 : i32
    %div3A_319 = arith.divsi %add3A_317, %jit3A_318 : i32
    %sign3A_320 = arith.constant 0 : i32
    %sign3A_321 = arith.cmpi sgt, %add3A_317, %sign3A_320 : i32
    %sign3A_322 = arith.extui %sign3A_321 : i1 to i32
    %sign3A_323 = arith.constant 0 : i32
    %sign3A_324 = arith.cmpi slt, %add3A_317, %sign3A_323 : i32
    %sign3A_325 = arith.extui %sign3A_324 : i1 to i32
    %sign3A_326 = arith.subi %sign3A_322, %sign3A_325 : i32
    %sign3A_327 = arith.constant 0 : i32
    %sign3A_328 = arith.cmpi sgt, %jit3A_318, %sign3A_327 : i32
    %sign3A_329 = arith.extui %sign3A_328 : i1 to i32
    %sign3A_330 = arith.constant 0 : i32
    %sign3A_331 = arith.cmpi slt, %jit3A_318, %sign3A_330 : i32
    %sign3A_332 = arith.extui %sign3A_331 : i1 to i32
    %sign3A_333 = arith.subi %sign3A_329, %sign3A_332 : i32
    %ne3A_334 = arith.cmpi ne, %sign3A_326, %sign3A_333 : i32
    %rem3A_335 = arith.remsi %add3A_317, %jit3A_318 : i32
    %ne3A_336 = arith.constant 0 : i32
    %ne3A_337 = arith.cmpi ne, %rem3A_335, %ne3A_336 : i32
    %and3A_338 = arith.andi %ne3A_334, %ne3A_337 : i1
    %sub3A_339 = arith.constant 1 : i32
    %sub3A_340 = arith.subi %div3A_319, %sub3A_339 : i32
    %select_n3A_341 = arith.select %and3A_338, %sub3A_340, %div3A_319 : i32
    %eq3A_342 = arith.constant 6 : i32
    %eq3A_343 = vector.broadcast %eq3A_342 : i32 to vector<16xi32>
    %eq3A_344 = arith.cmpi eq, %iota3A, %eq3A_343 : vector<16xi32>
    %jit3A_345 = arith.constant 0 : i32
    %broadcast_in_dim3A_346 = vector.broadcast %add3A_314 : i32 to vector<16xi32>
    %broadcast_in_dim3A_347 = vector.broadcast %jit3A_345 : i32 to vector<16xi32>
    %select_n3A_348 = arith.select %eq3A_344, %broadcast_in_dim3A_346, %broadcast_in_dim3A_347 : vector<16xi1>, vector<16xi32>
    %add3A_349 = arith.addi %add3A_301, %select_n3A_348 : vector<16xi32>
    %eq3A_350 = arith.constant 6 : i32
    %eq3A_351 = vector.broadcast %eq3A_350 : i32 to vector<16xi32>
    %eq3A_352 = arith.cmpi eq, %iota3A, %eq3A_351 : vector<16xi32>
    %add3A_353 = arith.addi %add3A_314, %scan3A_27#6 : i32
    %jit3A_354 = arith.constant 0 : i32
    %broadcast_in_dim3A_355 = vector.broadcast %add3A_353 : i32 to vector<16xi32>
    %broadcast_in_dim3A_356 = vector.broadcast %jit3A_354 : i32 to vector<16xi32>
    %select_n3A_357 = arith.select %eq3A_352, %broadcast_in_dim3A_355, %broadcast_in_dim3A_356 : vector<16xi1>, vector<16xi32>
    %add3A_358 = arith.addi %add3A_310, %select_n3A_357 : vector<16xi32>
    %add3A_359 = arith.addi %add3A_311, %select_n3A_341 : i32
    %mul3A_360 = arith.constant 384 : i32
    %mul3A_361 = arith.muli %select_n3A_341, %mul3A_360 : i32
    %add3A_362 = arith.addi %add3A_314, %mul3A_361 : i32
    %add3A_363 = arith.addi %scan3A_27#7, %scan3A_27#15 : i32
    %add3A_364 = arith.constant 383 : i32
    %add3A_365 = arith.addi %add3A_363, %add3A_364 : i32
    %jit3A_366 = arith.constant 384 : i32
    %div3A_367 = arith.divsi %add3A_365, %jit3A_366 : i32
    %sign3A_368 = arith.constant 0 : i32
    %sign3A_369 = arith.cmpi sgt, %add3A_365, %sign3A_368 : i32
    %sign3A_370 = arith.extui %sign3A_369 : i1 to i32
    %sign3A_371 = arith.constant 0 : i32
    %sign3A_372 = arith.cmpi slt, %add3A_365, %sign3A_371 : i32
    %sign3A_373 = arith.extui %sign3A_372 : i1 to i32
    %sign3A_374 = arith.subi %sign3A_370, %sign3A_373 : i32
    %sign3A_375 = arith.constant 0 : i32
    %sign3A_376 = arith.cmpi sgt, %jit3A_366, %sign3A_375 : i32
    %sign3A_377 = arith.extui %sign3A_376 : i1 to i32
    %sign3A_378 = arith.constant 0 : i32
    %sign3A_379 = arith.cmpi slt, %jit3A_366, %sign3A_378 : i32
    %sign3A_380 = arith.extui %sign3A_379 : i1 to i32
    %sign3A_381 = arith.subi %sign3A_377, %sign3A_380 : i32
    %ne3A_382 = arith.cmpi ne, %sign3A_374, %sign3A_381 : i32
    %rem3A_383 = arith.remsi %add3A_365, %jit3A_366 : i32
    %ne3A_384 = arith.constant 0 : i32
    %ne3A_385 = arith.cmpi ne, %rem3A_383, %ne3A_384 : i32
    %and3A_386 = arith.andi %ne3A_382, %ne3A_385 : i1
    %sub3A_387 = arith.constant 1 : i32
    %sub3A_388 = arith.subi %div3A_367, %sub3A_387 : i32
    %select_n3A_389 = arith.select %and3A_386, %sub3A_388, %div3A_367 : i32
    %eq3A_390 = arith.constant 7 : i32
    %eq3A_391 = vector.broadcast %eq3A_390 : i32 to vector<16xi32>
    %eq3A_392 = arith.cmpi eq, %iota3A, %eq3A_391 : vector<16xi32>
    %jit3A_393 = arith.constant 0 : i32
    %broadcast_in_dim3A_394 = vector.broadcast %add3A_362 : i32 to vector<16xi32>
    %broadcast_in_dim3A_395 = vector.broadcast %jit3A_393 : i32 to vector<16xi32>
    %select_n3A_396 = arith.select %eq3A_392, %broadcast_in_dim3A_394, %broadcast_in_dim3A_395 : vector<16xi1>, vector<16xi32>
    %add3A_397 = arith.addi %add3A_349, %select_n3A_396 : vector<16xi32>
    %eq3A_398 = arith.constant 7 : i32
    %eq3A_399 = vector.broadcast %eq3A_398 : i32 to vector<16xi32>
    %eq3A_400 = arith.cmpi eq, %iota3A, %eq3A_399 : vector<16xi32>
    %add3A_401 = arith.addi %add3A_362, %scan3A_27#7 : i32
    %jit3A_402 = arith.constant 0 : i32
    %broadcast_in_dim3A_403 = vector.broadcast %add3A_401 : i32 to vector<16xi32>
    %broadcast_in_dim3A_404 = vector.broadcast %jit3A_402 : i32 to vector<16xi32>
    %select_n3A_405 = arith.select %eq3A_400, %broadcast_in_dim3A_403, %broadcast_in_dim3A_404 : vector<16xi1>, vector<16xi32>
    %add3A_406 = arith.addi %add3A_358, %select_n3A_405 : vector<16xi32>
    %add3A_407 = arith.addi %add3A_359, %select_n3A_389 : i32
    %mul3A_408 = arith.constant 384 : i32
    %mul3A_409 = arith.muli %select_n3A_389, %mul3A_408 : i32
    %add3A_410 = arith.addi %add3A_362, %mul3A_409 : i32
    %swap3A = arith.constant 0 : index
    %swap3A_411 = tpu.vector_load %arg19[%swap3A] {strides = array<i32>} : memref<16xi32, #tpu.memory_space<vmem>>, vector<16xi32>,
    tpu.vector_store %arg19[%swap3A], %add3A_397 {strides = array<i32>} : memref<16xi32, #tpu.memory_space<vmem>>, vector<16xi32>,
    %swap3A_412 = arith.constant 0 : index
    %swap3A_413 = tpu.vector_load %arg20[%swap3A_412] {strides = array<i32>} : memref<16xi32, #tpu.memory_space<vmem>>, vector<16xi32>,
    tpu.vector_store %arg20[%swap3A_412], %add3A_406 {strides = array<i32>} : memref<16xi32, #tpu.memory_space<vmem>>, vector<16xi32>,
    %eq3A_414 = arith.constant 0 : i32
    %eq3A_415 = arith.cmpi eq, %add3A, %eq3A_414 : i32
    %convert_element_type3A = arith.extui %eq3A_415 : i1 to i32
    %cond3A = arith.constant 0 : i32
    %cond3A_416 = arith.cmpi ne, %convert_element_type3A, %cond3A : i32
    scf.if %cond3A_416 {
      %broadcast_in_dim3A_658 = arith.constant 0 : i32
      %broadcast_in_dim3A_659 = vector.broadcast %broadcast_in_dim3A_658 : i32 to vector<16xi32>
      %broadcast_in_dim3A_660 = arith.constant 0 : i32
      %broadcast_in_dim3A_661 = vector.broadcast %broadcast_in_dim3A_660 : i32 to vector<16xi32>
      %ge3A = vector.broadcast %add3A_70 : i32 to vector<16xi32>
      %ge3A_662 = arith.cmpi sge, %iota3A, %ge3A : vector<16xi32>
      %convert_element_type3A_663 = arith.extui %ge3A_662 : vector<16xi1> to vector<16xi32>
      %add3A_664 = arith.addi %broadcast_in_dim3A_659, %convert_element_type3A_663 : vector<16xi32>
      %add3A_665 = arith.constant 16 : i32
      %add3A_666 = vector.broadcast %add3A_665 : i32 to vector<16xi32>
      %add3A_667 = arith.addi %iota3A, %add3A_666 : vector<16xi32>
      %ge3A_668 = vector.broadcast %add3A_70 : i32 to vector<16xi32>
      %ge3A_669 = arith.cmpi sge, %add3A_667, %ge3A_668 : vector<16xi32>
      %convert_element_type3A_670 = arith.extui %ge3A_669 : vector<16xi1> to vector<16xi32>
      %add3A_671 = arith.addi %broadcast_in_dim3A_661, %convert_element_type3A_670 : vector<16xi32>
      %ge3A_672 = vector.broadcast %add3A_119 : i32 to vector<16xi32>
      %ge3A_673 = arith.cmpi sge, %iota3A, %ge3A_672 : vector<16xi32>
      %convert_element_type3A_674 = arith.extui %ge3A_673 : vector<16xi1> to vector<16xi32>
      %add3A_675 = arith.addi %add3A_664, %convert_element_type3A_674 : vector<16xi32>
      %add3A_676 = arith.constant 16 : i32
      %add3A_677 = vector.broadcast %add3A_676 : i32 to vector<16xi32>
      %add3A_678 = arith.addi %iota3A, %add3A_677 : vector<16xi32>
      %ge3A_679 = vector.broadcast %add3A_119 : i32 to vector<16xi32>
      %ge3A_680 = arith.cmpi sge, %add3A_678, %ge3A_679 : vector<16xi32>
      %convert_element_type3A_681 = arith.extui %ge3A_680 : vector<16xi1> to vector<16xi32>
      %add3A_682 = arith.addi %add3A_671, %convert_element_type3A_681 : vector<16xi32>
      %ge3A_683 = vector.broadcast %add3A_167 : i32 to vector<16xi32>
      %ge3A_684 = arith.cmpi sge, %iota3A, %ge3A_683 : vector<16xi32>
      %convert_element_type3A_685 = arith.extui %ge3A_684 : vector<16xi1> to vector<16xi32>
      %add3A_686 = arith.addi %add3A_675, %convert_element_type3A_685 : vector<16xi32>
      %add3A_687 = arith.constant 16 : i32
      %add3A_688 = vector.broadcast %add3A_687 : i32 to vector<16xi32>
      %add3A_689 = arith.addi %iota3A, %add3A_688 : vector<16xi32>
      %ge3A_690 = vector.broadcast %add3A_167 : i32 to vector<16xi32>
      %ge3A_691 = arith.cmpi sge, %add3A_689, %ge3A_690 : vector<16xi32>
      %convert_element_type3A_692 = arith.extui %ge3A_691 : vector<16xi1> to vector<16xi32>
      %add3A_693 = arith.addi %add3A_682, %convert_element_type3A_692 : vector<16xi32>
      %ge3A_694 = vector.broadcast %add3A_215 : i32 to vector<16xi32>
      %ge3A_695 = arith.cmpi sge, %iota3A, %ge3A_694 : vector<16xi32>
      %convert_element_type3A_696 = arith.extui %ge3A_695 : vector<16xi1> to vector<16xi32>
      %add3A_697 = arith.addi %add3A_686, %convert_element_type3A_696 : vector<16xi32>
      %add3A_698 = arith.constant 16 : i32
      %add3A_699 = vector.broadcast %add3A_698 : i32 to vector<16xi32>
      %add3A_700 = arith.addi %iota3A, %add3A_699 : vector<16xi32>
      %ge3A_701 = vector.broadcast %add3A_215 : i32 to vector<16xi32>
      %ge3A_702 = arith.cmpi sge, %add3A_700, %ge3A_701 : vector<16xi32>
      %convert_element_type3A_703 = arith.extui %ge3A_702 : vector<16xi1> to vector<16xi32>
      %add3A_704 = arith.addi %add3A_693, %convert_element_type3A_703 : vector<16xi32>
      %ge3A_705 = vector.broadcast %add3A_263 : i32 to vector<16xi32>
      %ge3A_706 = arith.cmpi sge, %iota3A, %ge3A_705 : vector<16xi32>
      %convert_element_type3A_707 = arith.extui %ge3A_706 : vector<16xi1> to vector<16xi32>
      %add3A_708 = arith.addi %add3A_697, %convert_element_type3A_707 : vector<16xi32>
      %add3A_709 = arith.constant 16 : i32
      %add3A_710 = vector.broadcast %add3A_709 : i32 to vector<16xi32>
      %add3A_711 = arith.addi %iota3A, %add3A_710 : vector<16xi32>
      %ge3A_712 = vector.broadcast %add3A_263 : i32 to vector<16xi32>
      %ge3A_713 = arith.cmpi sge, %add3A_711, %ge3A_712 : vector<16xi32>
      %convert_element_type3A_714 = arith.extui %ge3A_713 : vector<16xi1> to vector<16xi32>
      %add3A_715 = arith.addi %add3A_704, %convert_element_type3A_714 : vector<16xi32>
      %ge3A_716 = vector.broadcast %add3A_311 : i32 to vector<16xi32>
      %ge3A_717 = arith.cmpi sge, %iota3A, %ge3A_716 : vector<16xi32>
      %convert_element_type3A_718 = arith.extui %ge3A_717 : vector<16xi1> to vector<16xi32>
      %add3A_719 = arith.addi %add3A_708, %convert_element_type3A_718 : vector<16xi32>
      %add3A_720 = arith.constant 16 : i32
      %add3A_721 = vector.broadcast %add3A_720 : i32 to vector<16xi32>
      %add3A_722 = arith.addi %iota3A, %add3A_721 : vector<16xi32>
      %ge3A_723 = vector.broadcast %add3A_311 : i32 to vector<16xi32>
      %ge3A_724 = arith.cmpi sge, %add3A_722, %ge3A_723 : vector<16xi32>
      %convert_element_type3A_725 = arith.extui %ge3A_724 : vector<16xi1> to vector<16xi32>
      %add3A_726 = arith.addi %add3A_715, %convert_element_type3A_725 : vector<16xi32>
      %ge3A_727 = vector.broadcast %add3A_359 : i32 to vector<16xi32>
      %ge3A_728 = arith.cmpi sge, %iota3A, %ge3A_727 : vector<16xi32>
      %convert_element_type3A_729 = arith.extui %ge3A_728 : vector<16xi1> to vector<16xi32>
      %add3A_730 = arith.addi %add3A_719, %convert_element_type3A_729 : vector<16xi32>
      %add3A_731 = arith.constant 16 : i32
      %add3A_732 = vector.broadcast %add3A_731 : i32 to vector<16xi32>
      %add3A_733 = arith.addi %iota3A, %add3A_732 : vector<16xi32>
      %ge3A_734 = vector.broadcast %add3A_359 : i32 to vector<16xi32>
      %ge3A_735 = arith.cmpi sge, %add3A_733, %ge3A_734 : vector<16xi32>
      %convert_element_type3A_736 = arith.extui %ge3A_735 : vector<16xi1> to vector<16xi32>
      %add3A_737 = arith.addi %add3A_726, %convert_element_type3A_736 : vector<16xi32>
      %add3A_738 = arith.constant 16 : i32
      %add3A_739 = vector.broadcast %add3A_738 : i32 to vector<16xi32>
      %add3A_740 = arith.addi %iota3A, %add3A_739 : vector<16xi32>
      %eq3A_741 = arith.constant 24 : i32
      %eq3A_742 = vector.broadcast %eq3A_741 : i32 to vector<16xi32>
      %eq3A_743 = arith.cmpi eq, %add3A_740, %eq3A_742 : vector<16xi32>
      %broadcast_in_dim3A_744 = vector.broadcast %add3A_407 : i32 to vector<16xi32>
      %select_n3A_745 = arith.select %eq3A_743, %broadcast_in_dim3A_744, %add3A_737 : vector<16xi1>, vector<16xi32>
      %swap3A_746 = arith.constant 0 : index
      %swap3A_747 = tpu.vector_load %arg21[%swap3A_746] {strides = array<i32>} : memref<32xi32, #tpu.memory_space<vmem>>, vector<16xi32>,
      tpu.vector_store %arg21[%swap3A_746], %add3A_730 {strides = array<i32>} : memref<32xi32, #tpu.memory_space<vmem>>, vector<16xi32>,
      %swap3A_748 = arith.constant 16 : index
      %swap3A_749 = tpu.vector_load %arg21[%swap3A_748] {strides = array<i32>} : memref<32xi32, #tpu.memory_space<vmem>>, vector<16xi32>,
      tpu.vector_store %arg21[%swap3A_748], %select_n3A_745 {strides = array<i32>} : memref<32xi32, #tpu.memory_space<vmem>>, vector<16xi32>,
      "tpu.region"() ({
        %run_scoped3A = tpu.sem_alloc : memref<!tpu.dma_semaphore, #tpu.memory_space<semaphore_mem>>
        tpu.enqueue_dma source(%arg21 : memref<32xi32, #tpu.memory_space<vmem>>) target(%arg8 : memref<32xi32, #tpu.memory_space<hbm>>) target_semaphore(%run_scoped3A : memref<!tpu.dma_semaphore, #tpu.memory_space<semaphore_mem>>)
        tpu.wait_dma2 semaphore(%run_scoped3A : memref<!tpu.dma_semaphore, #tpu.memory_space<semaphore_mem>>) src(%arg21 : memref<32xi32, #tpu.memory_space<vmem>>) dst(%arg8 : memref<32xi32, #tpu.memory_space<hbm>>)
        tpu.yield
      }) : () -> ()
    } else {
    }
    %get3A = arith.constant 0 : index
    %get3A_417 = tpu.vector_load %arg11[%get3A] {strides = array<i32>} : memref<64xi32, #tpu.memory_space<vmem>>, vector<16xi32>,
    %get3A_418 = arith.constant 0 : index
    %get3A_419 = tpu.vector_load %arg12[%get3A_418] {strides = array<i32>} : memref<64xi32, #tpu.memory_space<vmem>>, vector<16xi32>,
    %gather3A = tpu.vector_load_idx %arg19[%get3A_417] : memref<16xi32, #tpu.memory_space<vmem>>[vector<16xi32>], vector<16xi32>,
    %get3A_420 = arith.constant 0 : index
    %get3A_421 = tpu.vector_load %arg13[%get3A_420] {strides = array<i32>} : memref<64xi32, #tpu.memory_space<vmem>>, vector<16xi32>,
    %add3A_422 = arith.addi %gather3A, %get3A_421 : vector<16xi32>
    %gather3A_423 = tpu.vector_load_idx %arg20[%get3A_419] : memref<16xi32, #tpu.memory_space<vmem>>[vector<16xi32>], vector<16xi32>,
    %get3A_424 = arith.constant 0 : index
    %get3A_425 = tpu.vector_load %arg14[%get3A_424] {strides = array<i32>} : memref<64xi32, #tpu.memory_space<vmem>>, vector<16xi32>,
    %add3A_426 = arith.addi %gather3A_423, %get3A_425 : vector<16xi32>
    %swap3A_427 = arith.constant 0 : i32
    %swap3A_428 = arith.index_cast %swap3A_427 : i32 to index
    %swap3A_429 = arith.constant 0 : index
    %swap3A_430 = tpu.vector_load %arg17[%swap3A_428, %swap3A_429] {strides = array<i32>} : memref<4x16xi32, #tpu.memory_space<vmem>>, vector<16xi32>,
    tpu.vector_store %arg17[%swap3A_428, %swap3A_429], %add3A_422 {strides = array<i32>} : memref<4x16xi32, #tpu.memory_space<vmem>>, vector<16xi32>,
    %swap3A_431 = arith.constant 0 : i32
    %swap3A_432 = arith.index_cast %swap3A_431 : i32 to index
    %swap3A_433 = arith.constant 0 : index
    %swap3A_434 = tpu.vector_load %arg18[%swap3A_432, %swap3A_433] {strides = array<i32>} : memref<4x16xi32, #tpu.memory_space<vmem>>, vector<16xi32>,
    tpu.vector_store %arg18[%swap3A_432, %swap3A_433], %add3A_426 {strides = array<i32>} : memref<4x16xi32, #tpu.memory_space<vmem>>, vector<16xi32>,
    %get3A_435 = arith.constant 16 : index
    %get3A_436 = tpu.vector_load %arg11[%get3A_435] {strides = array<i32>} : memref<64xi32, #tpu.memory_space<vmem>>, vector<16xi32>,
    %get3A_437 = arith.constant 16 : index
    %get3A_438 = tpu.vector_load %arg12[%get3A_437] {strides = array<i32>} : memref<64xi32, #tpu.memory_space<vmem>>, vector<16xi32>,
    %gather3A_439 = tpu.vector_load_idx %arg19[%get3A_436] : memref<16xi32, #tpu.memory_space<vmem>>[vector<16xi32>], vector<16xi32>,
    %get3A_440 = arith.constant 16 : index
    %get3A_441 = tpu.vector_load %arg13[%get3A_440] {strides = array<i32>} : memref<64xi32, #tpu.memory_space<vmem>>, vector<16xi32>,
    %add3A_442 = arith.addi %gather3A_439, %get3A_441 : vector<16xi32>
    %gather3A_443 = tpu.vector_load_idx %arg20[%get3A_438] : memref<16xi32, #tpu.memory_space<vmem>>[vector<16xi32>], vector<16xi32>,
    %get3A_444 = arith.constant 16 : index
    %get3A_445 = tpu.vector_load %arg14[%get3A_444] {strides = array<i32>} : memref<64xi32, #tpu.memory_space<vmem>>, vector<16xi32>,
    %add3A_446 = arith.addi %gather3A_443, %get3A_445 : vector<16xi32>
    %swap3A_447 = arith.constant 1 : i32
    %swap3A_448 = arith.index_cast %swap3A_447 : i32 to index
    %swap3A_449 = arith.constant 0 : index
    %swap3A_450 = tpu.vector_load %arg17[%swap3A_448, %swap3A_449] {strides = array<i32>} : memref<4x16xi32, #tpu.memory_space<vmem>>, vector<16xi32>,
    tpu.vector_store %arg17[%swap3A_448, %swap3A_449], %add3A_442 {strides = array<i32>} : memref<4x16xi32, #tpu.memory_space<vmem>>, vector<16xi32>,
    %swap3A_451 = arith.constant 1 : i32
    %swap3A_452 = arith.index_cast %swap3A_451 : i32 to index
    %swap3A_453 = arith.constant 0 : index
    %swap3A_454 = tpu.vector_load %arg18[%swap3A_452, %swap3A_453] {strides = array<i32>} : memref<4x16xi32, #tpu.memory_space<vmem>>, vector<16xi32>,
    tpu.vector_store %arg18[%swap3A_452, %swap3A_453], %add3A_446 {strides = array<i32>} : memref<4x16xi32, #tpu.memory_space<vmem>>, vector<16xi32>,
    %get3A_455 = arith.constant 32 : index
    %get3A_456 = tpu.vector_load %arg11[%get3A_455] {strides = array<i32>} : memref<64xi32, #tpu.memory_space<vmem>>, vector<16xi32>,
    %get3A_457 = arith.constant 32 : index
    %get3A_458 = tpu.vector_load %arg12[%get3A_457] {strides = array<i32>} : memref<64xi32, #tpu.memory_space<vmem>>, vector<16xi32>,
    %gather3A_459 = tpu.vector_load_idx %arg19[%get3A_456] : memref<16xi32, #tpu.memory_space<vmem>>[vector<16xi32>], vector<16xi32>,
    %get3A_460 = arith.constant 32 : index
    %get3A_461 = tpu.vector_load %arg13[%get3A_460] {strides = array<i32>} : memref<64xi32, #tpu.memory_space<vmem>>, vector<16xi32>,
    %add3A_462 = arith.addi %gather3A_459, %get3A_461 : vector<16xi32>
    %gather3A_463 = tpu.vector_load_idx %arg20[%get3A_458] : memref<16xi32, #tpu.memory_space<vmem>>[vector<16xi32>], vector<16xi32>,
    %get3A_464 = arith.constant 32 : index
    %get3A_465 = tpu.vector_load %arg14[%get3A_464] {strides = array<i32>} : memref<64xi32, #tpu.memory_space<vmem>>, vector<16xi32>,
    %add3A_466 = arith.addi %gather3A_463, %get3A_465 : vector<16xi32>
    %swap3A_467 = arith.constant 2 : i32
    %swap3A_468 = arith.index_cast %swap3A_467 : i32 to index
    %swap3A_469 = arith.constant 0 : index
    %swap3A_470 = tpu.vector_load %arg17[%swap3A_468, %swap3A_469] {strides = array<i32>} : memref<4x16xi32, #tpu.memory_space<vmem>>, vector<16xi32>,
    tpu.vector_store %arg17[%swap3A_468, %swap3A_469], %add3A_462 {strides = array<i32>} : memref<4x16xi32, #tpu.memory_space<vmem>>, vector<16xi32>,
    %swap3A_471 = arith.constant 2 : i32
    %swap3A_472 = arith.index_cast %swap3A_471 : i32 to index
    %swap3A_473 = arith.constant 0 : index
    %swap3A_474 = tpu.vector_load %arg18[%swap3A_472, %swap3A_473] {strides = array<i32>} : memref<4x16xi32, #tpu.memory_space<vmem>>, vector<16xi32>,
    tpu.vector_store %arg18[%swap3A_472, %swap3A_473], %add3A_466 {strides = array<i32>} : memref<4x16xi32, #tpu.memory_space<vmem>>, vector<16xi32>,
    %get3A_475 = arith.constant 48 : index
    %get3A_476 = tpu.vector_load %arg11[%get3A_475] {strides = array<i32>} : memref<64xi32, #tpu.memory_space<vmem>>, vector<16xi32>,
    %get3A_477 = arith.constant 48 : index
    %get3A_478 = tpu.vector_load %arg12[%get3A_477] {strides = array<i32>} : memref<64xi32, #tpu.memory_space<vmem>>, vector<16xi32>,
    %gather3A_479 = tpu.vector_load_idx %arg19[%get3A_476] : memref<16xi32, #tpu.memory_space<vmem>>[vector<16xi32>], vector<16xi32>,
    %get3A_480 = arith.constant 48 : index
    %get3A_481 = tpu.vector_load %arg13[%get3A_480] {strides = array<i32>} : memref<64xi32, #tpu.memory_space<vmem>>, vector<16xi32>,
    %add3A_482 = arith.addi %gather3A_479, %get3A_481 : vector<16xi32>
    %gather3A_483 = tpu.vector_load_idx %arg20[%get3A_478] : memref<16xi32, #tpu.memory_space<vmem>>[vector<16xi32>], vector<16xi32>,
    %get3A_484 = arith.constant 48 : index
    %get3A_485 = tpu.vector_load %arg14[%get3A_484] {strides = array<i32>} : memref<64xi32, #tpu.memory_space<vmem>>, vector<16xi32>,
    %add3A_486 = arith.addi %gather3A_483, %get3A_485 : vector<16xi32>
    %swap3A_487 = arith.constant 3 : i32
    %swap3A_488 = arith.index_cast %swap3A_487 : i32 to index
    %swap3A_489 = arith.constant 0 : index
    %swap3A_490 = tpu.vector_load %arg17[%swap3A_488, %swap3A_489] {strides = array<i32>} : memref<4x16xi32, #tpu.memory_space<vmem>>, vector<16xi32>,
    tpu.vector_store %arg17[%swap3A_488, %swap3A_489], %add3A_482 {strides = array<i32>} : memref<4x16xi32, #tpu.memory_space<vmem>>, vector<16xi32>,
    %swap3A_491 = arith.constant 3 : i32
    %swap3A_492 = arith.index_cast %swap3A_491 : i32 to index
    %swap3A_493 = arith.constant 0 : index
    %swap3A_494 = tpu.vector_load %arg18[%swap3A_492, %swap3A_493] {strides = array<i32>} : memref<4x16xi32, #tpu.memory_space<vmem>>, vector<16xi32>,
    tpu.vector_store %arg18[%swap3A_492, %swap3A_493], %add3A_486 {strides = array<i32>} : memref<4x16xi32, #tpu.memory_space<vmem>>, vector<16xi32>,
    "tpu.region"() ({
      %run_scoped3A = tpu.sem_alloc : memref<!tpu.dma_semaphore, #tpu.memory_space<semaphore_mem>>
      %dma_start3A_658 = arith.constant 0 : i32
      %dma_start3A_659 = arith.constant 0 : i32
      %dma_start3A_660 = tpu.memref_slice %arg4[%add3A, %dma_start3A_658, %dma_start3A_659] : memref<32x4x16xi32, #tpu.memory_space<hbm>> -> memref<1x4x16xi32, #tpu.memory_space<hbm>>
      %dma_start3A_661 = tpu.memref_squeeze %dma_start3A_660 : memref<1x4x16xi32, #tpu.memory_space<hbm>> -> memref<4x16xi32, #tpu.memory_space<hbm>>
      %dma_start3A_662 = arith.constant 0 : i32
      %dma_start3A_663 = arith.constant 0 : i32
      %dma_start3A_664 = tpu.memref_slice %arg4[%add3A, %dma_start3A_662, %dma_start3A_663] : memref<32x4x16xi32, #tpu.memory_space<hbm>> -> memref<1x4x16xi32, #tpu.memory_space<hbm>>
      %dma_start3A_665 = tpu.memref_squeeze %dma_start3A_664 : memref<1x4x16xi32, #tpu.memory_space<hbm>> -> memref<4x16xi32, #tpu.memory_space<hbm>>
      tpu.enqueue_dma source(%arg17 : memref<4x16xi32, #tpu.memory_space<vmem>>) target(%dma_start3A_665 : memref<4x16xi32, #tpu.memory_space<hbm>>) target_semaphore(%run_scoped3A : memref<!tpu.dma_semaphore, #tpu.memory_space<semaphore_mem>>)
      %dma_wait3A_666 = arith.constant 0 : i32
      %dma_wait3A_667 = arith.constant 0 : i32
      %dma_wait3A_668 = tpu.memref_slice %arg4[%add3A, %dma_wait3A_666, %dma_wait3A_667] : memref<32x4x16xi32, #tpu.memory_space<hbm>> -> memref<1x4x16xi32, #tpu.memory_space<hbm>>
      %dma_wait3A_669 = tpu.memref_squeeze %dma_wait3A_668 : memref<1x4x16xi32, #tpu.memory_space<hbm>> -> memref<4x16xi32, #tpu.memory_space<hbm>>
      %dma_wait3A_670 = arith.constant 0 : i32
      %dma_wait3A_671 = arith.constant 0 : i32
      %dma_wait3A_672 = tpu.memref_slice %arg4[%add3A, %dma_wait3A_670, %dma_wait3A_671] : memref<32x4x16xi32, #tpu.memory_space<hbm>> -> memref<1x4x16xi32, #tpu.memory_space<hbm>>
      %dma_wait3A_673 = tpu.memref_squeeze %dma_wait3A_672 : memref<1x4x16xi32, #tpu.memory_space<hbm>> -> memref<4x16xi32, #tpu.memory_space<hbm>>
      tpu.wait_dma2 semaphore(%run_scoped3A : memref<!tpu.dma_semaphore, #tpu.memory_space<semaphore_mem>>) src(%arg17 : memref<4x16xi32, #tpu.memory_space<vmem>>) dst(%dma_wait3A_673 : memref<4x16xi32, #tpu.memory_space<hbm>>)
      tpu.yield
    }) : () -> ()
    "tpu.region"() ({
      %run_scoped3A = tpu.sem_alloc : memref<!tpu.dma_semaphore, #tpu.memory_space<semaphore_mem>>
      %dma_start3A_658 = arith.constant 0 : i32
      %dma_start3A_659 = arith.constant 0 : i32
      %dma_start3A_660 = tpu.memref_slice %arg5[%add3A, %dma_start3A_658, %dma_start3A_659] : memref<32x4x16xi32, #tpu.memory_space<hbm>> -> memref<1x4x16xi32, #tpu.memory_space<hbm>>
      %dma_start3A_661 = tpu.memref_squeeze %dma_start3A_660 : memref<1x4x16xi32, #tpu.memory_space<hbm>> -> memref<4x16xi32, #tpu.memory_space<hbm>>
      %dma_start3A_662 = arith.constant 0 : i32
      %dma_start3A_663 = arith.constant 0 : i32
      %dma_start3A_664 = tpu.memref_slice %arg5[%add3A, %dma_start3A_662, %dma_start3A_663] : memref<32x4x16xi32, #tpu.memory_space<hbm>> -> memref<1x4x16xi32, #tpu.memory_space<hbm>>
      %dma_start3A_665 = tpu.memref_squeeze %dma_start3A_664 : memref<1x4x16xi32, #tpu.memory_space<hbm>> -> memref<4x16xi32, #tpu.memory_space<hbm>>
      tpu.enqueue_dma source(%arg18 : memref<4x16xi32, #tpu.memory_space<vmem>>) target(%dma_start3A_665 : memref<4x16xi32, #tpu.memory_space<hbm>>) target_semaphore(%run_scoped3A : memref<!tpu.dma_semaphore, #tpu.memory_space<semaphore_mem>>)
      %dma_wait3A_666 = arith.constant 0 : i32
      %dma_wait3A_667 = arith.constant 0 : i32
      %dma_wait3A_668 = tpu.memref_slice %arg5[%add3A, %dma_wait3A_666, %dma_wait3A_667] : memref<32x4x16xi32, #tpu.memory_space<hbm>> -> memref<1x4x16xi32, #tpu.memory_space<hbm>>
      %dma_wait3A_669 = tpu.memref_squeeze %dma_wait3A_668 : memref<1x4x16xi32, #tpu.memory_space<hbm>> -> memref<4x16xi32, #tpu.memory_space<hbm>>
      %dma_wait3A_670 = arith.constant 0 : i32
      %dma_wait3A_671 = arith.constant 0 : i32
      %dma_wait3A_672 = tpu.memref_slice %arg5[%add3A, %dma_wait3A_670, %dma_wait3A_671] : memref<32x4x16xi32, #tpu.memory_space<hbm>> -> memref<1x4x16xi32, #tpu.memory_space<hbm>>
      %dma_wait3A_673 = tpu.memref_squeeze %dma_wait3A_672 : memref<1x4x16xi32, #tpu.memory_space<hbm>> -> memref<4x16xi32, #tpu.memory_space<hbm>>
      tpu.wait_dma2 semaphore(%run_scoped3A : memref<!tpu.dma_semaphore, #tpu.memory_space<semaphore_mem>>) src(%arg18 : memref<4x16xi32, #tpu.memory_space<vmem>>) dst(%dma_wait3A_673 : memref<4x16xi32, #tpu.memory_space<hbm>>)
      tpu.yield
    }) : () -> ()
    "tpu.region"() ({
      %run_scoped3A = tpu.sem_alloc : memref<!tpu.dma_semaphore, #tpu.memory_space<semaphore_mem>>
      %dma_start3A_658 = arith.constant 0 : i32
      %dma_start3A_659 = tpu.memref_slice %arg6[%add3A, %dma_start3A_658] : memref<32x64xf32, #tpu.memory_space<hbm>> -> memref<1x64xf32, #tpu.memory_space<hbm>>
      %dma_start3A_660 = tpu.memref_squeeze %dma_start3A_659 : memref<1x64xf32, #tpu.memory_space<hbm>> -> memref<64xf32, #tpu.memory_space<hbm>>
      %dma_start3A_661 = arith.constant 0 : i32
      %dma_start3A_662 = tpu.memref_slice %arg6[%add3A, %dma_start3A_661] : memref<32x64xf32, #tpu.memory_space<hbm>> -> memref<1x64xf32, #tpu.memory_space<hbm>>
      %dma_start3A_663 = tpu.memref_squeeze %dma_start3A_662 : memref<1x64xf32, #tpu.memory_space<hbm>> -> memref<64xf32, #tpu.memory_space<hbm>>
      tpu.enqueue_dma source(%arg15 : memref<64xf32, #tpu.memory_space<vmem>>) target(%dma_start3A_663 : memref<64xf32, #tpu.memory_space<hbm>>) target_semaphore(%run_scoped3A : memref<!tpu.dma_semaphore, #tpu.memory_space<semaphore_mem>>)
      %dma_wait3A_664 = arith.constant 0 : i32
      %dma_wait3A_665 = tpu.memref_slice %arg6[%add3A, %dma_wait3A_664] : memref<32x64xf32, #tpu.memory_space<hbm>> -> memref<1x64xf32, #tpu.memory_space<hbm>>
      %dma_wait3A_666 = tpu.memref_squeeze %dma_wait3A_665 : memref<1x64xf32, #tpu.memory_space<hbm>> -> memref<64xf32, #tpu.memory_space<hbm>>
      %dma_wait3A_667 = arith.constant 0 : i32
      %dma_wait3A_668 = tpu.memref_slice %arg6[%add3A, %dma_wait3A_667] : memref<32x64xf32, #tpu.memory_space<hbm>> -> memref<1x64xf32, #tpu.memory_space<hbm>>
      %dma_wait3A_669 = tpu.memref_squeeze %dma_wait3A_668 : memref<1x64xf32, #tpu.memory_space<hbm>> -> memref<64xf32, #tpu.memory_space<hbm>>
      tpu.wait_dma2 semaphore(%run_scoped3A : memref<!tpu.dma_semaphore, #tpu.memory_space<semaphore_mem>>) src(%arg15 : memref<64xf32, #tpu.memory_space<vmem>>) dst(%dma_wait3A_669 : memref<64xf32, #tpu.memory_space<hbm>>)
      tpu.yield
    }) : () -> ()
    "tpu.region"() ({
      %run_scoped3A = tpu.sem_alloc : memref<!tpu.dma_semaphore, #tpu.memory_space<semaphore_mem>>
      %dma_start3A_658 = arith.constant 0 : i32
      %dma_start3A_659 = tpu.memref_slice %arg7[%add3A, %dma_start3A_658] : memref<32x64xf32, #tpu.memory_space<hbm>> -> memref<1x64xf32, #tpu.memory_space<hbm>>
      %dma_start3A_660 = tpu.memref_squeeze %dma_start3A_659 : memref<1x64xf32, #tpu.memory_space<hbm>> -> memref<64xf32, #tpu.memory_space<hbm>>
      %dma_start3A_661 = arith.constant 0 : i32
      %dma_start3A_662 = tpu.memref_slice %arg7[%add3A, %dma_start3A_661] : memref<32x64xf32, #tpu.memory_space<hbm>> -> memref<1x64xf32, #tpu.memory_space<hbm>>
      %dma_start3A_663 = tpu.memref_squeeze %dma_start3A_662 : memref<1x64xf32, #tpu.memory_space<hbm>> -> memref<64xf32, #tpu.memory_space<hbm>>
      tpu.enqueue_dma source(%arg16 : memref<64xf32, #tpu.memory_space<vmem>>) target(%dma_start3A_663 : memref<64xf32, #tpu.memory_space<hbm>>) target_semaphore(%run_scoped3A : memref<!tpu.dma_semaphore, #tpu.memory_space<semaphore_mem>>)
      %dma_wait3A_664 = arith.constant 0 : i32
      %dma_wait3A_665 = tpu.memref_slice %arg7[%add3A, %dma_wait3A_664] : memref<32x64xf32, #tpu.memory_space<hbm>> -> memref<1x64xf32, #tpu.memory_space<hbm>>
      %dma_wait3A_666 = tpu.memref_squeeze %dma_wait3A_665 : memref<1x64xf32, #tpu.memory_space<hbm>> -> memref<64xf32, #tpu.memory_space<hbm>>
      %dma_wait3A_667 = arith.constant 0 : i32
      %dma_wait3A_668 = tpu.memref_slice %arg7[%add3A, %dma_wait3A_667] : memref<32x64xf32, #tpu.memory_space<hbm>> -> memref<1x64xf32, #tpu.memory_space<hbm>>
      %dma_wait3A_669 = tpu.memref_squeeze %dma_wait3A_668 : memref<1x64xf32, #tpu.memory_space<hbm>> -> memref<64xf32, #tpu.memory_space<hbm>>
      tpu.wait_dma2 semaphore(%run_scoped3A : memref<!tpu.dma_semaphore, #tpu.memory_space<semaphore_mem>>) src(%arg16 : memref<64xf32, #tpu.memory_space<vmem>>) dst(%dma_wait3A_669 : memref<64xf32, #tpu.memory_space<hbm>>)
      tpu.yield
    }) : () -> ()
    %dma_wait3A = arith.constant 0 : i32
    %dma_wait3A_495 = tpu.memref_slice %arg3[%mul3A_4, %dma_wait3A] : memref<2048x1024xf32, #tpu.memory_space<hbm>> -> memref<64x1024xf32, #tpu.memory_space<hbm>>
    %dma_wait3A_496 = arith.constant 0 : i32
    %dma_wait3A_497 = tpu.memref_slice %arg3[%mul3A_4, %dma_wait3A_496] : memref<2048x1024xf32, #tpu.memory_space<hbm>> -> memref<64x1024xf32, #tpu.memory_space<hbm>>
    tpu.wait_dma2 semaphore(%arg23 : memref<!tpu.dma_semaphore, #tpu.memory_space<semaphore_mem>>) src(%dma_wait3A_497 : memref<64x1024xf32, #tpu.memory_space<hbm>>) dst(%arg22 : memref<64x1024xf32, #tpu.memory_space<vmem>>)
    %dma_start3A_498 = arith.constant 0 : i32
    %dma_start3A_499 = arith.constant 0 : i32
    %dma_start3A_500 = arith.constant 0 : i32
    %dma_start3A_501 = tpu.memref_slice %arg22[%dma_start3A_499, %dma_start3A_500] : memref<64x1024xf32, #tpu.memory_space<vmem>> -> memref<16x1024xf32, #tpu.memory_space<vmem>>
    %dma_start3A_502 = arith.constant 0 : i32
    %dma_start3A_503 = tpu.memref_slice %arg17[%dma_start3A_498, %dma_start3A_502] : memref<4x16xi32, #tpu.memory_space<vmem>> -> memref<1x16xi32, #tpu.memory_space<vmem>>
    %dma_start3A_504 = tpu.memref_squeeze %dma_start3A_503 : memref<1x16xi32, #tpu.memory_space<vmem>> -> memref<16xi32, #tpu.memory_space<vmem>>
    %dma_start3A_505 = arith.constant 0 : i32
    %dma_start3A_506 = arith.constant 0 : i32
    %dma_start3A_507 = tpu.memref_slice %arg9[%dma_start3A_505, %dma_start3A_506] : memref<6912x1024xf32, #tpu.memory_space<hbm>> -> memref<6912x1024xf32, #tpu.memory_space<hbm>>
    tpu.enqueue_indirect_dma source(%dma_start3A_501 : memref<16x1024xf32, #tpu.memory_space<vmem>>) target(%dma_start3A_507 : memref<6912x1024xf32, #tpu.memory_space<hbm>>) offsets(%dma_start3A_504 : memref<16xi32, #tpu.memory_space<vmem>>) semaphore(%arg24 : memref<!tpu.dma_semaphore, #tpu.memory_space<semaphore_mem>>)
    %dma_start3A_508 = arith.constant 0 : i32
    %dma_start3A_509 = arith.constant 0 : i32
    %dma_start3A_510 = arith.constant 0 : i32
    %dma_start3A_511 = tpu.memref_slice %arg22[%dma_start3A_509, %dma_start3A_510] : memref<64x1024xf32, #tpu.memory_space<vmem>> -> memref<16x1024xf32, #tpu.memory_space<vmem>>
    %dma_start3A_512 = arith.constant 0 : i32
    %dma_start3A_513 = tpu.memref_slice %arg18[%dma_start3A_508, %dma_start3A_512] : memref<4x16xi32, #tpu.memory_space<vmem>> -> memref<1x16xi32, #tpu.memory_space<vmem>>
    %dma_start3A_514 = tpu.memref_squeeze %dma_start3A_513 : memref<1x16xi32, #tpu.memory_space<vmem>> -> memref<16xi32, #tpu.memory_space<vmem>>
    %dma_start3A_515 = arith.constant 0 : i32
    %dma_start3A_516 = arith.constant 0 : i32
    %dma_start3A_517 = tpu.memref_slice %arg9[%dma_start3A_515, %dma_start3A_516] : memref<6912x1024xf32, #tpu.memory_space<hbm>> -> memref<6912x1024xf32, #tpu.memory_space<hbm>>
    tpu.enqueue_indirect_dma source(%dma_start3A_511 : memref<16x1024xf32, #tpu.memory_space<vmem>>) target(%dma_start3A_517 : memref<6912x1024xf32, #tpu.memory_space<hbm>>) offsets(%dma_start3A_514 : memref<16xi32, #tpu.memory_space<vmem>>) semaphore(%arg25 : memref<!tpu.dma_semaphore, #tpu.memory_space<semaphore_mem>>)
    %dma_start3A_518 = arith.constant 1 : i32
    %dma_start3A_519 = arith.constant 16 : i32
    %dma_start3A_520 = arith.constant 0 : i32
    %dma_start3A_521 = tpu.memref_slice %arg22[%dma_start3A_519, %dma_start3A_520] : memref<64x1024xf32, #tpu.memory_space<vmem>> -> memref<16x1024xf32, #tpu.memory_space<vmem>>
    %dma_start3A_522 = arith.constant 0 : i32
    %dma_start3A_523 = tpu.memref_slice %arg17[%dma_start3A_518, %dma_start3A_522] : memref<4x16xi32, #tpu.memory_space<vmem>> -> memref<1x16xi32, #tpu.memory_space<vmem>>
    %dma_start3A_524 = tpu.memref_squeeze %dma_start3A_523 : memref<1x16xi32, #tpu.memory_space<vmem>> -> memref<16xi32, #tpu.memory_space<vmem>>
    %dma_start3A_525 = arith.constant 0 : i32
    %dma_start3A_526 = arith.constant 0 : i32
    %dma_start3A_527 = tpu.memref_slice %arg9[%dma_start3A_525, %dma_start3A_526] : memref<6912x1024xf32, #tpu.memory_space<hbm>> -> memref<6912x1024xf32, #tpu.memory_space<hbm>>
    tpu.enqueue_indirect_dma source(%dma_start3A_521 : memref<16x1024xf32, #tpu.memory_space<vmem>>) target(%dma_start3A_527 : memref<6912x1024xf32, #tpu.memory_space<hbm>>) offsets(%dma_start3A_524 : memref<16xi32, #tpu.memory_space<vmem>>) semaphore(%arg24 : memref<!tpu.dma_semaphore, #tpu.memory_space<semaphore_mem>>)
    %dma_start3A_528 = arith.constant 1 : i32
    %dma_start3A_529 = arith.constant 16 : i32
    %dma_start3A_530 = arith.constant 0 : i32
    %dma_start3A_531 = tpu.memref_slice %arg22[%dma_start3A_529, %dma_start3A_530] : memref<64x1024xf32, #tpu.memory_space<vmem>> -> memref<16x1024xf32, #tpu.memory_space<vmem>>
    %dma_start3A_532 = arith.constant 0 : i32
    %dma_start3A_533 = tpu.memref_slice %arg18[%dma_start3A_528, %dma_start3A_532] : memref<4x16xi32, #tpu.memory_space<vmem>> -> memref<1x16xi32, #tpu.memory_space<vmem>>
    %dma_start3A_534 = tpu.memref_squeeze %dma_start3A_533 : memref<1x16xi32, #tpu.memory_space<vmem>> -> memref<16xi32, #tpu.memory_space<vmem>>
    %dma_start3A_535 = arith.constant 0 : i32
    %dma_start3A_536 = arith.constant 0 : i32
    %dma_start3A_537 = tpu.memref_slice %arg9[%dma_start3A_535, %dma_start3A_536] : memref<6912x1024xf32, #tpu.memory_space<hbm>> -> memref<6912x1024xf32, #tpu.memory_space<hbm>>
    tpu.enqueue_indirect_dma source(%dma_start3A_531 : memref<16x1024xf32, #tpu.memory_space<vmem>>) target(%dma_start3A_537 : memref<6912x1024xf32, #tpu.memory_space<hbm>>) offsets(%dma_start3A_534 : memref<16xi32, #tpu.memory_space<vmem>>) semaphore(%arg25 : memref<!tpu.dma_semaphore, #tpu.memory_space<semaphore_mem>>)
    %dma_start3A_538 = arith.constant 2 : i32
    %dma_start3A_539 = arith.constant 32 : i32
    %dma_start3A_540 = arith.constant 0 : i32
    %dma_start3A_541 = tpu.memref_slice %arg22[%dma_start3A_539, %dma_start3A_540] : memref<64x1024xf32, #tpu.memory_space<vmem>> -> memref<16x1024xf32, #tpu.memory_space<vmem>>
    %dma_start3A_542 = arith.constant 0 : i32
    %dma_start3A_543 = tpu.memref_slice %arg17[%dma_start3A_538, %dma_start3A_542] : memref<4x16xi32, #tpu.memory_space<vmem>> -> memref<1x16xi32, #tpu.memory_space<vmem>>
    %dma_start3A_544 = tpu.memref_squeeze %dma_start3A_543 : memref<1x16xi32, #tpu.memory_space<vmem>> -> memref<16xi32, #tpu.memory_space<vmem>>
    %dma_start3A_545 = arith.constant 0 : i32
    %dma_start3A_546 = arith.constant 0 : i32
    %dma_start3A_547 = tpu.memref_slice %arg9[%dma_start3A_545, %dma_start3A_546] : memref<6912x1024xf32, #tpu.memory_space<hbm>> -> memref<6912x1024xf32, #tpu.memory_space<hbm>>
    tpu.enqueue_indirect_dma source(%dma_start3A_541 : memref<16x1024xf32, #tpu.memory_space<vmem>>) target(%dma_start3A_547 : memref<6912x1024xf32, #tpu.memory_space<hbm>>) offsets(%dma_start3A_544 : memref<16xi32, #tpu.memory_space<vmem>>) semaphore(%arg24 : memref<!tpu.dma_semaphore, #tpu.memory_space<semaphore_mem>>)
    %dma_start3A_548 = arith.constant 2 : i32
    %dma_start3A_549 = arith.constant 32 : i32
    %dma_start3A_550 = arith.constant 0 : i32
    %dma_start3A_551 = tpu.memref_slice %arg22[%dma_start3A_549, %dma_start3A_550] : memref<64x1024xf32, #tpu.memory_space<vmem>> -> memref<16x1024xf32, #tpu.memory_space<vmem>>
    %dma_start3A_552 = arith.constant 0 : i32
    %dma_start3A_553 = tpu.memref_slice %arg18[%dma_start3A_548, %dma_start3A_552] : memref<4x16xi32, #tpu.memory_space<vmem>> -> memref<1x16xi32, #tpu.memory_space<vmem>>
    %dma_start3A_554 = tpu.memref_squeeze %dma_start3A_553 : memref<1x16xi32, #tpu.memory_space<vmem>> -> memref<16xi32, #tpu.memory_space<vmem>>
    %dma_start3A_555 = arith.constant 0 : i32
    %dma_start3A_556 = arith.constant 0 : i32
    %dma_start3A_557 = tpu.memref_slice %arg9[%dma_start3A_555, %dma_start3A_556] : memref<6912x1024xf32, #tpu.memory_space<hbm>> -> memref<6912x1024xf32, #tpu.memory_space<hbm>>
    tpu.enqueue_indirect_dma source(%dma_start3A_551 : memref<16x1024xf32, #tpu.memory_space<vmem>>) target(%dma_start3A_557 : memref<6912x1024xf32, #tpu.memory_space<hbm>>) offsets(%dma_start3A_554 : memref<16xi32, #tpu.memory_space<vmem>>) semaphore(%arg25 : memref<!tpu.dma_semaphore, #tpu.memory_space<semaphore_mem>>)
    %dma_start3A_558 = arith.constant 3 : i32
    %dma_start3A_559 = arith.constant 48 : i32
    %dma_start3A_560 = arith.constant 0 : i32
    %dma_start3A_561 = tpu.memref_slice %arg22[%dma_start3A_559, %dma_start3A_560] : memref<64x1024xf32, #tpu.memory_space<vmem>> -> memref<16x1024xf32, #tpu.memory_space<vmem>>
    %dma_start3A_562 = arith.constant 0 : i32
    %dma_start3A_563 = tpu.memref_slice %arg17[%dma_start3A_558, %dma_start3A_562] : memref<4x16xi32, #tpu.memory_space<vmem>> -> memref<1x16xi32, #tpu.memory_space<vmem>>
    %dma_start3A_564 = tpu.memref_squeeze %dma_start3A_563 : memref<1x16xi32, #tpu.memory_space<vmem>> -> memref<16xi32, #tpu.memory_space<vmem>>
    %dma_start3A_565 = arith.constant 0 : i32
    %dma_start3A_566 = arith.constant 0 : i32
    %dma_start3A_567 = tpu.memref_slice %arg9[%dma_start3A_565, %dma_start3A_566] : memref<6912x1024xf32, #tpu.memory_space<hbm>> -> memref<6912x1024xf32, #tpu.memory_space<hbm>>
    tpu.enqueue_indirect_dma source(%dma_start3A_561 : memref<16x1024xf32, #tpu.memory_space<vmem>>) target(%dma_start3A_567 : memref<6912x1024xf32, #tpu.memory_space<hbm>>) offsets(%dma_start3A_564 : memref<16xi32, #tpu.memory_space<vmem>>) semaphore(%arg24 : memref<!tpu.dma_semaphore, #tpu.memory_space<semaphore_mem>>)
    %dma_start3A_568 = arith.constant 3 : i32
    %dma_start3A_569 = arith.constant 48 : i32
    %dma_start3A_570 = arith.constant 0 : i32
    %dma_start3A_571 = tpu.memref_slice %arg22[%dma_start3A_569, %dma_start3A_570] : memref<64x1024xf32, #tpu.memory_space<vmem>> -> memref<16x1024xf32, #tpu.memory_space<vmem>>
    %dma_start3A_572 = arith.constant 0 : i32
    %dma_start3A_573 = tpu.memref_slice %arg18[%dma_start3A_568, %dma_start3A_572] : memref<4x16xi32, #tpu.memory_space<vmem>> -> memref<1x16xi32, #tpu.memory_space<vmem>>
    %dma_start3A_574 = tpu.memref_squeeze %dma_start3A_573 : memref<1x16xi32, #tpu.memory_space<vmem>> -> memref<16xi32, #tpu.memory_space<vmem>>
    %dma_start3A_575 = arith.constant 0 : i32
    %dma_start3A_576 = arith.constant 0 : i32
    %dma_start3A_577 = tpu.memref_slice %arg9[%dma_start3A_575, %dma_start3A_576] : memref<6912x1024xf32, #tpu.memory_space<hbm>> -> memref<6912x1024xf32, #tpu.memory_space<hbm>>
    tpu.enqueue_indirect_dma source(%dma_start3A_571 : memref<16x1024xf32, #tpu.memory_space<vmem>>) target(%dma_start3A_577 : memref<6912x1024xf32, #tpu.memory_space<hbm>>) offsets(%dma_start3A_574 : memref<16xi32, #tpu.memory_space<vmem>>) semaphore(%arg25 : memref<!tpu.dma_semaphore, #tpu.memory_space<semaphore_mem>>)
    %dma_wait3A_578 = arith.constant 0 : i32
    %dma_wait3A_579 = arith.constant 0 : i32
    %dma_wait3A_580 = arith.constant 0 : i32
    %dma_wait3A_581 = tpu.memref_slice %arg22[%dma_wait3A_579, %dma_wait3A_580] : memref<64x1024xf32, #tpu.memory_space<vmem>> -> memref<16x1024xf32, #tpu.memory_space<vmem>>
    %dma_wait3A_582 = arith.constant 0 : i32
    %dma_wait3A_583 = tpu.memref_slice %arg17[%dma_wait3A_578, %dma_wait3A_582] : memref<4x16xi32, #tpu.memory_space<vmem>> -> memref<1x16xi32, #tpu.memory_space<vmem>>
    %dma_wait3A_584 = tpu.memref_squeeze %dma_wait3A_583 : memref<1x16xi32, #tpu.memory_space<vmem>> -> memref<16xi32, #tpu.memory_space<vmem>>
    %dma_wait3A_585 = arith.constant 0 : i32
    %dma_wait3A_586 = arith.constant 0 : i32
    %dma_wait3A_587 = tpu.memref_slice %arg9[%dma_wait3A_585, %dma_wait3A_586] : memref<6912x1024xf32, #tpu.memory_space<hbm>> -> memref<6912x1024xf32, #tpu.memory_space<hbm>>
    tpu.wait_indirect_dma semaphore(%arg24 : memref<!tpu.dma_semaphore, #tpu.memory_space<semaphore_mem>>) src(%dma_wait3A_581 : memref<16x1024xf32, #tpu.memory_space<vmem>>) dst(%dma_wait3A_587 : memref<6912x1024xf32, #tpu.memory_space<hbm>>)
    %dma_wait3A_588 = arith.constant 0 : i32
    %dma_wait3A_589 = arith.constant 0 : i32
    %dma_wait3A_590 = arith.constant 0 : i32
    %dma_wait3A_591 = tpu.memref_slice %arg22[%dma_wait3A_589, %dma_wait3A_590] : memref<64x1024xf32, #tpu.memory_space<vmem>> -> memref<16x1024xf32, #tpu.memory_space<vmem>>
    %dma_wait3A_592 = arith.constant 0 : i32
    %dma_wait3A_593 = tpu.memref_slice %arg18[%dma_wait3A_588, %dma_wait3A_592] : memref<4x16xi32, #tpu.memory_space<vmem>> -> memref<1x16xi32, #tpu.memory_space<vmem>>
    %dma_wait3A_594 = tpu.memref_squeeze %dma_wait3A_593 : memref<1x16xi32, #tpu.memory_space<vmem>> -> memref<16xi32, #tpu.memory_space<vmem>>
    %dma_wait3A_595 = arith.constant 0 : i32
    %dma_wait3A_596 = arith.constant 0 : i32
    %dma_wait3A_597 = tpu.memref_slice %arg9[%dma_wait3A_595, %dma_wait3A_596] : memref<6912x1024xf32, #tpu.memory_space<hbm>> -> memref<6912x1024xf32, #tpu.memory_space<hbm>>
    tpu.wait_indirect_dma semaphore(%arg25 : memref<!tpu.dma_semaphore, #tpu.memory_space<semaphore_mem>>) src(%dma_wait3A_591 : memref<16x1024xf32, #tpu.memory_space<vmem>>) dst(%dma_wait3A_597 : memref<6912x1024xf32, #tpu.memory_space<hbm>>)
    %dma_wait3A_598 = arith.constant 1 : i32
    %dma_wait3A_599 = arith.constant 16 : i32
    %dma_wait3A_600 = arith.constant 0 : i32
    %dma_wait3A_601 = tpu.memref_slice %arg22[%dma_wait3A_599, %dma_wait3A_600] : memref<64x1024xf32, #tpu.memory_space<vmem>> -> memref<16x1024xf32, #tpu.memory_space<vmem>>
    %dma_wait3A_602 = arith.constant 0 : i32
    %dma_wait3A_603 = tpu.memref_slice %arg17[%dma_wait3A_598, %dma_wait3A_602] : memref<4x16xi32, #tpu.memory_space<vmem>> -> memref<1x16xi32, #tpu.memory_space<vmem>>
    %dma_wait3A_604 = tpu.memref_squeeze %dma_wait3A_603 : memref<1x16xi32, #tpu.memory_space<vmem>> -> memref<16xi32, #tpu.memory_space<vmem>>
    %dma_wait3A_605 = arith.constant 0 : i32
    %dma_wait3A_606 = arith.constant 0 : i32
    %dma_wait3A_607 = tpu.memref_slice %arg9[%dma_wait3A_605, %dma_wait3A_606] : memref<6912x1024xf32, #tpu.memory_space<hbm>> -> memref<6912x1024xf32, #tpu.memory_space<hbm>>
    tpu.wait_indirect_dma semaphore(%arg24 : memref<!tpu.dma_semaphore, #tpu.memory_space<semaphore_mem>>) src(%dma_wait3A_601 : memref<16x1024xf32, #tpu.memory_space<vmem>>) dst(%dma_wait3A_607 : memref<6912x1024xf32, #tpu.memory_space<hbm>>)
    %dma_wait3A_608 = arith.constant 1 : i32
    %dma_wait3A_609 = arith.constant 16 : i32
    %dma_wait3A_610 = arith.constant 0 : i32
    %dma_wait3A_611 = tpu.memref_slice %arg22[%dma_wait3A_609, %dma_wait3A_610] : memref<64x1024xf32, #tpu.memory_space<vmem>> -> memref<16x1024xf32, #tpu.memory_space<vmem>>
    %dma_wait3A_612 = arith.constant 0 : i32
    %dma_wait3A_613 = tpu.memref_slice %arg18[%dma_wait3A_608, %dma_wait3A_612] : memref<4x16xi32, #tpu.memory_space<vmem>> -> memref<1x16xi32, #tpu.memory_space<vmem>>
    %dma_wait3A_614 = tpu.memref_squeeze %dma_wait3A_613 : memref<1x16xi32, #tpu.memory_space<vmem>> -> memref<16xi32, #tpu.memory_space<vmem>>
    %dma_wait3A_615 = arith.constant 0 : i32
    %dma_wait3A_616 = arith.constant 0 : i32
    %dma_wait3A_617 = tpu.memref_slice %arg9[%dma_wait3A_615, %dma_wait3A_616] : memref<6912x1024xf32, #tpu.memory_space<hbm>> -> memref<6912x1024xf32, #tpu.memory_space<hbm>>
    tpu.wait_indirect_dma semaphore(%arg25 : memref<!tpu.dma_semaphore, #tpu.memory_space<semaphore_mem>>) src(%dma_wait3A_611 : memref<16x1024xf32, #tpu.memory_space<vmem>>) dst(%dma_wait3A_617 : memref<6912x1024xf32, #tpu.memory_space<hbm>>)
    %dma_wait3A_618 = arith.constant 2 : i32
    %dma_wait3A_619 = arith.constant 32 : i32
    %dma_wait3A_620 = arith.constant 0 : i32
    %dma_wait3A_621 = tpu.memref_slice %arg22[%dma_wait3A_619, %dma_wait3A_620] : memref<64x1024xf32, #tpu.memory_space<vmem>> -> memref<16x1024xf32, #tpu.memory_space<vmem>>
    %dma_wait3A_622 = arith.constant 0 : i32
    %dma_wait3A_623 = tpu.memref_slice %arg17[%dma_wait3A_618, %dma_wait3A_622] : memref<4x16xi32, #tpu.memory_space<vmem>> -> memref<1x16xi32, #tpu.memory_space<vmem>>
    %dma_wait3A_624 = tpu.memref_squeeze %dma_wait3A_623 : memref<1x16xi32, #tpu.memory_space<vmem>> -> memref<16xi32, #tpu.memory_space<vmem>>
    %dma_wait3A_625 = arith.constant 0 : i32
    %dma_wait3A_626 = arith.constant 0 : i32
    %dma_wait3A_627 = tpu.memref_slice %arg9[%dma_wait3A_625, %dma_wait3A_626] : memref<6912x1024xf32, #tpu.memory_space<hbm>> -> memref<6912x1024xf32, #tpu.memory_space<hbm>>
    tpu.wait_indirect_dma semaphore(%arg24 : memref<!tpu.dma_semaphore, #tpu.memory_space<semaphore_mem>>) src(%dma_wait3A_621 : memref<16x1024xf32, #tpu.memory_space<vmem>>) dst(%dma_wait3A_627 : memref<6912x1024xf32, #tpu.memory_space<hbm>>)
    %dma_wait3A_628 = arith.constant 2 : i32
    %dma_wait3A_629 = arith.constant 32 : i32
    %dma_wait3A_630 = arith.constant 0 : i32
    %dma_wait3A_631 = tpu.memref_slice %arg22[%dma_wait3A_629, %dma_wait3A_630] : memref<64x1024xf32, #tpu.memory_space<vmem>> -> memref<16x1024xf32, #tpu.memory_space<vmem>>
    %dma_wait3A_632 = arith.constant 0 : i32
    %dma_wait3A_633 = tpu.memref_slice %arg18[%dma_wait3A_628, %dma_wait3A_632] : memref<4x16xi32, #tpu.memory_space<vmem>> -> memref<1x16xi32, #tpu.memory_space<vmem>>
    %dma_wait3A_634 = tpu.memref_squeeze %dma_wait3A_633 : memref<1x16xi32, #tpu.memory_space<vmem>> -> memref<16xi32, #tpu.memory_space<vmem>>
    %dma_wait3A_635 = arith.constant 0 : i32
    %dma_wait3A_636 = arith.constant 0 : i32
    %dma_wait3A_637 = tpu.memref_slice %arg9[%dma_wait3A_635, %dma_wait3A_636] : memref<6912x1024xf32, #tpu.memory_space<hbm>> -> memref<6912x1024xf32, #tpu.memory_space<hbm>>
    tpu.wait_indirect_dma semaphore(%arg25 : memref<!tpu.dma_semaphore, #tpu.memory_space<semaphore_mem>>) src(%dma_wait3A_631 : memref<16x1024xf32, #tpu.memory_space<vmem>>) dst(%dma_wait3A_637 : memref<6912x1024xf32, #tpu.memory_space<hbm>>)
    %dma_wait3A_638 = arith.constant 3 : i32
    %dma_wait3A_639 = arith.constant 48 : i32
    %dma_wait3A_640 = arith.constant 0 : i32
    %dma_wait3A_641 = tpu.memref_slice %arg22[%dma_wait3A_639, %dma_wait3A_640] : memref<64x1024xf32, #tpu.memory_space<vmem>> -> memref<16x1024xf32, #tpu.memory_space<vmem>>
    %dma_wait3A_642 = arith.constant 0 : i32
    %dma_wait3A_643 = tpu.memref_slice %arg17[%dma_wait3A_638, %dma_wait3A_642] : memref<4x16xi32, #tpu.memory_space<vmem>> -> memref<1x16xi32, #tpu.memory_space<vmem>>
    %dma_wait3A_644 = tpu.memref_squeeze %dma_wait3A_643 : memref<1x16xi32, #tpu.memory_space<vmem>> -> memref<16xi32, #tpu.memory_space<vmem>>
    %dma_wait3A_645 = arith.constant 0 : i32
    %dma_wait3A_646 = arith.constant 0 : i32
    %dma_wait3A_647 = tpu.memref_slice %arg9[%dma_wait3A_645, %dma_wait3A_646] : memref<6912x1024xf32, #tpu.memory_space<hbm>> -> memref<6912x1024xf32, #tpu.memory_space<hbm>>
    tpu.wait_indirect_dma semaphore(%arg24 : memref<!tpu.dma_semaphore, #tpu.memory_space<semaphore_mem>>) src(%dma_wait3A_641 : memref<16x1024xf32, #tpu.memory_space<vmem>>) dst(%dma_wait3A_647 : memref<6912x1024xf32, #tpu.memory_space<hbm>>)
    %dma_wait3A_648 = arith.constant 3 : i32
    %dma_wait3A_649 = arith.constant 48 : i32
    %dma_wait3A_650 = arith.constant 0 : i32
    %dma_wait3A_651 = tpu.memref_slice %arg22[%dma_wait3A_649, %dma_wait3A_650] : memref<64x1024xf32, #tpu.memory_space<vmem>> -> memref<16x1024xf32, #tpu.memory_space<vmem>>
    %dma_wait3A_652 = arith.constant 0 : i32
    %dma_wait3A_653 = tpu.memref_slice %arg18[%dma_wait3A_648, %dma_wait3A_652] : memref<4x16xi32, #tpu.memory_space<vmem>> -> memref<1x16xi32, #tpu.memory_space<vmem>>
    %dma_wait3A_654 = tpu.memref_squeeze %dma_wait3A_653 : memref<1x16xi32, #tpu.memory_space<vmem>> -> memref<16xi32, #tpu.memory_space<vmem>>
    %dma_wait3A_655 = arith.constant 0 : i32
    %dma_wait3A_656 = arith.constant 0 : i32
    %dma_wait3A_657 = tpu.memref_slice %arg9[%dma_wait3A_655, %dma_wait3A_656] : memref<6912x1024xf32, #tpu.memory_space<hbm>> -> memref<6912x1024xf32, #tpu.memory_space<hbm>>
    tpu.wait_indirect_dma semaphore(%arg25 : memref<!tpu.dma_semaphore, #tpu.memory_space<semaphore_mem>>) src(%dma_wait3A_651 : memref<16x1024xf32, #tpu.memory_space<vmem>>) dst(%dma_wait3A_657 : memref<6912x1024xf32, #tpu.memory_space<hbm>>)
    return
  }
}

#map = affine_map<(d0, d1) -> (0, 0)>
#map1 = affine_map<(d0, d1) -> (0, 0, 0)>
module attributes {stable_mosaic.version = 14 : i64} {
  func.func @_combine_body(%arg0: i32, %arg1: i32, %arg2: memref<6912x1024xf32, #tpu.memory_space<hbm>>, %arg3: memref<32x4x16xi32, #tpu.memory_space<hbm>>, %arg4: memref<32x4x16xi32, #tpu.memory_space<hbm>>, %arg5: memref<32x64xf32, #tpu.memory_space<hbm>>, %arg6: memref<32x64xf32, #tpu.memory_space<hbm>>, %arg7: memref<2048x1024xf32, #tpu.memory_space<hbm>>, %arg8: memref<4x16xi32, #tpu.memory_space<vmem>>, %arg9: memref<4x16xi32, #tpu.memory_space<vmem>>, %arg10: memref<64xf32, #tpu.memory_space<vmem>>, %arg11: memref<64xf32, #tpu.memory_space<vmem>>, %arg12: memref<16x1024xf32, #tpu.memory_space<vmem>>, %arg13: memref<16x1024xf32, #tpu.memory_space<vmem>>, %arg14: memref<16x1024xf32, #tpu.memory_space<vmem>>, %arg15: memref<16x1024xf32, #tpu.memory_space<vmem>>, %arg16: memref<16x1024xf32, #tpu.memory_space<vmem>>, %arg17: memref<16x1024xf32, #tpu.memory_space<vmem>>, %arg18: memref<!tpu.dma_semaphore, #tpu.memory_space<semaphore_mem>>, %arg19: memref<!tpu.dma_semaphore, #tpu.memory_space<semaphore_mem>>, %arg20: memref<!tpu.dma_semaphore, #tpu.memory_space<semaphore_mem>>, %arg21: memref<!tpu.dma_semaphore, #tpu.memory_space<semaphore_mem>>) attributes {dimension_semantics = [#tpu.dimension_semantics<core_parallel>, #tpu.dimension_semantics<subcore_parallel>], iteration_bounds = array<i64: 2, 16>, scalar_prefetch = 0 : i64, scratch_operands = 14 : i64, tpu.core_type = #tpu.core_type<sc_vector_subcore>, window_params = [{transform_indices = #map}, {transform_indices = #map1}, {transform_indices = #map1}, {transform_indices = #map}, {transform_indices = #map}, {transform_indices = #map}]} {
    %mul3A = arith.constant 2 : i32
    %mul3A_0 = arith.muli %arg1, %mul3A : i32
    %add3A = arith.addi %mul3A_0, %arg0 : i32
    "tpu.region"() ({
      %run_scoped3A = tpu.sem_alloc : memref<!tpu.dma_semaphore, #tpu.memory_space<semaphore_mem>>
      %dma_start3A_182 = arith.constant 0 : i32
      %dma_start3A_183 = arith.constant 0 : i32
      %dma_start3A_184 = tpu.memref_slice %arg3[%add3A, %dma_start3A_182, %dma_start3A_183] : memref<32x4x16xi32, #tpu.memory_space<hbm>> -> memref<1x4x16xi32, #tpu.memory_space<hbm>>
      %dma_start3A_185 = tpu.memref_squeeze %dma_start3A_184 : memref<1x4x16xi32, #tpu.memory_space<hbm>> -> memref<4x16xi32, #tpu.memory_space<hbm>>
      %dma_start3A_186 = arith.constant 0 : i32
      %dma_start3A_187 = arith.constant 0 : i32
      %dma_start3A_188 = tpu.memref_slice %arg3[%add3A, %dma_start3A_186, %dma_start3A_187] : memref<32x4x16xi32, #tpu.memory_space<hbm>> -> memref<1x4x16xi32, #tpu.memory_space<hbm>>
      %dma_start3A_189 = tpu.memref_squeeze %dma_start3A_188 : memref<1x4x16xi32, #tpu.memory_space<hbm>> -> memref<4x16xi32, #tpu.memory_space<hbm>>
      tpu.enqueue_dma source(%dma_start3A_189 : memref<4x16xi32, #tpu.memory_space<hbm>>) target(%arg8 : memref<4x16xi32, #tpu.memory_space<vmem>>) target_semaphore(%run_scoped3A : memref<!tpu.dma_semaphore, #tpu.memory_space<semaphore_mem>>)
      %dma_wait3A_190 = arith.constant 0 : i32
      %dma_wait3A_191 = arith.constant 0 : i32
      %dma_wait3A_192 = tpu.memref_slice %arg3[%add3A, %dma_wait3A_190, %dma_wait3A_191] : memref<32x4x16xi32, #tpu.memory_space<hbm>> -> memref<1x4x16xi32, #tpu.memory_space<hbm>>
      %dma_wait3A_193 = tpu.memref_squeeze %dma_wait3A_192 : memref<1x4x16xi32, #tpu.memory_space<hbm>> -> memref<4x16xi32, #tpu.memory_space<hbm>>
      %dma_wait3A_194 = arith.constant 0 : i32
      %dma_wait3A_195 = arith.constant 0 : i32
      %dma_wait3A_196 = tpu.memref_slice %arg3[%add3A, %dma_wait3A_194, %dma_wait3A_195] : memref<32x4x16xi32, #tpu.memory_space<hbm>> -> memref<1x4x16xi32, #tpu.memory_space<hbm>>
      %dma_wait3A_197 = tpu.memref_squeeze %dma_wait3A_196 : memref<1x4x16xi32, #tpu.memory_space<hbm>> -> memref<4x16xi32, #tpu.memory_space<hbm>>
      tpu.wait_dma2 semaphore(%run_scoped3A : memref<!tpu.dma_semaphore, #tpu.memory_space<semaphore_mem>>) src(%dma_wait3A_197 : memref<4x16xi32, #tpu.memory_space<hbm>>) dst(%arg8 : memref<4x16xi32, #tpu.memory_space<vmem>>)
      tpu.yield
    }) : () -> ()
    "tpu.region"() ({
      %run_scoped3A = tpu.sem_alloc : memref<!tpu.dma_semaphore, #tpu.memory_space<semaphore_mem>>
      %dma_start3A_182 = arith.constant 0 : i32
      %dma_start3A_183 = arith.constant 0 : i32
      %dma_start3A_184 = tpu.memref_slice %arg4[%add3A, %dma_start3A_182, %dma_start3A_183] : memref<32x4x16xi32, #tpu.memory_space<hbm>> -> memref<1x4x16xi32, #tpu.memory_space<hbm>>
      %dma_start3A_185 = tpu.memref_squeeze %dma_start3A_184 : memref<1x4x16xi32, #tpu.memory_space<hbm>> -> memref<4x16xi32, #tpu.memory_space<hbm>>
      %dma_start3A_186 = arith.constant 0 : i32
      %dma_start3A_187 = arith.constant 0 : i32
      %dma_start3A_188 = tpu.memref_slice %arg4[%add3A, %dma_start3A_186, %dma_start3A_187] : memref<32x4x16xi32, #tpu.memory_space<hbm>> -> memref<1x4x16xi32, #tpu.memory_space<hbm>>
      %dma_start3A_189 = tpu.memref_squeeze %dma_start3A_188 : memref<1x4x16xi32, #tpu.memory_space<hbm>> -> memref<4x16xi32, #tpu.memory_space<hbm>>
      tpu.enqueue_dma source(%dma_start3A_189 : memref<4x16xi32, #tpu.memory_space<hbm>>) target(%arg9 : memref<4x16xi32, #tpu.memory_space<vmem>>) target_semaphore(%run_scoped3A : memref<!tpu.dma_semaphore, #tpu.memory_space<semaphore_mem>>)
      %dma_wait3A_190 = arith.constant 0 : i32
      %dma_wait3A_191 = arith.constant 0 : i32
      %dma_wait3A_192 = tpu.memref_slice %arg4[%add3A, %dma_wait3A_190, %dma_wait3A_191] : memref<32x4x16xi32, #tpu.memory_space<hbm>> -> memref<1x4x16xi32, #tpu.memory_space<hbm>>
      %dma_wait3A_193 = tpu.memref_squeeze %dma_wait3A_192 : memref<1x4x16xi32, #tpu.memory_space<hbm>> -> memref<4x16xi32, #tpu.memory_space<hbm>>
      %dma_wait3A_194 = arith.constant 0 : i32
      %dma_wait3A_195 = arith.constant 0 : i32
      %dma_wait3A_196 = tpu.memref_slice %arg4[%add3A, %dma_wait3A_194, %dma_wait3A_195] : memref<32x4x16xi32, #tpu.memory_space<hbm>> -> memref<1x4x16xi32, #tpu.memory_space<hbm>>
      %dma_wait3A_197 = tpu.memref_squeeze %dma_wait3A_196 : memref<1x4x16xi32, #tpu.memory_space<hbm>> -> memref<4x16xi32, #tpu.memory_space<hbm>>
      tpu.wait_dma2 semaphore(%run_scoped3A : memref<!tpu.dma_semaphore, #tpu.memory_space<semaphore_mem>>) src(%dma_wait3A_197 : memref<4x16xi32, #tpu.memory_space<hbm>>) dst(%arg9 : memref<4x16xi32, #tpu.memory_space<vmem>>)
      tpu.yield
    }) : () -> ()
    "tpu.region"() ({
      %run_scoped3A = tpu.sem_alloc : memref<!tpu.dma_semaphore, #tpu.memory_space<semaphore_mem>>
      %dma_start3A_182 = arith.constant 0 : i32
      %dma_start3A_183 = tpu.memref_slice %arg5[%add3A, %dma_start3A_182] : memref<32x64xf32, #tpu.memory_space<hbm>> -> memref<1x64xf32, #tpu.memory_space<hbm>>
      %dma_start3A_184 = tpu.memref_squeeze %dma_start3A_183 : memref<1x64xf32, #tpu.memory_space<hbm>> -> memref<64xf32, #tpu.memory_space<hbm>>
      %dma_start3A_185 = arith.constant 0 : i32
      %dma_start3A_186 = tpu.memref_slice %arg5[%add3A, %dma_start3A_185] : memref<32x64xf32, #tpu.memory_space<hbm>> -> memref<1x64xf32, #tpu.memory_space<hbm>>
      %dma_start3A_187 = tpu.memref_squeeze %dma_start3A_186 : memref<1x64xf32, #tpu.memory_space<hbm>> -> memref<64xf32, #tpu.memory_space<hbm>>
      tpu.enqueue_dma source(%dma_start3A_187 : memref<64xf32, #tpu.memory_space<hbm>>) target(%arg10 : memref<64xf32, #tpu.memory_space<vmem>>) target_semaphore(%run_scoped3A : memref<!tpu.dma_semaphore, #tpu.memory_space<semaphore_mem>>)
      %dma_wait3A_188 = arith.constant 0 : i32
      %dma_wait3A_189 = tpu.memref_slice %arg5[%add3A, %dma_wait3A_188] : memref<32x64xf32, #tpu.memory_space<hbm>> -> memref<1x64xf32, #tpu.memory_space<hbm>>
      %dma_wait3A_190 = tpu.memref_squeeze %dma_wait3A_189 : memref<1x64xf32, #tpu.memory_space<hbm>> -> memref<64xf32, #tpu.memory_space<hbm>>
      %dma_wait3A_191 = arith.constant 0 : i32
      %dma_wait3A_192 = tpu.memref_slice %arg5[%add3A, %dma_wait3A_191] : memref<32x64xf32, #tpu.memory_space<hbm>> -> memref<1x64xf32, #tpu.memory_space<hbm>>
      %dma_wait3A_193 = tpu.memref_squeeze %dma_wait3A_192 : memref<1x64xf32, #tpu.memory_space<hbm>> -> memref<64xf32, #tpu.memory_space<hbm>>
      tpu.wait_dma2 semaphore(%run_scoped3A : memref<!tpu.dma_semaphore, #tpu.memory_space<semaphore_mem>>) src(%dma_wait3A_193 : memref<64xf32, #tpu.memory_space<hbm>>) dst(%arg10 : memref<64xf32, #tpu.memory_space<vmem>>)
      tpu.yield
    }) : () -> ()
    "tpu.region"() ({
      %run_scoped3A = tpu.sem_alloc : memref<!tpu.dma_semaphore, #tpu.memory_space<semaphore_mem>>
      %dma_start3A_182 = arith.constant 0 : i32
      %dma_start3A_183 = tpu.memref_slice %arg6[%add3A, %dma_start3A_182] : memref<32x64xf32, #tpu.memory_space<hbm>> -> memref<1x64xf32, #tpu.memory_space<hbm>>
      %dma_start3A_184 = tpu.memref_squeeze %dma_start3A_183 : memref<1x64xf32, #tpu.memory_space<hbm>> -> memref<64xf32, #tpu.memory_space<hbm>>
      %dma_start3A_185 = arith.constant 0 : i32
      %dma_start3A_186 = tpu.memref_slice %arg6[%add3A, %dma_start3A_185] : memref<32x64xf32, #tpu.memory_space<hbm>> -> memref<1x64xf32, #tpu.memory_space<hbm>>
      %dma_start3A_187 = tpu.memref_squeeze %dma_start3A_186 : memref<1x64xf32, #tpu.memory_space<hbm>> -> memref<64xf32, #tpu.memory_space<hbm>>
      tpu.enqueue_dma source(%dma_start3A_187 : memref<64xf32, #tpu.memory_space<hbm>>) target(%arg11 : memref<64xf32, #tpu.memory_space<vmem>>) target_semaphore(%run_scoped3A : memref<!tpu.dma_semaphore, #tpu.memory_space<semaphore_mem>>)
      %dma_wait3A_188 = arith.constant 0 : i32
      %dma_wait3A_189 = tpu.memref_slice %arg6[%add3A, %dma_wait3A_188] : memref<32x64xf32, #tpu.memory_space<hbm>> -> memref<1x64xf32, #tpu.memory_space<hbm>>
      %dma_wait3A_190 = tpu.memref_squeeze %dma_wait3A_189 : memref<1x64xf32, #tpu.memory_space<hbm>> -> memref<64xf32, #tpu.memory_space<hbm>>
      %dma_wait3A_191 = arith.constant 0 : i32
      %dma_wait3A_192 = tpu.memref_slice %arg6[%add3A, %dma_wait3A_191] : memref<32x64xf32, #tpu.memory_space<hbm>> -> memref<1x64xf32, #tpu.memory_space<hbm>>
      %dma_wait3A_193 = tpu.memref_squeeze %dma_wait3A_192 : memref<1x64xf32, #tpu.memory_space<hbm>> -> memref<64xf32, #tpu.memory_space<hbm>>
      tpu.wait_dma2 semaphore(%run_scoped3A : memref<!tpu.dma_semaphore, #tpu.memory_space<semaphore_mem>>) src(%dma_wait3A_193 : memref<64xf32, #tpu.memory_space<hbm>>) dst(%arg11 : memref<64xf32, #tpu.memory_space<vmem>>)
      tpu.yield
    }) : () -> ()
    %dma_start3A = arith.constant 0 : i32
    %dma_start3A_1 = arith.constant 0 : i32
    %dma_start3A_2 = tpu.memref_slice %arg8[%dma_start3A, %dma_start3A_1] : memref<4x16xi32, #tpu.memory_space<vmem>> -> memref<1x16xi32, #tpu.memory_space<vmem>>
    %dma_start3A_3 = tpu.memref_squeeze %dma_start3A_2 : memref<1x16xi32, #tpu.memory_space<vmem>> -> memref<16xi32, #tpu.memory_space<vmem>>
    %dma_start3A_4 = arith.constant 0 : i32
    %dma_start3A_5 = arith.constant 0 : i32
    %dma_start3A_6 = tpu.memref_slice %arg2[%dma_start3A_4, %dma_start3A_5] : memref<6912x1024xf32, #tpu.memory_space<hbm>> -> memref<6912x1024xf32, #tpu.memory_space<hbm>>
    tpu.enqueue_indirect_dma source(%dma_start3A_6 : memref<6912x1024xf32, #tpu.memory_space<hbm>>) target(%arg12 : memref<16x1024xf32, #tpu.memory_space<vmem>>) offsets(%dma_start3A_3 : memref<16xi32, #tpu.memory_space<vmem>>) semaphore(%arg18 : memref<!tpu.dma_semaphore, #tpu.memory_space<semaphore_mem>>)
    %dma_start3A_7 = arith.constant 0 : i32
    %dma_start3A_8 = arith.constant 0 : i32
    %dma_start3A_9 = tpu.memref_slice %arg9[%dma_start3A_7, %dma_start3A_8] : memref<4x16xi32, #tpu.memory_space<vmem>> -> memref<1x16xi32, #tpu.memory_space<vmem>>
    %dma_start3A_10 = tpu.memref_squeeze %dma_start3A_9 : memref<1x16xi32, #tpu.memory_space<vmem>> -> memref<16xi32, #tpu.memory_space<vmem>>
    %dma_start3A_11 = arith.constant 0 : i32
    %dma_start3A_12 = arith.constant 0 : i32
    %dma_start3A_13 = tpu.memref_slice %arg2[%dma_start3A_11, %dma_start3A_12] : memref<6912x1024xf32, #tpu.memory_space<hbm>> -> memref<6912x1024xf32, #tpu.memory_space<hbm>>
    tpu.enqueue_indirect_dma source(%dma_start3A_13 : memref<6912x1024xf32, #tpu.memory_space<hbm>>) target(%arg13 : memref<16x1024xf32, #tpu.memory_space<vmem>>) offsets(%dma_start3A_10 : memref<16xi32, #tpu.memory_space<vmem>>) semaphore(%arg18 : memref<!tpu.dma_semaphore, #tpu.memory_space<semaphore_mem>>)
    %dma_start3A_14 = arith.constant 1 : i32
    %dma_start3A_15 = arith.constant 0 : i32
    %dma_start3A_16 = tpu.memref_slice %arg8[%dma_start3A_14, %dma_start3A_15] : memref<4x16xi32, #tpu.memory_space<vmem>> -> memref<1x16xi32, #tpu.memory_space<vmem>>
    %dma_start3A_17 = tpu.memref_squeeze %dma_start3A_16 : memref<1x16xi32, #tpu.memory_space<vmem>> -> memref<16xi32, #tpu.memory_space<vmem>>
    %dma_start3A_18 = arith.constant 0 : i32
    %dma_start3A_19 = arith.constant 0 : i32
    %dma_start3A_20 = tpu.memref_slice %arg2[%dma_start3A_18, %dma_start3A_19] : memref<6912x1024xf32, #tpu.memory_space<hbm>> -> memref<6912x1024xf32, #tpu.memory_space<hbm>>
    tpu.enqueue_indirect_dma source(%dma_start3A_20 : memref<6912x1024xf32, #tpu.memory_space<hbm>>) target(%arg14 : memref<16x1024xf32, #tpu.memory_space<vmem>>) offsets(%dma_start3A_17 : memref<16xi32, #tpu.memory_space<vmem>>) semaphore(%arg19 : memref<!tpu.dma_semaphore, #tpu.memory_space<semaphore_mem>>)
    %dma_start3A_21 = arith.constant 1 : i32
    %dma_start3A_22 = arith.constant 0 : i32
    %dma_start3A_23 = tpu.memref_slice %arg9[%dma_start3A_21, %dma_start3A_22] : memref<4x16xi32, #tpu.memory_space<vmem>> -> memref<1x16xi32, #tpu.memory_space<vmem>>
    %dma_start3A_24 = tpu.memref_squeeze %dma_start3A_23 : memref<1x16xi32, #tpu.memory_space<vmem>> -> memref<16xi32, #tpu.memory_space<vmem>>
    %dma_start3A_25 = arith.constant 0 : i32
    %dma_start3A_26 = arith.constant 0 : i32
    %dma_start3A_27 = tpu.memref_slice %arg2[%dma_start3A_25, %dma_start3A_26] : memref<6912x1024xf32, #tpu.memory_space<hbm>> -> memref<6912x1024xf32, #tpu.memory_space<hbm>>
    tpu.enqueue_indirect_dma source(%dma_start3A_27 : memref<6912x1024xf32, #tpu.memory_space<hbm>>) target(%arg15 : memref<16x1024xf32, #tpu.memory_space<vmem>>) offsets(%dma_start3A_24 : memref<16xi32, #tpu.memory_space<vmem>>) semaphore(%arg19 : memref<!tpu.dma_semaphore, #tpu.memory_space<semaphore_mem>>)
    %dma_wait3A = arith.constant 0 : i32
    %dma_wait3A_28 = arith.constant 0 : i32
    %dma_wait3A_29 = tpu.memref_slice %arg8[%dma_wait3A, %dma_wait3A_28] : memref<4x16xi32, #tpu.memory_space<vmem>> -> memref<1x16xi32, #tpu.memory_space<vmem>>
    %dma_wait3A_30 = tpu.memref_squeeze %dma_wait3A_29 : memref<1x16xi32, #tpu.memory_space<vmem>> -> memref<16xi32, #tpu.memory_space<vmem>>
    %dma_wait3A_31 = arith.constant 0 : i32
    %dma_wait3A_32 = arith.constant 0 : i32
    %dma_wait3A_33 = tpu.memref_slice %arg2[%dma_wait3A_31, %dma_wait3A_32] : memref<6912x1024xf32, #tpu.memory_space<hbm>> -> memref<6912x1024xf32, #tpu.memory_space<hbm>>
    tpu.wait_indirect_dma semaphore(%arg18 : memref<!tpu.dma_semaphore, #tpu.memory_space<semaphore_mem>>) src(%dma_wait3A_33 : memref<6912x1024xf32, #tpu.memory_space<hbm>>) dst(%arg12 : memref<16x1024xf32, #tpu.memory_space<vmem>>)
    %dma_wait3A_34 = arith.constant 0 : i32
    %dma_wait3A_35 = arith.constant 0 : i32
    %dma_wait3A_36 = tpu.memref_slice %arg9[%dma_wait3A_34, %dma_wait3A_35] : memref<4x16xi32, #tpu.memory_space<vmem>> -> memref<1x16xi32, #tpu.memory_space<vmem>>
    %dma_wait3A_37 = tpu.memref_squeeze %dma_wait3A_36 : memref<1x16xi32, #tpu.memory_space<vmem>> -> memref<16xi32, #tpu.memory_space<vmem>>
    %dma_wait3A_38 = arith.constant 0 : i32
    %dma_wait3A_39 = arith.constant 0 : i32
    %dma_wait3A_40 = tpu.memref_slice %arg2[%dma_wait3A_38, %dma_wait3A_39] : memref<6912x1024xf32, #tpu.memory_space<hbm>> -> memref<6912x1024xf32, #tpu.memory_space<hbm>>
    tpu.wait_indirect_dma semaphore(%arg18 : memref<!tpu.dma_semaphore, #tpu.memory_space<semaphore_mem>>) src(%dma_wait3A_40 : memref<6912x1024xf32, #tpu.memory_space<hbm>>) dst(%arg13 : memref<16x1024xf32, #tpu.memory_space<vmem>>)
    %scan3A = arith.constant 0 : i32
    %scan3A_41 = arith.constant 0 : i32
    %scan3A_42 = arith.constant 16 : i32
    %scan3A_43 = arith.addi %scan3A_41, %scan3A_42 : i32
    %scan3A_44 = arith.constant 1 : i32
    scf.for %scan3A_182 = %scan3A_41 to %scan3A_43 step %scan3A_44  : i32 {
      %broadcast_in_dim3A = vector.broadcast %scan3A_182 : i32 to vector<16xi32>
      %add3A_183 = arith.constant 0 : i32
      %add3A_184 = vector.broadcast %add3A_183 : i32 to vector<16xi32>
      %add3A_185 = arith.addi %broadcast_in_dim3A, %add3A_184 : vector<16xi32>
      %gather3A = tpu.vector_load_idx %arg10[%add3A_185] : memref<64xf32, #tpu.memory_space<vmem>>[vector<16xi32>], vector<16xf32>,
      %gather3A_186 = tpu.vector_load_idx %arg11[%add3A_185] : memref<64xf32, #tpu.memory_space<vmem>>[vector<16xi32>], vector<16xf32>,
      %scan3A_187 = arith.constant 0 : i32
      %scan3A_188 = arith.constant 64 : i32
      %scan3A_189 = arith.addi %scan3A_187, %scan3A_188 : i32
      %scan3A_190 = arith.constant 1 : i32
      scf.for %scan3A_192 = %scan3A_187 to %scan3A_189 step %scan3A_190  : i32 {
        %mul3A_193 = arith.constant 16 : i32
        %mul3A_194 = arith.muli %scan3A_192, %mul3A_193 : i32
        %get3A = arith.index_cast %scan3A_182 : i32 to index
        %get3A_195 = arith.index_cast %mul3A_194 : i32 to index
        %get3A_196 = tpu.vector_load %arg12[%get3A, %get3A_195] {strides = array<i32>} : memref<16x1024xf32, #tpu.memory_space<vmem>>, vector<16xf32>,
        %mul3A_197 = arith.mulf %get3A_196, %gather3A : vector<16xf32>
        %get3A_198 = arith.index_cast %scan3A_182 : i32 to index
        %get3A_199 = arith.index_cast %mul3A_194 : i32 to index
        %get3A_200 = tpu.vector_load %arg13[%get3A_198, %get3A_199] {strides = array<i32>} : memref<16x1024xf32, #tpu.memory_space<vmem>>, vector<16xf32>,
        %mul3A_201 = arith.mulf %get3A_200, %gather3A_186 : vector<16xf32>
        %add3A_202 = arith.addf %mul3A_197, %mul3A_201 : vector<16xf32>
        %swap3A = arith.index_cast %scan3A_182 : i32 to index
        %swap3A_203 = arith.index_cast %mul3A_194 : i32 to index
        %swap3A_204 = tpu.vector_load %arg16[%swap3A, %swap3A_203] {strides = array<i32>} : memref<16x1024xf32, #tpu.memory_space<vmem>>, vector<16xf32>,
        tpu.vector_store %arg16[%swap3A, %swap3A_203], %add3A_202 {strides = array<i32>} : memref<16x1024xf32, #tpu.memory_space<vmem>>, vector<16xf32>,
      }
      %scan3A_191 = arith.constant 64 : i32
    }
    %scan3A_45 = arith.constant 16 : i32
    %mul3A_46 = arith.constant 64 : i32
    %mul3A_47 = arith.muli %add3A, %mul3A_46 : i32
    %add3A_48 = arith.constant 0 : i32
    %add3A_49 = arith.addi %mul3A_47, %add3A_48 : i32
    %dma_start3A_50 = arith.constant 0 : i32
    %dma_start3A_51 = tpu.memref_slice %arg7[%add3A_49, %dma_start3A_50] : memref<2048x1024xf32, #tpu.memory_space<hbm>> -> memref<16x1024xf32, #tpu.memory_space<hbm>>
    %dma_start3A_52 = arith.constant 0 : i32
    %dma_start3A_53 = tpu.memref_slice %arg7[%add3A_49, %dma_start3A_52] : memref<2048x1024xf32, #tpu.memory_space<hbm>> -> memref<16x1024xf32, #tpu.memory_space<hbm>>
    tpu.enqueue_dma source(%arg16 : memref<16x1024xf32, #tpu.memory_space<vmem>>) target(%dma_start3A_53 : memref<16x1024xf32, #tpu.memory_space<hbm>>) target_semaphore(%arg20 : memref<!tpu.dma_semaphore, #tpu.memory_space<semaphore_mem>>)
    %dma_start3A_54 = arith.constant 2 : i32
    %dma_start3A_55 = arith.constant 0 : i32
    %dma_start3A_56 = tpu.memref_slice %arg8[%dma_start3A_54, %dma_start3A_55] : memref<4x16xi32, #tpu.memory_space<vmem>> -> memref<1x16xi32, #tpu.memory_space<vmem>>
    %dma_start3A_57 = tpu.memref_squeeze %dma_start3A_56 : memref<1x16xi32, #tpu.memory_space<vmem>> -> memref<16xi32, #tpu.memory_space<vmem>>
    %dma_start3A_58 = arith.constant 0 : i32
    %dma_start3A_59 = arith.constant 0 : i32
    %dma_start3A_60 = tpu.memref_slice %arg2[%dma_start3A_58, %dma_start3A_59] : memref<6912x1024xf32, #tpu.memory_space<hbm>> -> memref<6912x1024xf32, #tpu.memory_space<hbm>>
    tpu.enqueue_indirect_dma source(%dma_start3A_60 : memref<6912x1024xf32, #tpu.memory_space<hbm>>) target(%arg12 : memref<16x1024xf32, #tpu.memory_space<vmem>>) offsets(%dma_start3A_57 : memref<16xi32, #tpu.memory_space<vmem>>) semaphore(%arg18 : memref<!tpu.dma_semaphore, #tpu.memory_space<semaphore_mem>>)
    %dma_start3A_61 = arith.constant 2 : i32
    %dma_start3A_62 = arith.constant 0 : i32
    %dma_start3A_63 = tpu.memref_slice %arg9[%dma_start3A_61, %dma_start3A_62] : memref<4x16xi32, #tpu.memory_space<vmem>> -> memref<1x16xi32, #tpu.memory_space<vmem>>
    %dma_start3A_64 = tpu.memref_squeeze %dma_start3A_63 : memref<1x16xi32, #tpu.memory_space<vmem>> -> memref<16xi32, #tpu.memory_space<vmem>>
    %dma_start3A_65 = arith.constant 0 : i32
    %dma_start3A_66 = arith.constant 0 : i32
    %dma_start3A_67 = tpu.memref_slice %arg2[%dma_start3A_65, %dma_start3A_66] : memref<6912x1024xf32, #tpu.memory_space<hbm>> -> memref<6912x1024xf32, #tpu.memory_space<hbm>>
    tpu.enqueue_indirect_dma source(%dma_start3A_67 : memref<6912x1024xf32, #tpu.memory_space<hbm>>) target(%arg13 : memref<16x1024xf32, #tpu.memory_space<vmem>>) offsets(%dma_start3A_64 : memref<16xi32, #tpu.memory_space<vmem>>) semaphore(%arg18 : memref<!tpu.dma_semaphore, #tpu.memory_space<semaphore_mem>>)
    %dma_wait3A_68 = arith.constant 1 : i32
    %dma_wait3A_69 = arith.constant 0 : i32
    %dma_wait3A_70 = tpu.memref_slice %arg8[%dma_wait3A_68, %dma_wait3A_69] : memref<4x16xi32, #tpu.memory_space<vmem>> -> memref<1x16xi32, #tpu.memory_space<vmem>>
    %dma_wait3A_71 = tpu.memref_squeeze %dma_wait3A_70 : memref<1x16xi32, #tpu.memory_space<vmem>> -> memref<16xi32, #tpu.memory_space<vmem>>
    %dma_wait3A_72 = arith.constant 0 : i32
    %dma_wait3A_73 = arith.constant 0 : i32
    %dma_wait3A_74 = tpu.memref_slice %arg2[%dma_wait3A_72, %dma_wait3A_73] : memref<6912x1024xf32, #tpu.memory_space<hbm>> -> memref<6912x1024xf32, #tpu.memory_space<hbm>>
    tpu.wait_indirect_dma semaphore(%arg19 : memref<!tpu.dma_semaphore, #tpu.memory_space<semaphore_mem>>) src(%dma_wait3A_74 : memref<6912x1024xf32, #tpu.memory_space<hbm>>) dst(%arg14 : memref<16x1024xf32, #tpu.memory_space<vmem>>)
    %dma_wait3A_75 = arith.constant 1 : i32
    %dma_wait3A_76 = arith.constant 0 : i32
    %dma_wait3A_77 = tpu.memref_slice %arg9[%dma_wait3A_75, %dma_wait3A_76] : memref<4x16xi32, #tpu.memory_space<vmem>> -> memref<1x16xi32, #tpu.memory_space<vmem>>
    %dma_wait3A_78 = tpu.memref_squeeze %dma_wait3A_77 : memref<1x16xi32, #tpu.memory_space<vmem>> -> memref<16xi32, #tpu.memory_space<vmem>>
    %dma_wait3A_79 = arith.constant 0 : i32
    %dma_wait3A_80 = arith.constant 0 : i32
    %dma_wait3A_81 = tpu.memref_slice %arg2[%dma_wait3A_79, %dma_wait3A_80] : memref<6912x1024xf32, #tpu.memory_space<hbm>> -> memref<6912x1024xf32, #tpu.memory_space<hbm>>
    tpu.wait_indirect_dma semaphore(%arg19 : memref<!tpu.dma_semaphore, #tpu.memory_space<semaphore_mem>>) src(%dma_wait3A_81 : memref<6912x1024xf32, #tpu.memory_space<hbm>>) dst(%arg15 : memref<16x1024xf32, #tpu.memory_space<vmem>>)
    %scan3A_82 = arith.constant 0 : i32
    %scan3A_83 = arith.constant 0 : i32
    %scan3A_84 = arith.constant 16 : i32
    %scan3A_85 = arith.addi %scan3A_83, %scan3A_84 : i32
    %scan3A_86 = arith.constant 1 : i32
    scf.for %scan3A_182 = %scan3A_83 to %scan3A_85 step %scan3A_86  : i32 {
      %broadcast_in_dim3A = vector.broadcast %scan3A_182 : i32 to vector<16xi32>
      %add3A_183 = arith.constant 16 : i32
      %add3A_184 = vector.broadcast %add3A_183 : i32 to vector<16xi32>
      %add3A_185 = arith.addi %broadcast_in_dim3A, %add3A_184 : vector<16xi32>
      %gather3A = tpu.vector_load_idx %arg10[%add3A_185] : memref<64xf32, #tpu.memory_space<vmem>>[vector<16xi32>], vector<16xf32>,
      %gather3A_186 = tpu.vector_load_idx %arg11[%add3A_185] : memref<64xf32, #tpu.memory_space<vmem>>[vector<16xi32>], vector<16xf32>,
      %scan3A_187 = arith.constant 0 : i32
      %scan3A_188 = arith.constant 64 : i32
      %scan3A_189 = arith.addi %scan3A_187, %scan3A_188 : i32
      %scan3A_190 = arith.constant 1 : i32
      scf.for %scan3A_192 = %scan3A_187 to %scan3A_189 step %scan3A_190  : i32 {
        %mul3A_193 = arith.constant 16 : i32
        %mul3A_194 = arith.muli %scan3A_192, %mul3A_193 : i32
        %get3A = arith.index_cast %scan3A_182 : i32 to index
        %get3A_195 = arith.index_cast %mul3A_194 : i32 to index
        %get3A_196 = tpu.vector_load %arg14[%get3A, %get3A_195] {strides = array<i32>} : memref<16x1024xf32, #tpu.memory_space<vmem>>, vector<16xf32>,
        %mul3A_197 = arith.mulf %get3A_196, %gather3A : vector<16xf32>
        %get3A_198 = arith.index_cast %scan3A_182 : i32 to index
        %get3A_199 = arith.index_cast %mul3A_194 : i32 to index
        %get3A_200 = tpu.vector_load %arg15[%get3A_198, %get3A_199] {strides = array<i32>} : memref<16x1024xf32, #tpu.memory_space<vmem>>, vector<16xf32>,
        %mul3A_201 = arith.mulf %get3A_200, %gather3A_186 : vector<16xf32>
        %add3A_202 = arith.addf %mul3A_197, %mul3A_201 : vector<16xf32>
        %swap3A = arith.index_cast %scan3A_182 : i32 to index
        %swap3A_203 = arith.index_cast %mul3A_194 : i32 to index
        %swap3A_204 = tpu.vector_load %arg17[%swap3A, %swap3A_203] {strides = array<i32>} : memref<16x1024xf32, #tpu.memory_space<vmem>>, vector<16xf32>,
        tpu.vector_store %arg17[%swap3A, %swap3A_203], %add3A_202 {strides = array<i32>} : memref<16x1024xf32, #tpu.memory_space<vmem>>, vector<16xf32>,
      }
      %scan3A_191 = arith.constant 64 : i32
    }
    %scan3A_87 = arith.constant 16 : i32
    %mul3A_88 = arith.constant 64 : i32
    %mul3A_89 = arith.muli %add3A, %mul3A_88 : i32
    %add3A_90 = arith.constant 16 : i32
    %add3A_91 = arith.addi %mul3A_89, %add3A_90 : i32
    %dma_start3A_92 = arith.constant 0 : i32
    %dma_start3A_93 = tpu.memref_slice %arg7[%add3A_91, %dma_start3A_92] : memref<2048x1024xf32, #tpu.memory_space<hbm>> -> memref<16x1024xf32, #tpu.memory_space<hbm>>
    %dma_start3A_94 = arith.constant 0 : i32
    %dma_start3A_95 = tpu.memref_slice %arg7[%add3A_91, %dma_start3A_94] : memref<2048x1024xf32, #tpu.memory_space<hbm>> -> memref<16x1024xf32, #tpu.memory_space<hbm>>
    tpu.enqueue_dma source(%arg17 : memref<16x1024xf32, #tpu.memory_space<vmem>>) target(%dma_start3A_95 : memref<16x1024xf32, #tpu.memory_space<hbm>>) target_semaphore(%arg21 : memref<!tpu.dma_semaphore, #tpu.memory_space<semaphore_mem>>)
    %dma_start3A_96 = arith.constant 3 : i32
    %dma_start3A_97 = arith.constant 0 : i32
    %dma_start3A_98 = tpu.memref_slice %arg8[%dma_start3A_96, %dma_start3A_97] : memref<4x16xi32, #tpu.memory_space<vmem>> -> memref<1x16xi32, #tpu.memory_space<vmem>>
    %dma_start3A_99 = tpu.memref_squeeze %dma_start3A_98 : memref<1x16xi32, #tpu.memory_space<vmem>> -> memref<16xi32, #tpu.memory_space<vmem>>
    %dma_start3A_100 = arith.constant 0 : i32
    %dma_start3A_101 = arith.constant 0 : i32
    %dma_start3A_102 = tpu.memref_slice %arg2[%dma_start3A_100, %dma_start3A_101] : memref<6912x1024xf32, #tpu.memory_space<hbm>> -> memref<6912x1024xf32, #tpu.memory_space<hbm>>
    tpu.enqueue_indirect_dma source(%dma_start3A_102 : memref<6912x1024xf32, #tpu.memory_space<hbm>>) target(%arg14 : memref<16x1024xf32, #tpu.memory_space<vmem>>) offsets(%dma_start3A_99 : memref<16xi32, #tpu.memory_space<vmem>>) semaphore(%arg19 : memref<!tpu.dma_semaphore, #tpu.memory_space<semaphore_mem>>)
    %dma_start3A_103 = arith.constant 3 : i32
    %dma_start3A_104 = arith.constant 0 : i32
    %dma_start3A_105 = tpu.memref_slice %arg9[%dma_start3A_103, %dma_start3A_104] : memref<4x16xi32, #tpu.memory_space<vmem>> -> memref<1x16xi32, #tpu.memory_space<vmem>>
    %dma_start3A_106 = tpu.memref_squeeze %dma_start3A_105 : memref<1x16xi32, #tpu.memory_space<vmem>> -> memref<16xi32, #tpu.memory_space<vmem>>
    %dma_start3A_107 = arith.constant 0 : i32
    %dma_start3A_108 = arith.constant 0 : i32
    %dma_start3A_109 = tpu.memref_slice %arg2[%dma_start3A_107, %dma_start3A_108] : memref<6912x1024xf32, #tpu.memory_space<hbm>> -> memref<6912x1024xf32, #tpu.memory_space<hbm>>
    tpu.enqueue_indirect_dma source(%dma_start3A_109 : memref<6912x1024xf32, #tpu.memory_space<hbm>>) target(%arg15 : memref<16x1024xf32, #tpu.memory_space<vmem>>) offsets(%dma_start3A_106 : memref<16xi32, #tpu.memory_space<vmem>>) semaphore(%arg19 : memref<!tpu.dma_semaphore, #tpu.memory_space<semaphore_mem>>)
    %dma_wait3A_110 = arith.constant 2 : i32
    %dma_wait3A_111 = arith.constant 0 : i32
    %dma_wait3A_112 = tpu.memref_slice %arg8[%dma_wait3A_110, %dma_wait3A_111] : memref<4x16xi32, #tpu.memory_space<vmem>> -> memref<1x16xi32, #tpu.memory_space<vmem>>
    %dma_wait3A_113 = tpu.memref_squeeze %dma_wait3A_112 : memref<1x16xi32, #tpu.memory_space<vmem>> -> memref<16xi32, #tpu.memory_space<vmem>>
    %dma_wait3A_114 = arith.constant 0 : i32
    %dma_wait3A_115 = arith.constant 0 : i32
    %dma_wait3A_116 = tpu.memref_slice %arg2[%dma_wait3A_114, %dma_wait3A_115] : memref<6912x1024xf32, #tpu.memory_space<hbm>> -> memref<6912x1024xf32, #tpu.memory_space<hbm>>
    tpu.wait_indirect_dma semaphore(%arg18 : memref<!tpu.dma_semaphore, #tpu.memory_space<semaphore_mem>>) src(%dma_wait3A_116 : memref<6912x1024xf32, #tpu.memory_space<hbm>>) dst(%arg12 : memref<16x1024xf32, #tpu.memory_space<vmem>>)
    %dma_wait3A_117 = arith.constant 2 : i32
    %dma_wait3A_118 = arith.constant 0 : i32
    %dma_wait3A_119 = tpu.memref_slice %arg9[%dma_wait3A_117, %dma_wait3A_118] : memref<4x16xi32, #tpu.memory_space<vmem>> -> memref<1x16xi32, #tpu.memory_space<vmem>>
    %dma_wait3A_120 = tpu.memref_squeeze %dma_wait3A_119 : memref<1x16xi32, #tpu.memory_space<vmem>> -> memref<16xi32, #tpu.memory_space<vmem>>
    %dma_wait3A_121 = arith.constant 0 : i32
    %dma_wait3A_122 = arith.constant 0 : i32
    %dma_wait3A_123 = tpu.memref_slice %arg2[%dma_wait3A_121, %dma_wait3A_122] : memref<6912x1024xf32, #tpu.memory_space<hbm>> -> memref<6912x1024xf32, #tpu.memory_space<hbm>>
    tpu.wait_indirect_dma semaphore(%arg18 : memref<!tpu.dma_semaphore, #tpu.memory_space<semaphore_mem>>) src(%dma_wait3A_123 : memref<6912x1024xf32, #tpu.memory_space<hbm>>) dst(%arg13 : memref<16x1024xf32, #tpu.memory_space<vmem>>)
    %dma_wait3A_124 = arith.constant 0 : i32
    %dma_wait3A_125 = tpu.memref_slice %arg7[%add3A_49, %dma_wait3A_124] : memref<2048x1024xf32, #tpu.memory_space<hbm>> -> memref<16x1024xf32, #tpu.memory_space<hbm>>
    %dma_wait3A_126 = arith.constant 0 : i32
    %dma_wait3A_127 = tpu.memref_slice %arg7[%add3A_49, %dma_wait3A_126] : memref<2048x1024xf32, #tpu.memory_space<hbm>> -> memref<16x1024xf32, #tpu.memory_space<hbm>>
    tpu.wait_dma2 semaphore(%arg20 : memref<!tpu.dma_semaphore, #tpu.memory_space<semaphore_mem>>) src(%arg16 : memref<16x1024xf32, #tpu.memory_space<vmem>>) dst(%dma_wait3A_127 : memref<16x1024xf32, #tpu.memory_space<hbm>>)
    %scan3A_128 = arith.constant 0 : i32
    %scan3A_129 = arith.constant 0 : i32
    %scan3A_130 = arith.constant 16 : i32
    %scan3A_131 = arith.addi %scan3A_129, %scan3A_130 : i32
    %scan3A_132 = arith.constant 1 : i32
    scf.for %scan3A_182 = %scan3A_129 to %scan3A_131 step %scan3A_132  : i32 {
      %broadcast_in_dim3A = vector.broadcast %scan3A_182 : i32 to vector<16xi32>
      %add3A_183 = arith.constant 32 : i32
      %add3A_184 = vector.broadcast %add3A_183 : i32 to vector<16xi32>
      %add3A_185 = arith.addi %broadcast_in_dim3A, %add3A_184 : vector<16xi32>
      %gather3A = tpu.vector_load_idx %arg10[%add3A_185] : memref<64xf32, #tpu.memory_space<vmem>>[vector<16xi32>], vector<16xf32>,
      %gather3A_186 = tpu.vector_load_idx %arg11[%add3A_185] : memref<64xf32, #tpu.memory_space<vmem>>[vector<16xi32>], vector<16xf32>,
      %scan3A_187 = arith.constant 0 : i32
      %scan3A_188 = arith.constant 64 : i32
      %scan3A_189 = arith.addi %scan3A_187, %scan3A_188 : i32
      %scan3A_190 = arith.constant 1 : i32
      scf.for %scan3A_192 = %scan3A_187 to %scan3A_189 step %scan3A_190  : i32 {
        %mul3A_193 = arith.constant 16 : i32
        %mul3A_194 = arith.muli %scan3A_192, %mul3A_193 : i32
        %get3A = arith.index_cast %scan3A_182 : i32 to index
        %get3A_195 = arith.index_cast %mul3A_194 : i32 to index
        %get3A_196 = tpu.vector_load %arg12[%get3A, %get3A_195] {strides = array<i32>} : memref<16x1024xf32, #tpu.memory_space<vmem>>, vector<16xf32>,
        %mul3A_197 = arith.mulf %get3A_196, %gather3A : vector<16xf32>
        %get3A_198 = arith.index_cast %scan3A_182 : i32 to index
        %get3A_199 = arith.index_cast %mul3A_194 : i32 to index
        %get3A_200 = tpu.vector_load %arg13[%get3A_198, %get3A_199] {strides = array<i32>} : memref<16x1024xf32, #tpu.memory_space<vmem>>, vector<16xf32>,
        %mul3A_201 = arith.mulf %get3A_200, %gather3A_186 : vector<16xf32>
        %add3A_202 = arith.addf %mul3A_197, %mul3A_201 : vector<16xf32>
        %swap3A = arith.index_cast %scan3A_182 : i32 to index
        %swap3A_203 = arith.index_cast %mul3A_194 : i32 to index
        %swap3A_204 = tpu.vector_load %arg16[%swap3A, %swap3A_203] {strides = array<i32>} : memref<16x1024xf32, #tpu.memory_space<vmem>>, vector<16xf32>,
        tpu.vector_store %arg16[%swap3A, %swap3A_203], %add3A_202 {strides = array<i32>} : memref<16x1024xf32, #tpu.memory_space<vmem>>, vector<16xf32>,
      }
      %scan3A_191 = arith.constant 64 : i32
    }
    %scan3A_133 = arith.constant 16 : i32
    %mul3A_134 = arith.constant 64 : i32
    %mul3A_135 = arith.muli %add3A, %mul3A_134 : i32
    %add3A_136 = arith.constant 32 : i32
    %add3A_137 = arith.addi %mul3A_135, %add3A_136 : i32
    %dma_start3A_138 = arith.constant 0 : i32
    %dma_start3A_139 = tpu.memref_slice %arg7[%add3A_137, %dma_start3A_138] : memref<2048x1024xf32, #tpu.memory_space<hbm>> -> memref<16x1024xf32, #tpu.memory_space<hbm>>
    %dma_start3A_140 = arith.constant 0 : i32
    %dma_start3A_141 = tpu.memref_slice %arg7[%add3A_137, %dma_start3A_140] : memref<2048x1024xf32, #tpu.memory_space<hbm>> -> memref<16x1024xf32, #tpu.memory_space<hbm>>
    tpu.enqueue_dma source(%arg16 : memref<16x1024xf32, #tpu.memory_space<vmem>>) target(%dma_start3A_141 : memref<16x1024xf32, #tpu.memory_space<hbm>>) target_semaphore(%arg20 : memref<!tpu.dma_semaphore, #tpu.memory_space<semaphore_mem>>)
    %dma_wait3A_142 = arith.constant 3 : i32
    %dma_wait3A_143 = arith.constant 0 : i32
    %dma_wait3A_144 = tpu.memref_slice %arg8[%dma_wait3A_142, %dma_wait3A_143] : memref<4x16xi32, #tpu.memory_space<vmem>> -> memref<1x16xi32, #tpu.memory_space<vmem>>
    %dma_wait3A_145 = tpu.memref_squeeze %dma_wait3A_144 : memref<1x16xi32, #tpu.memory_space<vmem>> -> memref<16xi32, #tpu.memory_space<vmem>>
    %dma_wait3A_146 = arith.constant 0 : i32
    %dma_wait3A_147 = arith.constant 0 : i32
    %dma_wait3A_148 = tpu.memref_slice %arg2[%dma_wait3A_146, %dma_wait3A_147] : memref<6912x1024xf32, #tpu.memory_space<hbm>> -> memref<6912x1024xf32, #tpu.memory_space<hbm>>
    tpu.wait_indirect_dma semaphore(%arg19 : memref<!tpu.dma_semaphore, #tpu.memory_space<semaphore_mem>>) src(%dma_wait3A_148 : memref<6912x1024xf32, #tpu.memory_space<hbm>>) dst(%arg14 : memref<16x1024xf32, #tpu.memory_space<vmem>>)
    %dma_wait3A_149 = arith.constant 3 : i32
    %dma_wait3A_150 = arith.constant 0 : i32
    %dma_wait3A_151 = tpu.memref_slice %arg9[%dma_wait3A_149, %dma_wait3A_150] : memref<4x16xi32, #tpu.memory_space<vmem>> -> memref<1x16xi32, #tpu.memory_space<vmem>>
    %dma_wait3A_152 = tpu.memref_squeeze %dma_wait3A_151 : memref<1x16xi32, #tpu.memory_space<vmem>> -> memref<16xi32, #tpu.memory_space<vmem>>
    %dma_wait3A_153 = arith.constant 0 : i32
    %dma_wait3A_154 = arith.constant 0 : i32
    %dma_wait3A_155 = tpu.memref_slice %arg2[%dma_wait3A_153, %dma_wait3A_154] : memref<6912x1024xf32, #tpu.memory_space<hbm>> -> memref<6912x1024xf32, #tpu.memory_space<hbm>>
    tpu.wait_indirect_dma semaphore(%arg19 : memref<!tpu.dma_semaphore, #tpu.memory_space<semaphore_mem>>) src(%dma_wait3A_155 : memref<6912x1024xf32, #tpu.memory_space<hbm>>) dst(%arg15 : memref<16x1024xf32, #tpu.memory_space<vmem>>)
    %dma_wait3A_156 = arith.constant 0 : i32
    %dma_wait3A_157 = tpu.memref_slice %arg7[%add3A_91, %dma_wait3A_156] : memref<2048x1024xf32, #tpu.memory_space<hbm>> -> memref<16x1024xf32, #tpu.memory_space<hbm>>
    %dma_wait3A_158 = arith.constant 0 : i32
    %dma_wait3A_159 = tpu.memref_slice %arg7[%add3A_91, %dma_wait3A_158] : memref<2048x1024xf32, #tpu.memory_space<hbm>> -> memref<16x1024xf32, #tpu.memory_space<hbm>>
    tpu.wait_dma2 semaphore(%arg21 : memref<!tpu.dma_semaphore, #tpu.memory_space<semaphore_mem>>) src(%arg17 : memref<16x1024xf32, #tpu.memory_space<vmem>>) dst(%dma_wait3A_159 : memref<16x1024xf32, #tpu.memory_space<hbm>>)
    %scan3A_160 = arith.constant 0 : i32
    %scan3A_161 = arith.constant 0 : i32
    %scan3A_162 = arith.constant 16 : i32
    %scan3A_163 = arith.addi %scan3A_161, %scan3A_162 : i32
    %scan3A_164 = arith.constant 1 : i32
    scf.for %scan3A_182 = %scan3A_161 to %scan3A_163 step %scan3A_164  : i32 {
      %broadcast_in_dim3A = vector.broadcast %scan3A_182 : i32 to vector<16xi32>
      %add3A_183 = arith.constant 48 : i32
      %add3A_184 = vector.broadcast %add3A_183 : i32 to vector<16xi32>
      %add3A_185 = arith.addi %broadcast_in_dim3A, %add3A_184 : vector<16xi32>
      %gather3A = tpu.vector_load_idx %arg10[%add3A_185] : memref<64xf32, #tpu.memory_space<vmem>>[vector<16xi32>], vector<16xf32>,
      %gather3A_186 = tpu.vector_load_idx %arg11[%add3A_185] : memref<64xf32, #tpu.memory_space<vmem>>[vector<16xi32>], vector<16xf32>,
      %scan3A_187 = arith.constant 0 : i32
      %scan3A_188 = arith.constant 64 : i32
      %scan3A_189 = arith.addi %scan3A_187, %scan3A_188 : i32
      %scan3A_190 = arith.constant 1 : i32
      scf.for %scan3A_192 = %scan3A_187 to %scan3A_189 step %scan3A_190  : i32 {
        %mul3A_193 = arith.constant 16 : i32
        %mul3A_194 = arith.muli %scan3A_192, %mul3A_193 : i32
        %get3A = arith.index_cast %scan3A_182 : i32 to index
        %get3A_195 = arith.index_cast %mul3A_194 : i32 to index
        %get3A_196 = tpu.vector_load %arg14[%get3A, %get3A_195] {strides = array<i32>} : memref<16x1024xf32, #tpu.memory_space<vmem>>, vector<16xf32>,
        %mul3A_197 = arith.mulf %get3A_196, %gather3A : vector<16xf32>
        %get3A_198 = arith.index_cast %scan3A_182 : i32 to index
        %get3A_199 = arith.index_cast %mul3A_194 : i32 to index
        %get3A_200 = tpu.vector_load %arg15[%get3A_198, %get3A_199] {strides = array<i32>} : memref<16x1024xf32, #tpu.memory_space<vmem>>, vector<16xf32>,
        %mul3A_201 = arith.mulf %get3A_200, %gather3A_186 : vector<16xf32>
        %add3A_202 = arith.addf %mul3A_197, %mul3A_201 : vector<16xf32>
        %swap3A = arith.index_cast %scan3A_182 : i32 to index
        %swap3A_203 = arith.index_cast %mul3A_194 : i32 to index
        %swap3A_204 = tpu.vector_load %arg17[%swap3A, %swap3A_203] {strides = array<i32>} : memref<16x1024xf32, #tpu.memory_space<vmem>>, vector<16xf32>,
        tpu.vector_store %arg17[%swap3A, %swap3A_203], %add3A_202 {strides = array<i32>} : memref<16x1024xf32, #tpu.memory_space<vmem>>, vector<16xf32>,
      }
      %scan3A_191 = arith.constant 64 : i32
    }
    %scan3A_165 = arith.constant 16 : i32
    %mul3A_166 = arith.constant 64 : i32
    %mul3A_167 = arith.muli %add3A, %mul3A_166 : i32
    %add3A_168 = arith.constant 48 : i32
    %add3A_169 = arith.addi %mul3A_167, %add3A_168 : i32
    %dma_start3A_170 = arith.constant 0 : i32
    %dma_start3A_171 = tpu.memref_slice %arg7[%add3A_169, %dma_start3A_170] : memref<2048x1024xf32, #tpu.memory_space<hbm>> -> memref<16x1024xf32, #tpu.memory_space<hbm>>
    %dma_start3A_172 = arith.constant 0 : i32
    %dma_start3A_173 = tpu.memref_slice %arg7[%add3A_169, %dma_start3A_172] : memref<2048x1024xf32, #tpu.memory_space<hbm>> -> memref<16x1024xf32, #tpu.memory_space<hbm>>
    tpu.enqueue_dma source(%arg17 : memref<16x1024xf32, #tpu.memory_space<vmem>>) target(%dma_start3A_173 : memref<16x1024xf32, #tpu.memory_space<hbm>>) target_semaphore(%arg21 : memref<!tpu.dma_semaphore, #tpu.memory_space<semaphore_mem>>)
    %dma_wait3A_174 = arith.constant 0 : i32
    %dma_wait3A_175 = tpu.memref_slice %arg7[%add3A_137, %dma_wait3A_174] : memref<2048x1024xf32, #tpu.memory_space<hbm>> -> memref<16x1024xf32, #tpu.memory_space<hbm>>
    %dma_wait3A_176 = arith.constant 0 : i32
    %dma_wait3A_177 = tpu.memref_slice %arg7[%add3A_137, %dma_wait3A_176] : memref<2048x1024xf32, #tpu.memory_space<hbm>> -> memref<16x1024xf32, #tpu.memory_space<hbm>>
    tpu.wait_dma2 semaphore(%arg20 : memref<!tpu.dma_semaphore, #tpu.memory_space<semaphore_mem>>) src(%arg16 : memref<16x1024xf32, #tpu.memory_space<vmem>>) dst(%dma_wait3A_177 : memref<16x1024xf32, #tpu.memory_space<hbm>>)
    %dma_wait3A_178 = arith.constant 0 : i32
    %dma_wait3A_179 = tpu.memref_slice %arg7[%add3A_169, %dma_wait3A_178] : memref<2048x1024xf32, #tpu.memory_space<hbm>> -> memref<16x1024xf32, #tpu.memory_space<hbm>>
    %dma_wait3A_180 = arith.constant 0 : i32
    %dma_wait3A_181 = tpu.memref_slice %arg7[%add3A_169, %dma_wait3A_180] : memref<2048x1024xf32, #tpu.memory_space<hbm>> -> memref<16x1024xf32, #tpu.memory_space<hbm>>
    tpu.wait_dma2 semaphore(%arg21 : memref<!tpu.dma_semaphore, #tpu.memory_space<semaphore_mem>>) src(%arg17 : memref<16x1024xf32, #tpu.memory_space<vmem>>) dst(%dma_wait3A_181 : memref<16x1024xf32, #tpu.memory_space<hbm>>)
    return
  }
}

module attributes {stable_mosaic.version = 14 : i64} {
  func.func @_gmm_kernel(%arg0: i32, %arg1: memref<32xi32, #tpu.memory_space<smem>>, %arg2: memref<384x1024xf32, #tpu.memory_space<vmem>>, %arg3: memref<1x4096x1024xf32, #tpu.memory_space<vmem>>, %arg4: memref<1x1024x2048xf32, #tpu.memory_space<vmem>>, %arg5: memref<384x1024xf32, #tpu.memory_space<vmem>>) attributes {dimension_semantics = [#tpu.dimension_semantics<arbitrary>], iteration_bounds = array<i64: 18>, scalar_prefetch = 1 : i64, scratch_operands = 0 : i64, tpu.core_type = #tpu.core_type<tc>, window_params = [{transform_indices = @transform_0, window_bounds = array<i64: 384, 1024>}, {transform_indices = @transform_1, window_bounds = array<i64: 1, 4096, 1024>}, {transform_indices = @transform_2, window_bounds = array<i64: 1, 1024, 2048>}, {transform_indices = @transform_3, window_bounds = array<i64: 384, 1024>}]} {
    %get3A = arith.constant 24 : index
    %get3A_0 = memref.load %arg1[%get3A] : memref<32xi32, #tpu.memory_space<smem>>
    %lt3A = arith.cmpi slt, %arg0, %get3A_0 : i32
    %convert_element_type3A = arith.extui %lt3A : i1 to i32
    %cond3A = arith.constant 0 : i32
    %cond3A_1 = arith.cmpi ne, %convert_element_type3A, %cond3A : i32
    scf.if %cond3A_1 {
      %get3A_2 = arith.constant 0 : index
      %get3A_3 = arith.constant 0 : index
      %get3A_4 = vector.load %arg2[%get3A_2, %get3A_3] : memref<384x1024xf32, #tpu.memory_space<vmem>>, vector<384x1024xf32>
      %get3A_5 = arith.constant 0 : index
      %get3A_6 = arith.constant 0 : index
      %get3A_7 = arith.constant 0 : index
      %get3A_8 = vector.load %arg3[%get3A_5, %get3A_6, %get3A_7] : memref<1x4096x1024xf32, #tpu.memory_space<vmem>>, vector<1x4096x1024xf32>
      %get3A_9 = vector.shape_cast %get3A_8 : vector<1x4096x1024xf32> to vector<4096x1024xf32>
      %slice3A = vector.extract_strided_slice %get3A_9 {offsets = [0, 0], sizes = [2048, 1024], strides = [1, 1]} : vector<4096x1024xf32> to vector<2048x1024xf32>
      %dot_general3A = arith.constant dense<0.000000e+00> : vector<384x2048xf32>
      %dot_general3A_10 = tpu.matmul %get3A_4, %slice3A, %dot_general3A {dimension_numbers = #tpu.dot_dimension_numbers<[1], [1], [0], [0], [0, 0, 1, 0], [], []>, transpose_lhs_hint = false} : vector<384x1024xf32>, vector<2048x1024xf32>, vector<384x2048xf32> -> vector<384x2048xf32>
      %slice3A_11 = vector.extract_strided_slice %get3A_9 {offsets = [2048, 0], sizes = [2048, 1024], strides = [1, 1]} : vector<4096x1024xf32> to vector<2048x1024xf32>
      %dot_general3A_12 = arith.constant dense<0.000000e+00> : vector<384x2048xf32>
      %dot_general3A_13 = tpu.matmul %get3A_4, %slice3A_11, %dot_general3A_12 {dimension_numbers = #tpu.dot_dimension_numbers<[1], [1], [0], [0], [0, 0, 1, 0], [], []>, transpose_lhs_hint = false} : vector<384x1024xf32>, vector<2048x1024xf32>, vector<384x2048xf32> -> vector<384x2048xf32>
      %logistic3A = arith.negf %dot_general3A_10 : vector<384x2048xf32>
      %logistic3A_14 = math.exp %logistic3A : vector<384x2048xf32>
      %logistic3A_15 = arith.constant 1.000000e+00 : f32
      %logistic3A_16 = vector.broadcast %logistic3A_15 : f32 to vector<384x2048xf32>
      %logistic3A_17 = arith.addf %logistic3A_16, %logistic3A_14 : vector<384x2048xf32>
      %logistic3A_18 = arith.divf %logistic3A_16, %logistic3A_17 : vector<384x2048xf32>
      %mul3A = arith.mulf %dot_general3A_10, %logistic3A_18 : vector<384x2048xf32>
      %mul3A_19 = arith.mulf %mul3A, %dot_general3A_13 : vector<384x2048xf32>
      %get3A_20 = arith.constant 0 : index
      %get3A_21 = arith.constant 0 : index
      %get3A_22 = arith.constant 0 : index
      %get3A_23 = vector.load %arg4[%get3A_20, %get3A_21, %get3A_22] : memref<1x1024x2048xf32, #tpu.memory_space<vmem>>, vector<1x1024x2048xf32>
      %get3A_24 = vector.shape_cast %get3A_23 : vector<1x1024x2048xf32> to vector<1024x2048xf32>
      %dot_general3A_25 = arith.constant dense<0.000000e+00> : vector<384x1024xf32>
      %dot_general3A_26 = tpu.matmul %mul3A_19, %get3A_24, %dot_general3A_25 {dimension_numbers = #tpu.dot_dimension_numbers<[1], [1], [0], [0], [0, 0, 1, 0], [], []>, transpose_lhs_hint = false} : vector<384x2048xf32>, vector<1024x2048xf32>, vector<384x1024xf32> -> vector<384x1024xf32>
      %swap3A = arith.constant 0 : index
      %swap3A_27 = arith.constant 0 : index
      %swap3A_28 = vector.load %arg5[%swap3A, %swap3A_27] : memref<384x1024xf32, #tpu.memory_space<vmem>>, vector<384x1024xf32>
      tpu.vector_store %arg5[%swap3A, %swap3A_27], %dot_general3A_26 {strides = array<i32>} : memref<384x1024xf32, #tpu.memory_space<vmem>>, vector<384x1024xf32>,
    } else {
    }
    return
  }
  func.func @transform_0(%arg0: i32, %arg1: memref<32xi32, #tpu.memory_space<smem>>) -> (i32, i32) {
    %get3A = arith.constant 24 : index
    %get3A_0 = memref.load %arg1[%get3A] : memref<32xi32, #tpu.memory_space<smem>>
    %sub3A = arith.constant 1 : i32
    %sub3A_1 = arith.subi %get3A_0, %sub3A : i32
    %min3A = arith.minsi %arg0, %sub3A_1 : i32
    %c0_i32 = arith.constant 0 : i32
    %c0_i32_2 = arith.constant 0 : i32
    return %min3A, %c0_i32 : i32, i32
  }
  func.func @transform_1(%arg0: i32, %arg1: memref<32xi32, #tpu.memory_space<smem>>) -> (i32, i32, i32) {
    %get3A = arith.constant 24 : index
    %get3A_0 = memref.load %arg1[%get3A] : memref<32xi32, #tpu.memory_space<smem>>
    %sub3A = arith.constant 1 : i32
    %sub3A_1 = arith.subi %get3A_0, %sub3A : i32
    %min3A = arith.minsi %arg0, %sub3A_1 : i32
    %get3A_2 = arith.index_cast %min3A : i32 to index
    %get3A_3 = memref.load %arg1[%get3A_2] : memref<32xi32, #tpu.memory_space<smem>>
    %c0_i32 = arith.constant 0 : i32
    %c0_i32_4 = arith.constant 0 : i32
    %c0_i32_5 = arith.constant 0 : i32
    return %get3A_3, %c0_i32, %c0_i32_4 : i32, i32, i32
  }
  func.func @transform_2(%arg0: i32, %arg1: memref<32xi32, #tpu.memory_space<smem>>) -> (i32, i32, i32) {
    %get3A = arith.constant 24 : index
    %get3A_0 = memref.load %arg1[%get3A] : memref<32xi32, #tpu.memory_space<smem>>
    %sub3A = arith.constant 1 : i32
    %sub3A_1 = arith.subi %get3A_0, %sub3A : i32
    %min3A = arith.minsi %arg0, %sub3A_1 : i32
    %get3A_2 = arith.index_cast %min3A : i32 to index
    %get3A_3 = memref.load %arg1[%get3A_2] : memref<32xi32, #tpu.memory_space<smem>>
    %c0_i32 = arith.constant 0 : i32
    %c0_i32_4 = arith.constant 0 : i32
    %c0_i32_5 = arith.constant 0 : i32
    return %get3A_3, %c0_i32, %c0_i32_4 : i32, i32, i32
  }
  func.func @transform_3(%arg0: i32, %arg1: memref<32xi32, #tpu.memory_space<smem>>) -> (i32, i32) {
    %c0_i32 = arith.constant 0 : i32
    %c0_i32_0 = arith.constant 0 : i32
    return %arg0, %c0_i32 : i32, i32
  }
}

</mosaic_0001>

<sc_bundles>
// kernel: kernel.5.cloned.1.call-start
scs
__scs_entry_jumppad:
0x0: {  	(pc) =	sbr.rel $0x88, $3  }
0x1: {  	(tag) =	ssettag $0x0;
	lr =	simm.s32 $0x1  }
0x2: {  	[smem:$0x3F9D] =	sst lr;
	_ =	strace $0xD0000000  }
0x3: {  	_ = 	snop  }
0x4: {  	_ = 	snop  }
0x5: {  	_ = 	snop  }
0x6: {  	_ = 	snop  }
0x7: {  	_ = 	snop  }
__scs_overlays_trampoline_lowered:
0x8: {  	[smem:$0x3FAC] =	sst s0  }
0x9: {  	[smem:$0x3FAD] =	sst s1  }
0xa: {  	[smem:$0x3FAE] =	sst s2  }
0xb: {  	[smem:$0x3FAF] =	sst s3  }
0xc: {  	[smem:$0x3FB0] =	sst s4  }
0xd: {  	[smem:$0x3FB1] =	sst s5  }
0xe: {  	[smem:$0x3FB2] =	sst s6  }
0xf: {  	[smem:$0x3FB3] =	sst s7  }
0x10: {  	[smem:$0x3FB4] =	sst s8  }
0x11: {  	[smem:$0x3FB5] =	sst s9;
	s0 =	simm.s32 @!p0 $0x0  }
0x12: {  	s1 =	sld [smem:$0x3F9B];
	s0 =	simm.s32 @p0 $0x1  }
0x13: {  	[smem:$0x3FB6] =	sst s0;
	s0 =	simm.s32 @!p1 $0x0  }
0x14: {  	s2 =	sld [smem:$0x3F9A];
	s0 =	simm.s32 @p1 $0x1  }
0x15: {  	[smem:$0x3FB7] =	sst s0;
	s0 =	simm.s32 @!p2 $0x0  }
0x16: {  	s3 =	sld [smem:$0x3FDB];
	s0 =	simm.s32 @p2 $0x1  }
0x17: {  	s4 =	simm.s32 $0x1BF5;
	[smem:$0x3FB9] =	sst s0  }
0x18: {  	s0 =	sld [smem:$0x3F9C];
	_ =	swait.ge [sflag:s4], $0x0  }
0x19: {  	s7 =	sld [smem:$0x3F9D]  }
0x1a: {  	s8 =	sadd.s32 $0xFFFFE003, lr  }
0x1b: {  	s9 =	sadd.s32 $0xFFFFFEF7, lr;
	s5 =	simm.s32 $0xFFFFFFFF;
	p2 =	slt.u32 s8, $0xFFFFF086  }
0x1c: {  	p1 =	slt.u32 s9, $0xF7A;
	s5 =	simm.s32 @!p2 $0x0  }
0x1d: {  	s5 =	simm.s32 @p1 $0x1;
	p0 =	seq.s32 s7, s2  }
0x1e: {  	s7 =	smul.u32 @!p0 $0xF7A, s2;
	p2 =	seq.s32 @!p0 s5, $0x0  }
0x1f: {  	s9 =	smul.u32 $0xF7A, s1;
	s8 =	simm.s32 @!p0 $0x1BF5;
	p2 =	por !p2, p0  }
0x20: {  	[sflag:s8] =	ssyncset.s32 @!p0 $0xFFFFF086;
	s6 =	sadd.s32 @!p0 s3, s7;
	s7 =	simm.s32 @!p0 $0x108  }
0x21: {  	s3 =	sadd.s32 s3, s9;
	s6 =	sadd.s32 @!p0 $0x88, s6;
	s7 =	simm.s32 @p2 $0x1082  }
0x22: {  	[simem:s7], [sflag:s8] =	dma.local @!p0 [hbm:s6], $0xF7A  }
0x23: {  	s9 =	sor.u32 $0xD0000000, s2;
	s6 =	simm.s32 $0x108;
	_ =	swait.ge @!p0 [sflag:s8], $0x0  }
0x24: {  	s3 =	sadd.s32 $0x88, s3;
	s6 =	simm.s32 @!p1 $0x1082;
	[sflag:s4] =	ssyncset.s32 $0xFFFFF086  }
0x25: {  	[simem:s6], [sflag:s4] =	dma.local [hbm:s3], $0xF7A  }
0x26: {  	[smem:$0x3F9D] =	sst s1;
	(tag) =	ssettag s2;
	_ =	strace s9  }
0x27: {  	s1 =	sld [smem:$0x3FAD]  }
0x28: {  	s2 =	sld [smem:$0x3FAE]  }
0x29: {  	s4 =	sld [smem:$0x3FB0]  }
0x2a: {  	p0 =	seq.s32 s5, $0x0;
	s5 =	sld [smem:$0x3FB1]  }
0x2b: {  	s6 =	sld [smem:$0x3FB2]  }
0x2c: {  	s7 =	sld [smem:$0x3FB3]  }
0x2d: {  	s3 =	simm.s32 $0x108;
	s8 =	sld [smem:$0x3FB4]  }
0x2e: {  	s3 =	simm.s32 @!p0 $0x1082;
	s9 =	sld [smem:$0x3FB5]  }
0x2f: {  	lr =	sadd.s32 s0, s3;
	s0 =	sld [smem:$0x3FAC]  }
0x30: {  	s3 =	sld [smem:$0x3FAF]  }
0x31: {  	[smem:$0x3FB8] =	sst s10  }
0x32: {  	s10 =	sld [smem:$0x3FB6];
	_ =	sdelay $0x3  }
0x33: {  	p0 =	seq.s32 s10, $0x1;
	s10 =	sld [smem:$0x3FB8];
	_ =	sdelay $0x3  }
0x34: {  	[smem:$0x3FB8] =	sst s10  }
0x35: {  	s10 =	sld [smem:$0x3FB7];
	_ =	sdelay $0x3  }
0x36: {  	p1 =	seq.s32 s10, $0x1;
	s10 =	sld [smem:$0x3FB8];
	_ =	sdelay $0x3  }
0x37: {  	[smem:$0x3FB8] =	sst s10  }
0x38: {  	s10 =	sld [smem:$0x3FB9]  }
0x39: {  	_ = 	snop;
	(pc) =	sbr.ind lr, $3  }
0x3a: {  	_ = 	snop  }
0x3b: {  	_ = 	snop  }
0x3c: {  	p2 =	seq.s32 s10, $0x1;
	s10 =	sld [smem:$0x3FB8]  }
0x3d: {  	_ =	shalt  }
0x3e: {  	_ =	shalt  }
0x3f: {  	_ =	shalt  }
0x40: {  	_ =	shalt  }
0x41: {  	_ =	shalt  }
0x42: {  	_ =	shalt  }
0x43: {  	_ =	shalt  }
0x44: {  	_ =	shalt  }
0x45: {  	_ =	shalt  }
0x46: {  	_ =	shalt  }
0x47: {  	_ =	shalt  }
0x48: {  	_ =	shalt  }
0x49: {  	_ =	shalt  }
0x4a: {  	_ =	shalt  }
0x4b: {  	_ =	shalt  }
0x4c: {  	_ =	shalt  }
0x4d: {  	_ =	shalt  }
0x4e: {  	_ =	shalt  }
0x4f: {  	_ =	shalt  }
0x50: {  	_ =	shalt  }
0x51: {  	_ =	shalt  }
0x52: {  	_ =	shalt  }
0x53: {  	_ =	shalt  }
0x54: {  	_ =	shalt  }
0x55: {  	_ =	shalt  }
0x56: {  	_ =	shalt  }
0x57: {  	_ =	shalt  }
0x58: {  	_ =	shalt  }
0x59: {  	_ =	shalt  }
0x5a: {  	_ =	shalt  }
0x5b: {  	_ =	shalt  }
0x5c: {  	_ =	shalt  }
0x5d: {  	_ =	shalt  }
0x5e: {  	_ =	shalt  }
0x5f: {  	_ =	shalt  }
0x60: {  	_ =	shalt  }
0x61: {  	_ =	shalt  }
0x62: {  	_ =	shalt  }
0x63: {  	_ =	shalt  }
0x64: {  	_ =	shalt  }
0x65: {  	_ =	shalt  }
0x66: {  	_ =	shalt  }
0x67: {  	_ =	shalt  }
0x68: {  	_ =	shalt  }
0x69: {  	_ =	shalt  }
0x6a: {  	_ =	shalt  }
0x6b: {  	_ =	shalt  }
0x6c: {  	_ =	shalt  }
0x6d: {  	_ =	shalt  }
0x6e: {  	_ =	shalt  }
0x6f: {  	_ =	shalt  }
0x70: {  	_ =	shalt  }
0x71: {  	_ =	shalt  }
0x72: {  	_ =	shalt  }
0x73: {  	_ =	shalt  }
0x74: {  	_ =	shalt  }
0x75: {  	_ =	shalt  }
0x76: {  	_ =	shalt  }
0x77: {  	_ =	shalt  }
0x78: {  	_ =	shalt  }
0x79: {  	_ =	shalt  }
0x7a: {  	_ =	shalt  }
0x7b: {  	_ =	shalt  }
0x7c: {  	_ =	shalt  }
0x7d: {  	_ =	shalt  }
0x7e: {  	_ =	shalt  }
0x7f: {  	_ =	shalt  }
0x80: {  	_ =	shalt  }
0x81: {  	_ =	shalt  }
0x82: {  	_ =	shalt  }
0x83: {  	_ =	shalt  }
0x84: {  	_ =	shalt  }
0x85: {  	_ =	shalt  }
0x86: {  	_ =	shalt  }
0x87: {  	_ =	shalt  }
.Lfunc_end0:
.L_simem_size_0:
called_computation_lowered:
.L_overlay_start_0:
0x88: {  	s2 =	sld [smem:$0x3FD9]  }
0x89: {  	s3 =	sld [smem:$0x3FFE];
	_ =	sdelay $0x1  }
0x8a: {  	s1 =	srdreg.scid  }
0x8b: {  	s0 =	sand.u32 $0x1, s1  }
0x8c: {  	s17 =	sshll.u32 s0, $0xA;
	s2 =	sadd.s32 s3, s2  }
0x8d: {  	s2 =	sadd.s32 s2, s17  }
0x8e: {  	[smem:$0x3FC4] =	sst s2  }
0x8f: {  	_ = 	snop  }
0x90: {  	s2 =	sld [smem:$0x3FC9]  }
0x91: {  	s18 =	sld [smem:$0x3FC8]  }
0x92: {  	s4 =	sld [smem:$0x3FD0];
	(tm) =	ssettm $0x1  }
0x93: {  	s5 =	sld [smem:$0x3FFB];
	_ =	sdelay $0x3  }
0x94: {  	_ =	strace s5  }
0x95: {  	s5 =	sld [smem:$0x3FFC];
	_ =	sdelay $0x3  }
0x96: {  	_ =	strace s5  }
0x97: {  	s5 =	sld [smem:$0x3FFD];
	_ =	sdelay $0x3  }
0x98: {  	_ =	strace s5  }
0x99: {  	_ =	strace $0x8FFFFFFF  }
0x9a: {  	s19 =	sld [smem:$0x3FDB];
	_ =	sdelay $0x1  }
0x9b: {  	s6 =	simm.s32 $_scs_section_size  }
0x9c: {  	s7 =	simm.s32 $_size__tile_overlayer_lowered;
	s8 =	simm.s32 $_tile_overlayer_lowered  }
0x9d: {  	s22 =	simm.s32 $0x1BFF;
	s21 =	sshll.u32 s8, $0x1;
	s5 =	sadd.s32 s6, s19  }
0x9e: {  	s9 =	simm.s32 $0x0;
	s20 =	sshll.u32 s7, $0x1;
	s7 =	sadd.s32 s21, s5  }
0x9f: {  	[timem:s9], [sflag:s22] =	dma.local [hbm:s7], s20  }
0xa0: {  	_ =	swait.ge [sflag:s22], s20  }
0xa1: {  	s6 =	ssub.s32 $0x0, s20;
	[sflag:s22] =	ssyncset.done $0x0  }
0xa2: {  	[sflag:s22] =	ssyncadd.s32 s6;
	_ =	sdelay $0x1  }
0xa3: {  	s23 =	simm.s32 $0x1B8B  }
0xa4: {  	_ =	swait.ge [sflag:s23], $0x1  }
0xa5: {  	[sflag:s23] =	ssyncset.done $0x0  }
0xa6: {  	s25 =	simm.s32 $0x1B8E;
	s24 =	sld [smem:$0x3FFE];
	[sflag:s23] =	ssyncadd.s32 $0xFFFFFFFF  }
0xa7: {  	s26 =	simm.s32 $execute0_lowered;
	[smem:$0x3FD2] =	sst s25  }
0xa8: {  	s7 =	sshll.u32 s26, $0x1;
	_ =	strace $0x80000046;
	[dreg:$0x1] =	wrdreg $0xFFFFFFFF  }
0xa9: {  	s28 =	simm.s32 $_size_execute0_lowered;
	s5 =	sadd.s32 s5, s7;
	[dreg:$0x0] =	wrdreg $0x0  }
0xaa: {  	s7 =	sshll.u32 s28, $0x1;
	[dreg:$0x2] =	wrdreg s5  }
0xab: {  	[dreg:$0x3] =	wrdreg s7  }
0xac: {  	[dreg:$0x4] =	wrdreg $0xC0  }
0xad: {  	_ =	task [dreg:s9], $0x5FFFF  }
0xae: {  	[dreg:$0x1] =	wrdreg $0xFFFFFFFF  }
0xaf: {  	[dreg:$0x0] =	wrdreg $0x60  }
0xb0: {  	[dreg:$0x2] =	wrdreg s18  }
0xb1: {  	[dreg:$0x3] =	wrdreg s2  }
0xb2: {  	[dreg:$0x4] =	wrdreg s24  }
0xb3: {  	[dreg:$0x5] =	wrdreg s4  }
0xb4: {  	[dreg:$0x6] =	wrdreg $0x9  }
0xb5: {  	_ =	task.clear_ibuf [dreg:s9], $0x7FFFF;
	_ =	strace $0x90000046  }
0xb6: {  	s29 =	simm.s32 $0x9;
	_ =	strace $0x80000048  }
0xb7: {  	_ =	swait.ge [sflag:s29], $0x1  }
0xb8: {  	[sflag:s29] =	ssyncadd.s32 $0xFFFFFFFF  }
0xb9: {  	_ =	strace $0x90000048  }
0xba: {  	_ =	sfence  }
0xbb: {  	s30 =	sld [smem:$0x0];
	_ =	sdelay $0x2  }
0xbc: {  	s31 =	sshll.u32 s1, $0xD;
	s1 =	sshrl.u32 s1, $0x2  }
0xbd: {  	s3 =	sand.u32 $0x4000, s31;
	s1 =	sadd.s32 s1, s30  }
0xbe: {  	s0 =	sor.u32 s3, s0;
	s1 =	sshll.u32 s1, $0x11  }
0xbf: {  	s0 =	sor.u32 s1, s0  }
0xc0: {  	s0 =	sadd.s32 $0x8F2B, s0  }
0xc1: {  	[sflag:s0] =	ssyncadd.remote.s32 $0x1  }
0xc2: {  	_ =	sfence.sel $0xFFFF  }
0xc3: {  	[dreg:$0x0] =	wrdreg $0xFFFFFFFF;
	(pc) =	sbr.abs _section_cstart, $3  }
0xc4: {  	[dreg:$0x1] =	wrdreg $0xFFFFFFFF  }
0xc5: {  	_ =	task.clear_ibuf [dreg:s9], $0x2FFFF;
	_ =	strace $0x9FFFFFFF  }
0xc6: {  	(tm) =	ssettm $0x7FFFFFFF  }
0xc7: {  	_ =	shalt  }
tec
execute0_lowered:
.L_overlay_start_1:
0x0: {  	(tag) =	ssettag $0x1  }
0x1: {  	s0 =	rddreg [dreg:$0x1]  }
0x2: {  	s1 =	rddreg [dreg:$0x2]  }
0x3: {  	s2 =	srdreg.scid;
	s11 =	stileid.u32  }
0x4: {  	s4 =	simm.s32 $0x0;
	s2 =	sand.u32 $0x1, s2;
	s3 =	sshll.u32 s11, $0x1  }
0x5: {  	[smem:$0x7FF] =	sst s4;
	s13 =	sadd.s32 $0xC00, s1;
	s20 =	sshll.u32 s11, $0x9  }
0x6: {  	s23 =	sadd.s32 $0xD00, s1;
	_ =	strace $0x80000047;
	[dreg:$0x5] =	wrdreg s13  }
0x7: {  	s24 =	sadd.s32 $0xE00, s1;
	s3 =	sor.u32 s2, s3;
	[dreg:$0xc] =	wrdreg s23  }
0x8: {  	s6 =	ssub.s32 $0x2, s2;
	s19 =	sshll.u32 s2, $0x8;
	[dreg:$0xd] =	wrdreg s24  }
0x9: {  	s5 =	sshll.u32 s3, $0x6;
	s12 =	sshll.u32 s3, $0x4;
	s8 =	sshrl.u32 s6, $0x1  }
0xa: {  	s14 =	sshll.u32 s3, $0x2;
	s15 =	sshll.u32 s3, $0xD;
	p0 =	sne.s32 s3, $0x0  }
0xb: {  	s7 =	sadd.s32 s5, s1;
	s9 =	sadd.s32 s12, s1;
	s0 =	sadd.s32 s0, s15  }
0xc: {  	s10 =	ssub.s32 s6, s8;
	s16 =	sadd.s32 $0x4, s14;
	[dreg:$0x6] =	wrdreg s0  }
0xd: {  	s8 =	smov.u32 s14;
	s1 =	sadd.s32 $0xF00, s1;
	[dreg:$0x7] =	wrdreg s16  }
0xe: {  	s12 =	simm.s32 $0x4;
	s17 =	sadd.s32 $0xD8C00, s7;
	[dreg:$0xe] =	wrdreg s1  }
0xf: {  	s18 =	sadd.s32 $0xD9400, s7;
	s21 =	sadd.s32 $0xD9C00, s9;
	[dreg:$0x8] =	wrdreg s17  }
0x10: {  	s22 =	sadd.s32 $0xD9E00, s9;
	s0 =	sor.u32 s20, s19;
	[dreg:$0x9] =	wrdreg s18  }
.Ltmp0:
0x11: {  	[dreg:$0xa] =	wrdreg s21;
	s0 =	ssub.s32 $0x0, s0;
	(pc) =	sbr.rel .LBB2_1-.Ltmp0, $4  }
0x12: {  	v6 =	vimm.s32 $0x0;
	vm5 =	vcmask $0x1714;
	s25 =	smax.u32 s10, $0x1;
	[dreg:$0xb] =	wrdreg s22;
	s0 =	sshra.s32 s0, $0x2  }
0x13: {  	vm6 =	vcmask $0x1B18;
	vm7 =	vcmask $0x1F1C;
	v7 =	vlaneseq.u32;
	s26 =	sadd.s32 $0x4000, s0;
	s28 =	sadd.s32 $0x4080, s0;
	s29 =	sadd.s32 $0x4100, s0  }
0x14: {  	s30 =	sadd.s32 $0x4180, s0;
	s31 =	sadd.s32 $0x4200, s0;
	s0 =	sadd.s32 $0x4280, s0;
	v0 =	vmov s26;
	v1 =	vmov s28;
	v2 =	vmov s29  }
0x15: {  	s5 =	simm.s32 $0x4880;
	s16 =	simm.s32 $0x0;
	[dreg:$0xf] =	wrdreg s25;
	v3 =	vmov s30;
	v4 =	vmov s31;
	v5 =	vmov s0  }
.LBB2_6:
0x16: {  	s5 =	sadd.s32 s22, s30  }
0x17: {  	s6 =	sadd.s32 $0x17F, s5  }
0x18: {  	s7 =	smulhi.u32 $0x2AAAAAAB, s6;
	s9 =	sshra.s32 s6, $0x1F  }
0x19: {  	s26 =	sadd.s32 s24, s2;
	s9 =	smul.u32 $0x2AAAAAAB, s9  }
0x1a: {  	s14 =	sadd.s32 $0x17F, s26  }
0x1b: {  	s15 =	smulhi.u32 $0x2AAAAAAB, s14;
	s7 =	sadd.s32 s9, s7  }
0x1c: {  	s17 =	sshra.s32 s14, $0x1F;
	s9 =	sshrl.u32 s7, $0x1F;
	s7 =	sshra.s32 s7, $0x6  }
0x1d: {  	s17 =	smul.u32 $0x2AAAAAAB, s17;
	s7 =	sadd.s32 s9, s7  }
0x1e: {  	s1 =	sadd.s32 s1, s29;
	s3 =	sadd.s32 s3, s16;
	s13 =	smul.u32 $0xFFFFFE80, s7  }
0x1f: {  	s5 =	ssub.s32 $0xFFFFFE81, s5;
	p1 =	slt.s32 s6, $0x1;
	p6 =	slt.s32 s14, $0x1  }
0x20: {  	s9 =	ssub.s32 $0xFFFFFE81, s26;
	p2 =	sne.s32 s13, s5;
	s13 =	sadd.s32 s17, s15  }
0x21: {  	s17 =	sadd.s32 s23, s0;
	p1 =	por !p1, !p2;
	s15 =	sshrl.u32 s13, $0x1F  }
0x22: {  	s5 =	sshra.s32 s13, $0x6;
	s13 =	simm.s32 $0x1;
	s23 =	sadd.s32 $0x17F, s17  }
0x23: {  	s14 =	ssub.s32 $0xFFFFFE81, s17;
	s5 =	sadd.s32 s15, s5;
	s19 =	smulhi.u32 $0x2AAAAAAB, s23  }
0x24: {  	p1 =	por !p1, !p1;
	s18 =	sshra.s32 s23, $0x1F;
	s22 =	smul.u32 $0xFFFFFE80, s5  }
0x25: {  	p5 =	slt.s32 s23, $0x1;
	s15 =	sadd.s32 $0x17F, s1;
	s24 =	smul.u32 $0x2AAAAAAB, s18  }
0x26: {  	s1 =	ssub.s32 $0xFFFFFE81, s1;
	s13 =	simm.s32 @!p1 $0x0;
	s17 =	smulhi.u32 $0x2AAAAAAB, s15  }
0x27: {  	s18 =	ssub.s32 s7, s13;
	p3 =	sne.s32 s22, s9;
	s25 =	sadd.s32 s24, s19  }
0x28: {  	p4 =	por !p6, !p3;
	s26 =	sshrl.u32 s25, $0x1F;
	s7 =	sshra.s32 s25, $0x6  }
0x29: {  	s9 =	simm.s32 $0x1;
	p1 =	por !p4, !p4;
	s7 =	sadd.s32 s26, s7  }
0x2a: {  	p2 =	slt.s32 s15, $0x1;
	s9 =	simm.s32 @!p1 $0x0;
	s13 =	smul.u32 $0xFFFFFE80, s7  }
0x2b: {  	s21 =	smul.u32 $0x180, s18;
	s22 =	sshra.s32 s15, $0x1F;
	s5 =	ssub.s32 s5, s9  }
0x2c: {  	s9 =	smul.u32 $0x2AAAAAAB, s22;
	s19 =	sadd.s32 s18, s5;
	p6 =	sne.s32 s13, s14  }
0x2d: {  	s13 =	sadd.s32 s20, s28;
	s20 =	simm.s32 $0x1;
	p1 =	por !p5, !p6  }
0x2e: {  	s14 =	sadd.s32 $0x17F, s13;
	s6 =	sadd.s32 s9, s17;
	s13 =	ssub.s32 $0xFFFFFE81, s13  }
0x2f: {  	p1 =	por !p1, !p1;
	s23 =	smulhi.u32 $0x2AAAAAAB, s14;
	s24 =	sshra.s32 s14, $0x1F  }
0x30: {  	s26 =	sshrl.u32 s6, $0x1F;
	s6 =	sshra.s32 s6, $0x6;
	s25 =	smul.u32 $0x2AAAAAAB, s24  }
0x31: {  	p5 =	slt.s32 s14, $0x1;
	s14 =	simm.s32 $0x1;
	s6 =	sadd.s32 s26, s6  }
0x32: {  	s20 =	simm.s32 @!p1 $0x0;
	s17 =	smul.u32 $0xFFFFFE80, s6;
	s9 =	sadd.s32 s25, s23  }
0x33: {  	s15 =	sshrl.u32 s9, $0x1F;
	s5 =	sshra.s32 s9, $0x6;
	s9 =	sadd.s32 $0x17F, s3  }
0x34: {  	p3 =	sne.s32 s17, s1;
	s5 =	sadd.s32 s15, s5;
	s23 =	smulhi.u32 $0x2AAAAAAB, s9  }
0x35: {  	s24 =	sshra.s32 s9, $0x1F;
	p1 =	por !p2, !p3;
	s22 =	smul.u32 $0xFFFFFE80, s5  }
0x36: {  	s7 =	ssub.s32 s7, s20;
	s25 =	smul.u32 $0x2AAAAAAB, s24;
	p1 =	por !p1, !p1  }
0x37: {  	s20 =	sadd.s32 s31, s12;
	s3 =	ssub.s32 $0xFFFFFE81, s3;
	s14 =	simm.s32 @!p1 $0x0  }
0x38: {  	p4 =	sne.s32 s22, s13;
	s13 =	smul.u32 $0x180, s19;
	s1 =	sadd.s32 s25, s23  }
0x39: {  	s22 =	sadd.s32 $0x17F, s20;
	s6 =	ssub.s32 s6, s14;
	p6 =	por !p5, !p4  }
0x3a: {  	s15 =	sshrl.u32 s1, $0x1F;
	s1 =	sshra.s32 s1, $0x6;
	s23 =	smulhi.u32 $0x2AAAAAAB, s22  }
0x3b: {  	s24 =	sshra.s32 s22, $0x1F;
	p4 =	slt.s32 s9, $0x1;
	p5 =	slt.s32 s22, $0x1  }
0x3c: {  	s9 =	simm.s32 $0x1;
	s15 =	sadd.s32 s15, s1;
	s25 =	smul.u32 $0x2AAAAAAB, s24  }
0x3d: {  	p1 =	por !p6, !p6;
	s1 =	simm.s32 $0x1;
	s26 =	smul.u32 $0xFFFFFE80, s15  }
0x3e: {  	s31 =	sadd.s32 s0, s13;
	v11 =	vmov s13;
	s13 =	simm.s32 $0x1;
	s1 =	simm.s32 @!p1 $0x0  }
0x3f: {  	v8 =	vmov s30;
	s5 =	ssub.s32 s5, s1;
	p3 =	sne.s32 s26, s3;
	s3 =	sadd.s32 s25, s23  }
0x40: {  	vm0 =	vcmask $0x300;
	vm12 =	vcmask $0x704;
	vm13 =	vcmask $0xB08;
	s1 =	sadd.s32 s19, s7;
	s14 =	sshrl.u32 s3, $0x1F;
	s3 =	sshra.s32 s3, $0x6  }
0x41: {  	vm14 =	vcmask $0xF0C;
	vm15 =	vcmask $0x1310;
	v9 =	vmov s21;
	s26 =	sadd.s32 s2, s21;
	s7 =	smul.u32 $0x180, s1;
	s3 =	sadd.s32 s14, s3  }
0x42: {  	v8 =	vnsel vm0, $0x0, v8;
	v9 =	vnsel vm12, $0x0, v9;
	s0 =	sadd.s32 s1, s6;
	s25 =	ssub.s32 $0xFFFFFE81, s20;
	v10 =	vmov s26;
	s24 =	smul.u32 $0xFFFFFE80, s3  }
0x43: {  	v50 =	vmov s31;
	v11 =	vnsel vm13, $0x0, v11;
	s23 =	smul.u32 $0x180, s0;
	s2 =	sadd.s32 s0, s5;
	p1 =	por !p4, !p3;
	v10 =	vnsel vm12, $0x0, v10  }
0x44: {  	v9 =	vadd.s32 v9, v11;
	s21 =	sadd.s32 s29, s7;
	p1 =	por !p1, !p1;
	v12 =	vmov s7;
	v8 =	vadd.s32 v8, v10;
	p6 =	sne.s32 s24, s25  }
0x45: {  	v10 =	vnsel vm13, $0x0, v50;
	s13 =	simm.s32 @!p1 $0x0;
	v51 =	vnsel vm14, $0x0, v12;
	s26 =	sadd.s32 s28, s23;
	v52 =	vmov s21;
	p1 =	por !p5, !p6  }
0x46: {  	s28 =	smul.u32 $0x180, s2;
	v53 =	vmov s23;
	v8 =	vadd.s32 v10, v8;
	v9 =	vadd.s32 v51, v9;
	s29 =	ssub.s32 s15, s13;
	p1 =	por !p1, !p1  }
0x47: {  	v10 =	vnsel vm14, $0x0, v52;
	v11 =	vnsel vm15, $0x0, v53;
	v54 =	vmov s26;
	s20 =	sadd.s32 s2, s29;
	s9 =	simm.s32 @!p1 $0x0  }
0x48: {  	v8 =	vadd.s32 v10, v8;
	v9 =	vadd.s32 v11, v9;
	v55 =	vnsel vm15, $0x0, v54;
	s30 =	sadd.s32 s16, s28;
	s6 =	smul.u32 $0x180, s20;
	s3 =	ssub.s32 s3, s9  }
0x49: {  	v56 =	vmov s28;
	v8 =	vadd.s32 v55, v8;
	v57 =	vmov s30;
	s3 =	sadd.s32 s20, s3  }
0x4a: {  	v10 =	vnsel vm5, $0x0, v56;
	v11 =	vnsel vm5, $0x0, v57;
	v58 =	vmov s6;
	s31 =	smul.u32 $0x180, s3  }
0x4b: {  	v9 =	vadd.s32 v10, v9;
	v8 =	vadd.s32 v11, v8;
	s6 =	sadd.s32 s12, s6;
	v59 =	vnsel vm6, $0x0, v58  }
.Ltmp1:
0x4c: {  	v60 =	vmov s6;
	v9 =	vadd.s32 v59, v9;
	v61 =	vmov s31;
	s5 =	sadd.s32 s11, s31;
	(pc) =	sbr.rel @!p0 .LBB2_7-.Ltmp1, $4  }
0x4d: {  	v10 =	vnsel vm6, $0x0, v60;
	v11 =	vnsel vm7, $0x0, v61;
	v62 =	vmov s5  }
0x4e: {  	v8 =	vadd.s32 v10, v8;
	v9 =	vadd.s32 v11, v9;
	v63 =	vnsel vm7, $0x0, v62  }
0x4f: {  	v8 =	vadd.s32 v63, v8;
	[tilespmem:$0x4700] =	vst v9  }
0x50: {  	s16 =	rddreg [dreg:$0x10];
	s12 =	simm.s32 $0x4;
	[tilespmem:$0x4780] =	vst v8  }
.LBB2_8:
0x51: {  	v8 =	vld [tilespmem:$0x4000]  }
0x52: {  	v9 =	vld [tilespmem:$0x4080];
	_ =	sdelay $0x2  }
0x53: {  	v10 =	vld [tilespmem:$0x4100]  }
0x54: {  	v11 =	vld [tilespmem:$0x4010]  }
0x55: {  	v12 =	vld [tilespmem:$0x4180]  }
0x56: {  	s0 =	simm.s32 $0x4700;
	v13 =	vld [tilespmem:$0x4090]  }
0x57: {  	s1 =	simm.s32 $0x4780;
	v8 =	vld.idx.msk [tilespmem:v8+s0+$0x0], $0xffff  }
0x58: {  	v9 =	vld.idx.msk [tilespmem:v9+s1+$0x0], $0xffff;
	_ =	sdelay $0x2  }
0x59: {  	v36 =	vld [tilespmem:$0x4110]  }
0x5a: {  	v38 =	vld [tilespmem:$0x4020];
	v8 =	vadd.s32 v8, v10  }
0x5b: {  	v39 =	vld [tilespmem:$0x4190];
	v9 =	vadd.s32 v9, v12;
	[tilespmem:$0x4300] =	vst v8  }
0x5c: {  	v40 =	vld [tilespmem:$0x40A0];
	[tilespmem:$0x4500] =	vst v9  }
0x5d: {  	v8 =	vld.idx.msk [tilespmem:v11+s0+$0x0], $0xffff  }
0x5e: {  	v37 =	vld.idx.msk [tilespmem:v13+s1+$0x0], $0xffff;
	_ =	sdelay $0x2  }
0x5f: {  	v42 =	vld [tilespmem:$0x4120]  }
0x60: {  	v44 =	vld [tilespmem:$0x4030];
	v8 =	vadd.s32 v8, v36  }
0x61: {  	v45 =	vld [tilespmem:$0x41A0];
	v41 =	vadd.s32 v37, v39;
	[tilespmem:$0x4380] =	vst v8  }
0x62: {  	v46 =	vld [tilespmem:$0x40B0];
	[tilespmem:$0x4580] =	vst v41  }
0x63: {  	v8 =	vld.idx.msk [tilespmem:v38+s0+$0x0], $0xffff  }
0x64: {  	v43 =	vld.idx.msk [tilespmem:v40+s1+$0x0], $0xffff;
	_ =	sdelay $0x3  }
0x65: {  	v8 =	vadd.s32 v8, v42  }
0x66: {  	v48 =	vld [tilespmem:$0x4130];
	v47 =	vadd.s32 v43, v45;
	[tilespmem:$0x4400] =	vst v8  }
0x67: {  	v50 =	vld [tilespmem:$0x41B0];
	[tilespmem:$0x4600] =	vst v47  }
0x68: {  	v8 =	vld.idx.msk [tilespmem:v44+s0+$0x0], $0xffff  }
0x69: {  	v49 =	vld.idx.msk [tilespmem:v46+s1+$0x0], $0xffff;
	_ =	sdelay $0x3  }
0x6a: {  	v8 =	vadd.s32 v8, v48  }
0x6b: {  	v51 =	vadd.s32 v49, v50;
	[tilespmem:$0x4480] =	vst v8  }
0x6c: {  	s14 =	rddreg [dreg:$0x8];
	s15 =	simm.s32 $0x4300;
	[tilespmem:$0x4680] =	vst v51  }
0x6d: {  	[hbm4b:s14+s4] =	stream.linear.scatter [tilespmem:s15], [sflag:$0x4], $0x200, $0x38;
	[tilespmem:$0x14880] =	vst v63  }
0x6e: {  	_ =	swait.ge [sflag:s12], $0x200  }
0x6f: {  	[sflag:s12] =	ssyncset.done $0x0  }
0x70: {  	s18 =	simm.s32 $0x4500;
	s17 =	rddreg [dreg:$0x9];
	[sflag:s12] =	ssyncadd.s32 $0xFFFFFE00  }
0x71: {  	[hbm4b:s17+s4] =	stream.linear.scatter [tilespmem:s18], [sflag:$0x4], $0x200, $0x38;
	[tilespmem:$0x14880] =	vst v63  }
0x72: {  	_ =	swait.ge [sflag:s12], $0x200  }
0x73: {  	[sflag:s12] =	ssyncset.done $0x0  }
0x74: {  	s20 =	simm.s32 $0x4200;
	s19 =	rddreg [dreg:$0xa];
	[sflag:s12] =	ssyncadd.s32 $0xFFFFFE00  }
0x75: {  	[hbm4b:s19+s4] =	stream.linear.scatter [tilespmem:s20], [sflag:$0x4], $0x80, $0x38;
	[tilespmem:$0x14880] =	vst v63  }
0x76: {  	_ =	swait.ge [sflag:s12], $0x80  }
0x77: {  	[sflag:s12] =	ssyncset.done $0x0  }
0x78: {  	s22 =	simm.s32 $0x4280;
	s21 =	rddreg [dreg:$0xb];
	[sflag:s12] =	ssyncadd.s32 $0xFFFFFF80  }
0x79: {  	[hbm4b:s21+s4] =	stream.linear.scatter [tilespmem:s22], [sflag:$0x4], $0x80, $0x38;
	[tilespmem:$0x14880] =	vst v63  }
0x7a: {  	_ =	swait.ge [sflag:s12], $0x80  }
0x7b: {  	[sflag:s12] =	ssyncset.done $0x0  }
0x7c: {  	s23 =	simm.s32 $0x1;
	[sflag:s12] =	ssyncadd.s32 $0xFFFFFF80  }
0x7d: {  	_ =	swait.ge [sflag:s23], $0x10000  }
0x7e: {  	[sflag:s23] =	ssyncset.done $0x0  }
0x7f: {  	[sflag:s23] =	ssyncadd.s32 $0xFFFF0000  }
0x80: {  	v8 =	vld [tilespmem:$0x4300];
	_ =	sdelay $0x4  }
0x81: {  	v52 =	vshll.u32 v8, $0x3  }
0x82: {  	v8 =	vand.u32 $0x7, v8;
	v9 =	vand.u32 $0xFFFFFFC0, v52  }
0x83: {  	v53 =	vand.u32 $0x7, v7;
	v54 =	vshrl.u32 v7, $0x3;
	v8 =	vor.u32 v8, v9  }
0x84: {  	v10 =	vmul.u32 $0x8, v54;
	v55 =	vperm.xlane v8, v53;
	_ =	sdelay $0x1  }
0x85: {  	v11 =	vadd.s32 v10, v55;
	_ =	sdelay $0x3  }
0x86: {  	vm8 =	vmmov $0xffff;
	s5 =	simm.s32 $0x4880;
	s0 =	rddreg [dreg:$0x5]  }
0x87: {  	v56 =	vor.u32 $0x8, v7;
	[hbm4b:s0+s4] =	stream.indirect_vreg.scatter [tilespmem:s5], [sflag:$0x2], $0x80, v11, vm8, $0xb8;
	[tilespmem:$0x14880] =	vst v63  }
0x88: {  	s6 =	simm.s32 $0x5080;
	s1 =	rddreg [dreg:$0xc];
	v8 =	vperm.xlane v8, v56  }
0x89: {  	[hbm4b:s1+s4] =	stream.indirect_vreg.scatter [tilespmem:s6], [sflag:$0x2], $0x80, v11, vm8, $0xb8;
	[tilespmem:$0x14880] =	vst v63  }
0x8a: {  	s7 =	simm.s32 $0x5880;
	s2 =	rddreg [dreg:$0xd];
	v8 =	vadd.s32 v10, v8  }
0x8b: {  	[hbm4b:s2+s4] =	stream.indirect_vreg.scatter [tilespmem:s7], [sflag:$0x2], $0x80, v11, vm8, $0xb8;
	[tilespmem:$0x14880] =	vst v63  }
0x8c: {  	s9 =	simm.s32 $0x6080;
	s3 =	rddreg [dreg:$0xe]  }
0x8d: {  	[hbm4b:s3+s4] =	stream.indirect_vreg.scatter [tilespmem:s9], [sflag:$0x2], $0x80, v11, vm8, $0xb8;
	[tilespmem:$0x14880] =	vst v63  }
0x8e: {  	s10 =	simm.s32 $0x6880  }
0x8f: {  	[hbm4b:s0+s4] =	stream.indirect_vreg.scatter [tilespmem:s10], [sflag:$0x2], $0x80, v8, vm8, $0xb8;
	[tilespmem:$0x14880] =	vst v63  }
0x90: {  	s11 =	simm.s32 $0x7080  }
0x91: {  	[hbm4b:s1+s4] =	stream.indirect_vreg.scatter [tilespmem:s11], [sflag:$0x2], $0x80, v8, vm8, $0xb8;
	[tilespmem:$0x14880] =	vst v63  }
0x92: {  	s13 =	simm.s32 $0x7880  }
0x93: {  	[hbm4b:s2+s4] =	stream.indirect_vreg.scatter [tilespmem:s13], [sflag:$0x2], $0x80, v8, vm8, $0xb8;
	[tilespmem:$0x14880] =	vst v63  }
0x94: {  	s14 =	simm.s32 $0x8080  }
0x95: {  	[hbm4b:s3+s4] =	stream.indirect_vreg.scatter [tilespmem:s14], [sflag:$0x2], $0x80, v8, vm8, $0xb8;
	[tilespmem:$0x14880] =	vst v63  }
0x96: {  	v8 =	vld [tilespmem:$0x4500];
	_ =	sdelay $0x4  }
0x97: {  	v57 =	vshll.u32 v8, $0x3  }
0x98: {  	v8 =	vand.u32 $0x7, v8;
	v11 =	vand.u32 $0xFFFFFFC0, v57  }
0x99: {  	v8 =	vor.u32 v8, v11  }
0x9a: {  	v11 =	vperm.xlane v8, v53;
	_ =	sdelay $0x1  }
0x9b: {  	v11 =	vadd.s32 v10, v11;
	_ =	sdelay $0x4  }
0x9c: {  	[hbm4b:s0+s4] =	stream.indirect_vreg.scatter [tilespmem:s5], [sflag:$0x3], $0x80, v11, vm8, $0xb8;
	[tilespmem:$0x14880] =	vst v63  }
0x9d: {  	v8 =	vperm.xlane v8, v56  }
0x9e: {  	[hbm4b:s1+s4] =	stream.indirect_vreg.scatter [tilespmem:s6], [sflag:$0x3], $0x80, v11, vm8, $0xb8;
	[tilespmem:$0x14880] =	vst v63  }
0x9f: {  	v8 =	vadd.s32 v10, v8  }
0xa0: {  	[hbm4b:s2+s4] =	stream.indirect_vreg.scatter [tilespmem:s7], [sflag:$0x3], $0x80, v11, vm8, $0xb8;
	[tilespmem:$0x14880] =	vst v63  }
0xa1: {  	_ = 	snop  }
0xa2: {  	[hbm4b:s3+s4] =	stream.indirect_vreg.scatter [tilespmem:s9], [sflag:$0x3], $0x80, v11, vm8, $0xb8;
	[tilespmem:$0x14880] =	vst v63  }
0xa3: {  	_ = 	snop  }
0xa4: {  	[hbm4b:s0+s4] =	stream.indirect_vreg.scatter [tilespmem:s10], [sflag:$0x3], $0x80, v8, vm8, $0xb8;
	[tilespmem:$0x14880] =	vst v63  }
0xa5: {  	_ = 	snop  }
0xa6: {  	[hbm4b:s1+s4] =	stream.indirect_vreg.scatter [tilespmem:s11], [sflag:$0x3], $0x80, v8, vm8, $0xb8;
	[tilespmem:$0x14880] =	vst v63  }
0xa7: {  	_ = 	snop  }
0xa8: {  	[hbm4b:s2+s4] =	stream.indirect_vreg.scatter [tilespmem:s13], [sflag:$0x3], $0x80, v8, vm8, $0xb8;
	[tilespmem:$0x14880] =	vst v63  }
0xa9: {  	_ = 	snop  }
0xaa: {  	[hbm4b:s3+s4] =	stream.indirect_vreg.scatter [tilespmem:s14], [sflag:$0x3], $0x80, v8, vm8, $0xb8;
	[tilespmem:$0x14880] =	vst v63  }
0xab: {  	v8 =	vld [tilespmem:$0x4380];
	_ =	sdelay $0x4  }
0xac: {  	v58 =	vshll.u32 v8, $0x3  }
0xad: {  	v8 =	vand.u32 $0x7, v8;
	v11 =	vand.u32 $0xFFFFFFC0, v58  }
0xae: {  	v8 =	vor.u32 v8, v11  }
0xaf: {  	v11 =	vperm.xlane v8, v53;
	_ =	sdelay $0x1  }
0xb0: {  	v11 =	vadd.s32 v10, v11;
	_ =	sdelay $0x3  }
0xb1: {  	s24 =	simm.s32 $0x8880  }
0xb2: {  	[hbm4b:s0+s4] =	stream.indirect_vreg.scatter [tilespmem:s24], [sflag:$0x2], $0x80, v11, vm8, $0xb8;
	[tilespmem:$0x14880] =	vst v63  }
0xb3: {  	s25 =	simm.s32 $0x9080;
	v8 =	vperm.xlane v8, v56  }
0xb4: {  	[hbm4b:s1+s4] =	stream.indirect_vreg.scatter [tilespmem:s25], [sflag:$0x2], $0x80, v11, vm8, $0xb8;
	[tilespmem:$0x14880] =	vst v63  }
0xb5: {  	s26 =	simm.s32 $0x9880;
	v8 =	vadd.s32 v10, v8  }
0xb6: {  	[hbm4b:s2+s4] =	stream.indirect_vreg.scatter [tilespmem:s26], [sflag:$0x2], $0x80, v11, vm8, $0xb8;
	[tilespmem:$0x14880] =	vst v63  }
0xb7: {  	s28 =	simm.s32 $0xA080  }
0xb8: {  	[hbm4b:s3+s4] =	stream.indirect_vreg.scatter [tilespmem:s28], [sflag:$0x2], $0x80, v11, vm8, $0xb8;
	[tilespmem:$0x14880] =	vst v63  }
0xb9: {  	s29 =	simm.s32 $0xA880  }
0xba: {  	[hbm4b:s0+s4] =	stream.indirect_vreg.scatter [tilespmem:s29], [sflag:$0x2], $0x80, v8, vm8, $0xb8;
	[tilespmem:$0x14880] =	vst v63  }
0xbb: {  	s30 =	simm.s32 $0xB080  }
0xbc: {  	[hbm4b:s1+s4] =	stream.indirect_vreg.scatter [tilespmem:s30], [sflag:$0x2], $0x80, v8, vm8, $0xb8;
	[tilespmem:$0x14880] =	vst v63  }
0xbd: {  	s31 =	simm.s32 $0xB880  }
0xbe: {  	[hbm4b:s2+s4] =	stream.indirect_vreg.scatter [tilespmem:s31], [sflag:$0x2], $0x80, v8, vm8, $0xb8;
	[tilespmem:$0x14880] =	vst v63  }
0xbf: {  	s15 =	simm.s32 $0xC080  }
0xc0: {  	[hbm4b:s3+s4] =	stream.indirect_vreg.scatter [tilespmem:s15], [sflag:$0x2], $0x80, v8, vm8, $0xb8;
	[tilespmem:$0x14880] =	vst v63  }
0xc1: {  	v8 =	vld [tilespmem:$0x4580];
	_ =	sdelay $0x4  }
0xc2: {  	v59 =	vshll.u32 v8, $0x3  }
0xc3: {  	v8 =	vand.u32 $0x7, v8;
	v11 =	vand.u32 $0xFFFFFFC0, v59  }
0xc4: {  	v8 =	vor.u32 v8, v11  }
0xc5: {  	v11 =	vperm.xlane v8, v53;
	_ =	sdelay $0x1  }
0xc6: {  	v11 =	vadd.s32 v10, v11;
	_ =	sdelay $0x4  }
0xc7: {  	[hbm4b:s0+s4] =	stream.indirect_vreg.scatter [tilespmem:s24], [sflag:$0x3], $0x80, v11, vm8, $0xb8;
	[tilespmem:$0x14880] =	vst v63  }
0xc8: {  	v8 =	vperm.xlane v8, v56  }
0xc9: {  	[hbm4b:s1+s4] =	stream.indirect_vreg.scatter [tilespmem:s25], [sflag:$0x3], $0x80, v11, vm8, $0xb8;
	[tilespmem:$0x14880] =	vst v63  }
0xca: {  	v8 =	vadd.s32 v10, v8  }
0xcb: {  	[hbm4b:s2+s4] =	stream.indirect_vreg.scatter [tilespmem:s26], [sflag:$0x3], $0x80, v11, vm8, $0xb8;
	[tilespmem:$0x14880] =	vst v63  }
0xcc: {  	_ = 	snop  }
0xcd: {  	[hbm4b:s3+s4] =	stream.indirect_vreg.scatter [tilespmem:s28], [sflag:$0x3], $0x80, v11, vm8, $0xb8;
	[tilespmem:$0x14880] =	vst v63  }
0xce: {  	_ = 	snop  }
0xcf: {  	[hbm4b:s0+s4] =	stream.indirect_vreg.scatter [tilespmem:s29], [sflag:$0x3], $0x80, v8, vm8, $0xb8;
	[tilespmem:$0x14880] =	vst v63  }
0xd0: {  	_ = 	snop  }
0xd1: {  	[hbm4b:s1+s4] =	stream.indirect_vreg.scatter [tilespmem:s30], [sflag:$0x3], $0x80, v8, vm8, $0xb8;
	[tilespmem:$0x14880] =	vst v63  }
0xd2: {  	_ = 	snop  }
0xd3: {  	[hbm4b:s2+s4] =	stream.indirect_vreg.scatter [tilespmem:s31], [sflag:$0x3], $0x80, v8, vm8, $0xb8;
	[tilespmem:$0x14880] =	vst v63  }
0xd4: {  	_ = 	snop  }
0xd5: {  	[hbm4b:s3+s4] =	stream.indirect_vreg.scatter [tilespmem:s15], [sflag:$0x3], $0x80, v8, vm8, $0xb8;
	[tilespmem:$0x14880] =	vst v63  }
0xd6: {  	v8 =	vld [tilespmem:$0x4400];
	_ =	sdelay $0x4  }
0xd7: {  	v60 =	vshll.u32 v8, $0x3  }
0xd8: {  	v8 =	vand.u32 $0x7, v8;
	v11 =	vand.u32 $0xFFFFFFC0, v60  }
0xd9: {  	v8 =	vor.u32 v8, v11  }
0xda: {  	v11 =	vperm.xlane v8, v53;
	_ =	sdelay $0x1  }
0xdb: {  	v11 =	vadd.s32 v10, v11;
	_ =	sdelay $0x3  }
0xdc: {  	s10 =	simm.s32 $0xC880  }
0xdd: {  	[hbm4b:s0+s4] =	stream.indirect_vreg.scatter [tilespmem:s10], [sflag:$0x2], $0x80, v11, vm8, $0xb8;
	[tilespmem:$0x14880] =	vst v63  }
0xde: {  	s11 =	simm.s32 $0xD080;
	v8 =	vperm.xlane v8, v56  }
0xdf: {  	[hbm4b:s1+s4] =	stream.indirect_vreg.scatter [tilespmem:s11], [sflag:$0x2], $0x80, v11, vm8, $0xb8;
	[tilespmem:$0x14880] =	vst v63  }
0xe0: {  	s13 =	simm.s32 $0xD880;
	v8 =	vadd.s32 v10, v8  }
0xe1: {  	[hbm4b:s2+s4] =	stream.indirect_vreg.scatter [tilespmem:s13], [sflag:$0x2], $0x80, v11, vm8, $0xb8;
	[tilespmem:$0x14880] =	vst v63  }
0xe2: {  	s14 =	simm.s32 $0xE080  }
0xe3: {  	[hbm4b:s3+s4] =	stream.indirect_vreg.scatter [tilespmem:s14], [sflag:$0x2], $0x80, v11, vm8, $0xb8;
	[tilespmem:$0x14880] =	vst v63  }
0xe4: {  	s15 =	simm.s32 $0xE880  }
0xe5: {  	[hbm4b:s0+s4] =	stream.indirect_vreg.scatter [tilespmem:s15], [sflag:$0x2], $0x80, v8, vm8, $0xb8;
	[tilespmem:$0x14880] =	vst v63  }
0xe6: {  	s17 =	simm.s32 $0xF080  }
0xe7: {  	[hbm4b:s1+s4] =	stream.indirect_vreg.scatter [tilespmem:s17], [sflag:$0x2], $0x80, v8, vm8, $0xb8;
	[tilespmem:$0x14880] =	vst v63  }
0xe8: {  	s18 =	simm.s32 $0xF880  }
0xe9: {  	[hbm4b:s2+s4] =	stream.indirect_vreg.scatter [tilespmem:s18], [sflag:$0x2], $0x80, v8, vm8, $0xb8;
	[tilespmem:$0x14880] =	vst v63  }
0xea: {  	s19 =	simm.s32 $0x10080  }
0xeb: {  	[hbm4b:s3+s4] =	stream.indirect_vreg.scatter [tilespmem:s19], [sflag:$0x2], $0x80, v8, vm8, $0xb8;
	[tilespmem:$0x14880] =	vst v63  }
0xec: {  	v8 =	vld [tilespmem:$0x4600];
	_ =	sdelay $0x4  }
0xed: {  	v61 =	vshll.u32 v8, $0x3  }
0xee: {  	v8 =	vand.u32 $0x7, v8;
	v11 =	vand.u32 $0xFFFFFFC0, v61  }
0xef: {  	v8 =	vor.u32 v8, v11  }
0xf0: {  	v11 =	vperm.xlane v8, v53;
	_ =	sdelay $0x1  }
0xf1: {  	v11 =	vadd.s32 v10, v11;
	_ =	sdelay $0x4  }
0xf2: {  	[hbm4b:s0+s4] =	stream.indirect_vreg.scatter [tilespmem:s10], [sflag:$0x3], $0x80, v11, vm8, $0xb8;
	[tilespmem:$0x14880] =	vst v63  }
0xf3: {  	v8 =	vperm.xlane v8, v56  }
0xf4: {  	[hbm4b:s1+s4] =	stream.indirect_vreg.scatter [tilespmem:s11], [sflag:$0x3], $0x80, v11, vm8, $0xb8;
	[tilespmem:$0x14880] =	vst v63  }
0xf5: {  	v8 =	vadd.s32 v10, v8  }
0xf6: {  	[hbm4b:s2+s4] =	stream.indirect_vreg.scatter [tilespmem:s13], [sflag:$0x3], $0x80, v11, vm8, $0xb8;
	[tilespmem:$0x14880] =	vst v63  }
0xf7: {  	_ = 	snop  }
0xf8: {  	[hbm4b:s3+s4] =	stream.indirect_vreg.scatter [tilespmem:s14], [sflag:$0x3], $0x80, v11, vm8, $0xb8;
	[tilespmem:$0x14880] =	vst v63  }
0xf9: {  	_ = 	snop  }
0xfa: {  	[hbm4b:s0+s4] =	stream.indirect_vreg.scatter [tilespmem:s15], [sflag:$0x3], $0x80, v8, vm8, $0xb8;
	[tilespmem:$0x14880] =	vst v63  }
0xfb: {  	_ = 	snop  }
0xfc: {  	[hbm4b:s1+s4] =	stream.indirect_vreg.scatter [tilespmem:s17], [sflag:$0x3], $0x80, v8, vm8, $0xb8;
	[tilespmem:$0x14880] =	vst v63  }
0xfd: {  	_ = 	snop  }
0xfe: {  	[hbm4b:s2+s4] =	stream.indirect_vreg.scatter [tilespmem:s18], [sflag:$0x3], $0x80, v8, vm8, $0xb8;
	[tilespmem:$0x14880] =	vst v63  }
0xff: {  	_ = 	snop  }
0x100: {  	[hbm4b:s3+s4] =	stream.indirect_vreg.scatter [tilespmem:s19], [sflag:$0x3], $0x80, v8, vm8, $0xb8;
	[tilespmem:$0x14880] =	vst v63  }
0x101: {  	v8 =	vld [tilespmem:$0x4480];
	_ =	sdelay $0x4  }
0x102: {  	v62 =	vshll.u32 v8, $0x3  }
0x103: {  	v8 =	vand.u32 $0x7, v8;
	v11 =	vand.u32 $0xFFFFFFC0, v62  }
0x104: {  	v8 =	vor.u32 v8, v11  }
0x105: {  	v11 =	vperm.xlane v8, v53;
	_ =	sdelay $0x1  }
0x106: {  	v11 =	vadd.s32 v10, v11;
	_ =	sdelay $0x3  }
0x107: {  	s20 =	simm.s32 $0x10880  }
0x108: {  	[hbm4b:s0+s4] =	stream.indirect_vreg.scatter [tilespmem:s20], [sflag:$0x2], $0x80, v11, vm8, $0xb8;
	[tilespmem:$0x14880] =	vst v63  }
0x109: {  	s21 =	simm.s32 $0x11080;
	v8 =	vperm.xlane v8, v56  }
0x10a: {  	[hbm4b:s1+s4] =	stream.indirect_vreg.scatter [tilespmem:s21], [sflag:$0x2], $0x80, v11, vm8, $0xb8;
	[tilespmem:$0x14880] =	vst v63  }
0x10b: {  	s22 =	simm.s32 $0x11880;
	v8 =	vadd.s32 v10, v8  }
0x10c: {  	[hbm4b:s2+s4] =	stream.indirect_vreg.scatter [tilespmem:s22], [sflag:$0x2], $0x80, v11, vm8, $0xb8;
	[tilespmem:$0x14880] =	vst v63  }
0x10d: {  	s23 =	simm.s32 $0x12080  }
0x10e: {  	[hbm4b:s3+s4] =	stream.indirect_vreg.scatter [tilespmem:s23], [sflag:$0x2], $0x80, v11, vm8, $0xb8;
	[tilespmem:$0x14880] =	vst v63  }
0x10f: {  	s24 =	simm.s32 $0x12880  }
0x110: {  	[hbm4b:s0+s4] =	stream.indirect_vreg.scatter [tilespmem:s24], [sflag:$0x2], $0x80, v8, vm8, $0xb8;
	[tilespmem:$0x14880] =	vst v63  }
0x111: {  	s25 =	simm.s32 $0x13080  }
0x112: {  	[hbm4b:s1+s4] =	stream.indirect_vreg.scatter [tilespmem:s25], [sflag:$0x2], $0x80, v8, vm8, $0xb8;
	[tilespmem:$0x14880] =	vst v63  }
0x113: {  	s26 =	simm.s32 $0x13880  }
0x114: {  	[hbm4b:s2+s4] =	stream.indirect_vreg.scatter [tilespmem:s26], [sflag:$0x2], $0x80, v8, vm8, $0xb8;
	[tilespmem:$0x14880] =	vst v63  }
0x115: {  	s28 =	simm.s32 $0x14080  }
0x116: {  	[hbm4b:s3+s4] =	stream.indirect_vreg.scatter [tilespmem:s28], [sflag:$0x2], $0x80, v8, vm8, $0xb8;
	[tilespmem:$0x14880] =	vst v63  }
0x117: {  	v8 =	vld [tilespmem:$0x4680];
	_ =	sdelay $0x4  }
0x118: {  	v63 =	vshll.u32 v8, $0x3  }
0x119: {  	v8 =	vand.u32 $0x7, v8;
	v11 =	vand.u32 $0xFFFFFFC0, v63  }
0x11a: {  	v8 =	vor.u32 v8, v11  }
0x11b: {  	v9 =	vperm.xlane v8, v53;
	_ =	sdelay $0x1  }
0x11c: {  	v9 =	vadd.s32 v10, v9;
	_ =	sdelay $0x4  }
0x11d: {  	[hbm4b:s0+s4] =	stream.indirect_vreg.scatter [tilespmem:s20], [sflag:$0x3], $0x80, v9, vm8, $0xb8;
	[tilespmem:$0x14880] =	vst v63  }
0x11e: {  	v8 =	vperm.xlane v8, v56  }
0x11f: {  	[hbm4b:s1+s4] =	stream.indirect_vreg.scatter [tilespmem:s21], [sflag:$0x3], $0x80, v9, vm8, $0xb8;
	[tilespmem:$0x14880] =	vst v63  }
0x120: {  	v8 =	vadd.s32 v10, v8  }
0x121: {  	[hbm4b:s2+s4] =	stream.indirect_vreg.scatter [tilespmem:s22], [sflag:$0x3], $0x80, v9, vm8, $0xb8;
	[tilespmem:$0x14880] =	vst v63  }
0x122: {  	_ = 	snop  }
0x123: {  	[hbm4b:s3+s4] =	stream.indirect_vreg.scatter [tilespmem:s23], [sflag:$0x3], $0x80, v9, vm8, $0xb8;
	[tilespmem:$0x14880] =	vst v63  }
0x124: {  	_ = 	snop  }
0x125: {  	[hbm4b:s0+s4] =	stream.indirect_vreg.scatter [tilespmem:s24], [sflag:$0x3], $0x80, v8, vm8, $0xb8;
	[tilespmem:$0x14880] =	vst v63  }
0x126: {  	_ = 	snop  }
0x127: {  	[hbm4b:s1+s4] =	stream.indirect_vreg.scatter [tilespmem:s25], [sflag:$0x3], $0x80, v8, vm8, $0xb8;
	[tilespmem:$0x14880] =	vst v63  }
0x128: {  	_ = 	snop  }
0x129: {  	[hbm4b:s2+s4] =	stream.indirect_vreg.scatter [tilespmem:s26], [sflag:$0x3], $0x80, v8, vm8, $0xb8;
	[tilespmem:$0x14880] =	vst v63  }
0x12a: {  	s29 =	simm.s32 $0x2  }
0x12b: {  	[hbm4b:s3+s4] =	stream.indirect_vreg.scatter [tilespmem:s28], [sflag:$0x3], $0x80, v8, vm8, $0xb8;
	[tilespmem:$0x14880] =	vst v63  }
0x12c: {  	_ =	swait.ge [sflag:s29], $0x4000  }
0x12d: {  	[sflag:s29] =	ssyncset.done $0x0  }
0x12e: {  	s30 =	simm.s32 $0x3;
	[sflag:s29] =	ssyncadd.s32 $0xFFFFC000  }
0x12f: {  	_ =	swait.ge [sflag:s30], $0x4000  }
0x130: {  	[sflag:s30] =	ssyncset.done $0x0  }
0x131: {  	[sflag:s30] =	ssyncadd.s32 $0xFFFFC000  }
0x132: {  	_ =	swait.ge [sflag:s29], $0x4000  }
0x133: {  	[sflag:s29] =	ssyncset.done $0x0  }
0x134: {  	[sflag:s29] =	ssyncadd.s32 $0xFFFFC000  }
0x135: {  	_ =	swait.ge [sflag:s30], $0x4000  }
0x136: {  	[sflag:s30] =	ssyncset.done $0x0  }
0x137: {  	[sflag:s30] =	ssyncadd.s32 $0xFFFFC000  }
0x138: {  	_ =	swait.ge [sflag:s29], $0x4000  }
0x139: {  	[sflag:s29] =	ssyncset.done $0x0  }
0x13a: {  	[sflag:s29] =	ssyncadd.s32 $0xFFFFC000  }
0x13b: {  	_ =	swait.ge [sflag:s30], $0x4000  }
0x13c: {  	[sflag:s30] =	ssyncset.done $0x0  }
0x13d: {  	[sflag:s30] =	ssyncadd.s32 $0xFFFFC000  }
0x13e: {  	_ =	swait.ge [sflag:s29], $0x4000  }
0x13f: {  	[sflag:s29] =	ssyncset.done $0x0  }
0x140: {  	[sflag:s29] =	ssyncadd.s32 $0xFFFFC000  }
0x141: {  	_ =	swait.ge [sflag:s30], $0x4000  }
0x142: {  	s16 =	sadd.s32 $0x1, s16;
	s31 =	rddreg [dreg:$0xf]  }
0x143: {  	p1 =	sne.s32 s16, s31  }
.Ltmp2:
0x144: {  	_ = 	snop;
	(pc) =	sbr.rel @!p1 .LBB2_9-.Ltmp2, $3  }
0x145: {  	_ =	sdelay $0x1  }
0x146: {  	[sflag:s30] =	ssyncset.done $0x0  }
0x147: {  	[sflag:s30] =	ssyncadd.s32 $0xFFFFC000  }
.LBB2_1:
0x148: {  	[dreg:$0x10] =	wrdreg s16  }
0x149: {  	s0 =	rddreg [dreg:$0x0];
	s25 =	simm.s32 $0x0;
	s18 =	simm.s32 $0x0  }
0x14a: {  	s19 =	simm.s32 $0x0;
	s21 =	simm.s32 $0x0;
	s10 =	simm.s32 $0x0  }
0x14b: {  	s31 =	simm.s32 $0x0;
	s3 =	simm.s32 $0x0;
	s20 =	simm.s32 $0x0  }
0x14c: {  	s1 =	simm.s32 $0x0;
	s23 =	simm.s32 $0x0;
	s24 =	simm.s32 $0x0  }
0x14d: {  	s22 =	simm.s32 $0x0;
	s11 =	simm.s32 $0x0;
	s16 =	simm.s32 $0x0  }
0x14e: {  	[tilespmem:s4], [sflag:$0x4] =	stream.linear.gather [hbm4b:s0+s4], $0x4000, $0x38;
	[tilespmem:$0x14880] =	vst v63  }
.Ltmp3:
0x14f: {  	s28 =	simm.s32 $0x0;
	_ =	swait.ge [sflag:s12], $0x4000;
	(pc) =	sbr.rel .LBB2_2-.Ltmp3, $4  }
0x150: {  	s29 =	simm.s32 $0x0;
	s2 =	simm.s32 $0x0;
	[sflag:s12] =	ssyncset.done $0x0  }
0x151: {  	s30 =	simm.s32 $0x0;
	s26 =	rddreg [dreg:$0x6];
	[sflag:s12] =	ssyncadd.s32 $0xFFFFC000  }
0x152: {  	[tilespmem:s5], [sflag:$0x1] =	stream.linear.gather [hbm4b:s26+s4], $0x10000, $0x38;
	[tilespmem:$0x14880] =	vst v63  }
0x153: {  	s0 =	simm.s32 $0x0;
	s12 =	simm.s32 $0x0;
	s26 =	simm.s32 $0x0  }
.LBB2_4:
0x154: {  	v13 =	vsel vm9, $0x1, v6  }
0x155: {  	vm3 =	veq.s32 v8, $0x1;
	(xrf0) =	vadd.scan.msk.s32 $0xffff, v13;
	v13 =	vsel vm8, $0x1, v6  }
0x156: {  	vm1 =	veq.s32 v9, $0x1;
	(xrf0) =	vadd.scan.msk.s32 $0xffff, v13;
	v13 =	vsel vm3, $0x1, v6  }
0x157: {  	(xrf0) =	vadd.scan.msk.s32 $0xffff, v13;
	v13 =	vsel vm1, $0x1, v6  }
0x158: {  	(xrf0) =	vadd.scan.msk.s32 $0xffff, v13  }
0x159: {  	vm4 =	veq.s32 v8, $0x2;
	v14 =	vmov s2;
	vm0 =	veq.s32 v9, $0x2  }
0x15a: {  	v17 =	vmov s0;
	vm14 =	veq.s32 v8, $0x3;
	v13 =	vsel vm4, $0x1, v6  }
0x15b: {  	vm2 =	veq.s32 v9, $0x3;
	(xrf0) =	vadd.scan.msk.s32 $0xffff, v13;
	v13 =	vadd.s32 $0xFFFFFFFF, v14;
	v14 =	vmov s24;
	v15, _, _ =	vpop (xrf0)  }
0x15c: {  	v19 =	vsel vm0, $0x1, v6;
	v13 =	vbroadcast v13, $0x0;
	v14 =	vadd.s32 $0xFFFFFFFF, v14;
	v16, _, _ =	vpop (xrf0)  }
0x15d: {  	v12 =	vsel vm11, v10, v12;
	v54 =	vmov s29;
	v14 =	vbroadcast v14, $0x0;
	v18, _, _ =	vpop (xrf0);
	(xrf0) =	vadd.scan.msk.s32 $0xffff, v19  }
0x15e: {  	v55 =	vmov s1;
	v10 =	vsel vm10, v10, v11;
	v20, _, _ =	vpop (xrf0);
	v13 =	vadd.s32 v13, v18  }
0x15f: {  	v50 =	vsel vm14, $0x1, v6;
	v21 =	vnsel vm3, $0x0, v13;
	v13 =	vadd.s32 v14, v20  }
0x160: {  	v52 =	vsel vm2, $0x1, v6;
	(xrf0) =	vadd.scan.msk.s32 $0xffff, v50;
	v53 =	vnsel vm1, $0x0, v13;
	v13 =	vmov s23  }
0x161: {  	v56 =	vmov s30;
	vm15 =	vmand vm15, vm12;
	v51, _, _ =	vpop (xrf0);
	(xrf0) =	vadd.scan.msk.s32 $0xffff, v52;
	v13 =	vadd.s32 $0xFFFFFFFF, v13  }
0x162: {  	vm12 =	vmneg vm11;
	v57 =	vmov s20;
	v13 =	vbroadcast v13, $0x0  }
0x163: {  	v26 =	vsel vm11, $0x1, v6;
	v58 =	vmov s11;
	v10 =	vsub.f32 v12, v10;
	v11, _, _ =	vpop (xrf0)  }
0x164: {  	v28 =	vmov s10;
	v59 =	vmov s16;
	v11 =	vadd.s32 v13, v11  }
0x165: {  	v60 =	vmov s3;
	v10 =	vmul.f32 $1.442695020e+00, v10;
	v19 =	vadd.s32 $0xFFFFFFFF, v55  }
0x166: {  	v17 =	vadd.s32 $0xFFFFFFFF, v17;
	v18 =	vadd.s32 $0xFFFFFFFF, v54;
	v19 =	vbroadcast v19, $0x0;
	v13, _, _ =	vpop (xrf0)  }
0x167: {  	(erf) = vpow2.f32 v10;
	v18 =	vbroadcast v18, $0x0;
	v22 =	vnsel vm0, $0x0, v11;
	v11, _, _ =	vpop (xrf0)  }
0x168: {  	vm1 =	veq.s32 v8, $0x4;
	vm0 =	veq.s32 v9, $0x4;
	v11 =	vadd.s32 v19, v11  }
0x169: {  	v13 =	vadd.s32 v18, v13;
	v19 =	vnsel vm2, $0x0, v11;
	v11 =	vsel vm1, $0x1, v6  }
0x16a: {  	v18 =	vnsel vm14, $0x0, v13;
	vm14 =	veq.s32 v8, $0x5;
	(xrf0) =	vadd.scan.msk.s32 $0xffff, v11;
	v11 =	vsel vm0, $0x1, v6  }
0x16b: {  	vm13 =	vmand vm12, vm13;
	vm2 =	veq.s32 v9, $0x5;
	(xrf0) =	vadd.scan.msk.s32 $0xffff, v11;
	v11 =	vsel vm14, $0x1, v6  }
0x16c: {  	v28 =	vadd.s32 $0xFFFFFFFF, v28;
	v17 =	vbroadcast v17, $0x0;
	(xrf0) =	vadd.scan.msk.s32 $0xffff, v11;
	v11 =	vsel vm2, $0x1, v6  }
0x16d: {  	v28 =	vbroadcast v28, $0x0;
	v13 =	vmov s28;
	(xrf0) =	vadd.scan.msk.s32 $0xffff, v11;
	v11 =	vsel vm15, $0x1, v6  }
0x16e: {  	v10 =	vmov s22;
	v12 =	vadd.s32 $0xFFFFFFFF, v13;
	(xrf0) =	vadd.scan.msk.s32 $0xffff, v11;
	v11 =	vsel vm13, $0x1, v6  }
0x16f: {  	v20 =	vadd.s32 $0xFFFFFFFF, v56;
	v12 =	vbroadcast v12, $0x0;
	(xrf0) =	vadd.scan.msk.s32 $0xffff, v11;
	v11 =	vsel vm10, $0x1, v6  }
0x170: {  	v10 =	vadd.s32 $0xFFFFFFFF, v10;
	v13 =	vbroadcast v20, $0x0;
	v20 =	vadd.s32 $0xFFFFFFFF, v57;
	v23, _, _ =	vpop (xrf0)  }
0x171: {  	v14 =	vadd.s32 v17, v51;
	v29 =	vpop (erf);
	v20 =	vbroadcast v20, $0x0;
	v12 =	vadd.s32 v12, v23  }
0x172: {  	v29 =	vadd.f32 $1.000000000e+00, v29;
	(xrf0) =	vadd.scan.msk.s32 $0xffff, v11;
	v11, _, _ =	vpop (xrf0);
	v23 =	vnsel vm1, $0x0, v12;
	v12 =	vbroadcast v10, $0x0  }
0x173: {  	v10 =	vmov s12;
	(xrf0) =	vadd.scan.msk.s32 $0xffff, v26;
	v20 =	vadd.s32 v20, v11;
	v11 =	vmov s31  }
0x174: {  	v14 =	vnsel vm4, $0x0, v14;
	v13 =	vadd.s32 v13, v15;
	v15, _, _ =	vpop (xrf0);
	v10 =	vadd.s32 $0xFFFFFFFF, v10  }
0x175: {  	(erf) = vrcp.f32 v29;
	v29 =	vadd.s32 $0xFFFFFFFF, v60;
	v26 =	vadd.s32 $0xFFFFFFFF, v58;
	v24, _, _ =	vpop (xrf0)  }
0x176: {  	v61 =	vbroadcast v29, $0x0;
	v26 =	vbroadcast v26, $0x0;
	v25 =	vadd.s32 $0xFFFFFFFF, v11;
	v11, _, _ =	vpop (xrf0)  }
0x177: {  	v27 =	vbroadcast v10, $0x0;
	v16 =	vadd.s32 v12, v16;
	v25 =	vbroadcast v25, $0x0;
	v10, _, _ =	vpop (xrf0)  }
0x178: {  	v30 =	vnsel vm9, $0x0, v13;
	v20 =	vnsel vm0, $0x0, v20;
	v16 =	vnsel vm8, $0x0, v16;
	v12, _, _ =	vpop (xrf0)  }
0x179: {  	v27 =	vadd.s32 v27, v11;
	v25 =	vadd.s32 v25, v10;
	v26 =	vadd.s32 v26, v12;
	v13, _, _ =	vpop (xrf0)  }
0x17a: {  	v27 =	vnsel vm15, $0x0, v27;
	v26 =	vnsel vm10, $0x0, v26;
	v28 =	vadd.s32 v28, v13  }
0x17b: {  	v25 =	vnsel vm13, $0x0, v25;
	v26 =	vadd.s32 v26, v27;
	v28 =	vnsel vm11, $0x0, v28  }
0x17c: {  	v27 =	vadd.s32 $0xFFFFFFFF, v59;
	v21 =	vadd.s32 v21, v26;
	v25 =	vadd.s32 v28, v25  }
0x17d: {  	v27 =	vbroadcast v27, $0x0;
	v21 =	vadd.s32 v30, v21;
	v17 =	vadd.s32 v53, v25  }
0x17e: {  	v62 =	vadd.s32 v61, v24;
	v14 =	vadd.s32 v14, v21;
	v16 =	vadd.s32 v16, v17  }
0x17f: {  	s7 =	sshra.s32 s21, $0x2;
	v15 =	vadd.s32 v27, v15;
	v14 =	vadd.s32 v18, v14;
	v16 =	vadd.s32 v22, v16  }
0x180: {  	[tilespmem:v0+s7+$0x0 ss:$0x1] =	vst.idx.msk $0xffff, v8;
	v15 =	vnsel vm14, $0x0, v15;
	v14 =	vadd.s32 v23, v14;
	v16 =	vadd.s32 v19, v16  }
0x181: {  	[tilespmem:v1+s7+$0x0 ss:$0x1] =	vst.idx.msk $0xffff, v9;
	v17 =	vnsel vm2, $0x0, v62;
	v14 =	vadd.s32 v15, v14;
	v15 =	vadd.s32 v20, v16  }
0x182: {  	v63 =	vpop (erf);
	v15 =	vadd.s32 v17, v15;
	[tilespmem:v2+s7+$0x0 ss:$0x1] =	vst.idx.msk $0xffff, v14  }
0x183: {  	v14 =	vsub.f32 $1.000000000e+00, v63;
	[tilespmem:v3+s7+$0x0 ss:$0x1] =	vst.idx.msk $0xffff, v15  }
0x184: {  	[tilespmem:v4+s7+$0x0 ss:$0x1] =	vst.idx.msk $0xffff, v63  }
0x185: {  	[tilespmem:v5+s7+$0x0 ss:$0x1] =	vst.idx.msk $0xffff, v14  }
.LBB2_5:
0x186: {  	v14 =	vsel vm9, $0x1, v6;
	vm0 =	veq.s32 v8, $0x1  }
0x187: {  	vm14 =	veq.s32 v8, $0x2;
	(xrf0) =	vadd.scan.msk.s32 $0xffff, v14;
	v53 =	vsel vm0, $0x1, v6  }
0x188: {  	vm15 =	veq.s32 v8, $0x3;
	v54 =	vsel vm14, $0x1, v6;
	(xrf0) =	vadd.scan.msk.s32 $0xffff, v53  }
0x189: {  	vm9 =	veq.s32 v8, $0x4;
	vm10 =	veq.s32 v8, $0x5;
	v55 =	vsel vm15, $0x1, v6;
	(xrf0) =	vadd.scan.msk.s32 $0xffff, v54  }
0x18a: {  	v56 =	vsel vm9, $0x1, v6;
	v8 =	vsel vm10, $0x1, v6;
	(xrf0) =	vadd.scan.msk.s32 $0xffff, v55  }
0x18b: {  	(xrf0) =	vadd.scan.msk.s32 $0xffff, v56  }
0x18c: {  	(xrf0) =	vadd.scan.msk.s32 $0xffff, v8  }
0x18d: {  	v8, _, _ =	vpop (xrf0)  }
0x18e: {  	v57 =	vsel vm8, $0x1, v6;
	(v2sf) =	vpush v8, $0xF;
	v8, _, _ =	vpop (xrf0)  }
0x18f: {  	vm11 =	veq.s32 v9, $0x1;
	vm12 =	veq.s32 v9, $0x2;
	(v2sf) =	vpush v8, $0xF;
	v8, _, _ =	vpop (xrf0)  }
0x190: {  	vm13 =	veq.s32 v9, $0x3;
	v58 =	vsel vm11, $0x1, v6;
	(xrf0) =	vadd.scan.msk.s32 $0xffff, v57;
	(v2sf) =	vpush v8, $0xF;
	v8, _, _ =	vpop (xrf0)  }
0x191: {  	v59 =	vsel vm12, $0x1, v6;
	v60 =	vsel vm13, $0x1, v6;
	(xrf0) =	vadd.scan.msk.s32 $0xffff, v58;
	(v2sf) =	vpush v8, $0xF;
	v8, _, _ =	vpop (xrf0)  }
0x192: {  	vm14 =	veq.s32 v9, $0x4;
	vm15 =	veq.s32 v9, $0x5;
	(xrf0) =	vadd.scan.msk.s32 $0xffff, v59;
	(v2sf) =	vpush v8, $0xF;
	v8, _, _ =	vpop (xrf0)  }
0x193: {  	v61 =	vsel vm14, $0x1, v6;
	(xrf0) =	vadd.scan.msk.s32 $0xffff, v60;
	(v2sf) =	vpush v8, $0xF;
	v8 =	vsel vm15, $0x1, v6  }
0x194: {  	(xrf0) =	vadd.scan.msk.s32 $0xffff, v61  }
0x195: {  	(v2sf) =	vpush v11, $0xF;
	(xrf0) =	vadd.scan.msk.s32 $0xffff, v8  }
0x196: {  	(v2sf) =	vpush v12, $0xF;
	v8, _, _ =	vpop (xrf0)  }
0x197: {  	v62, _, _ =	vpop (xrf0);
	(v2sf) =	vpush v8, $0xF  }
0x198: {  	v8, _, _ =	vpop (xrf0);
	(v2sf) =	vpush v62, $0xF  }
0x199: {  	v63, _, _ =	vpop (xrf0);
	(v2sf) =	vpush v8, $0xF  }
0x19a: {  	v8, _, _ =	vpop (xrf0);
	(v2sf) =	vpush v63, $0xF  }
0x19b: {  	(v2sf) =	vpush v8, $0xF;
	v8, _, _ =	vpop (xrf0)  }
0x19c: {  	(v2sf) =	vpush v8, $0xF  }
0x19d: {  	(v2sf) =	vpush v10, $0xF  }
0x19e: {  	s7 =	spop (v2sf);
	(v2sf) =	vpush v13, $0xF  }
0x19f: {  	s9 =	spop (v2sf)  }
0x1a0: {  	s17 =	spop (v2sf)  }
0x1a1: {  	s5 =	spop (v2sf)  }
0x1a2: {  	s13 =	spop (v2sf)  }
0x1a3: {  	s14 =	spop (v2sf)  }
0x1a4: {  	s21 =	sadd.s32 $0x40, s21;
	s26 =	sadd.s32 $0x1, s26;
	s15 =	spop (v2sf)  }
0x1a5: {  	s19 =	sadd.s32 $0x80, s19;
	s18 =	sadd.s32 $0x1, s18;
	s6 =	spop (v2sf)  }
0x1a6: {  	s25 =	sadd.s32 $0x10, s25;
	s30 =	sadd.s32 s30, s7;
	s7 =	spop (v2sf)  }
0x1a7: {  	p1 =	sne.s32 s21, $0x2000;
	s2 =	sadd.s32 s2, s9;
	s9 =	spop (v2sf)  }
0x1a8: {  	s0 =	sadd.s32 s0, s17;
	s16 =	sadd.s32 s16, s14;
	s14 =	spop (v2sf)  }
0x1a9: {  	s29 =	sadd.s32 s29, s5;
	s28 =	sadd.s32 s28, s13;
	s17 =	spop (v2sf)  }
.Ltmp4:
0x1aa: {  	s12 =	sadd.s32 s12, s15;
	s13 =	spop (v2sf);
	(pc) =	sbr.rel @!p1 .LBB2_6-.Ltmp4, $4  }
0x1ab: {  	s11 =	sadd.s32 s11, s6;
	s23 =	sadd.s32 s23, s14;
	s14 =	spop (v2sf)  }
0x1ac: {  	s22 =	sadd.s32 s22, s7;
	s24 =	sadd.s32 s24, s9;
	s15 =	spop (v2sf)  }
0x1ad: {  	s1 =	sadd.s32 s1, s17;
	s20 =	sadd.s32 s20, s13;
	s17 =	spop (v2sf)  }
0x1ae: {  	s3 =	sadd.s32 s3, s14;
	s31 =	sadd.s32 s31, s15;
	s10 =	sadd.s32 s10, s17  }
.LBB2_2:
0x1af: {  	s7 =	sand.u32 $0x70, s25;
	s9 =	sand.u32 $0x3C00, s19  }
0x1b0: {  	s7 =	sor.u32 s7, s9  }
0x1b1: {  	v9 =	vld [tilespmem:s7+$0x0]  }
0x1b2: {  	v12 =	vld [tilespmem:s7+$0x80];
	_ =	sdelay $0x1  }
0x1b3: {  	v13 =	vld [tilespmem:s7+$0x100];
	_ =	sdelay $0x1  }
0x1b4: {  	v14 =	vld [tilespmem:s7+$0x180]  }
0x1b5: {  	vm0 =	vgt.f32 v12, v9  }
0x1b6: {  	v15 =	vld [tilespmem:s7+$0x200];
	v8 =	vsel vm0, v12, v9  }
0x1b7: {  	vm1 =	vgt.f32 v13, v8  }
0x1b8: {  	s15 =	sand.u32 $0x7, s18;
	v16 =	vld [tilespmem:s7+$0x280];
	v8 =	vsel vm1, v13, v8  }
0x1b9: {  	s9 =	sshll.u32 s15, $0x4;
	vm2 =	vgt.f32 v14, v8  }
0x1ba: {  	s9 =	sadd.s32 s9, s19;
	v17 =	vld [tilespmem:s7+$0x300];
	v8 =	vsel vm2, v14, v8  }
0x1bb: {  	s17 =	sor.u32 $0x380, s9;
	vm3 =	vgt.f32 v15, v8  }
0x1bc: {  	v10 =	vld [tilespmem:s17+$0x0];
	v11 =	vsel vm0, $0x1, v6;
	v8 =	vsel vm3, v15, v8  }
0x1bd: {  	v11 =	vsel vm1, $0x2, v11;
	vm0 =	vgt.f32 v16, v8  }
0x1be: {  	v11 =	vsel vm2, $0x3, v11;
	v8 =	vsel vm0, v16, v8  }
0x1bf: {  	v11 =	vsel vm3, $0x4, v11;
	vm12 =	vgt.f32 v17, v8  }
0x1c0: {  	v18 =	vsel vm0, $0x5, v11;
	v11 =	vsel vm12, v17, v8  }
0x1c1: {  	v8 =	vsel vm12, $0x6, v18;
	vm10 =	vgt.f32 v10, v11  }
0x1c2: {  	vm1 =	vgt.f32 v9, $-Inf;
	vm0 =	vlt.f32 v9, $-Inf;
	v8 =	vsel vm10, $0x7, v8  }
0x1c3: {  	vm0 =	vmor vm1, vm0;
	vm1 =	vne.s32 v8, $0x0  }
0x1c4: {  	vm0 =	vmand vm0, vm1  }
0x1c5: {  	v9 =	vnsel vm0, $0xFF800000, v9  }
0x1c6: {  	vm1 =	vne.s32 v8, $0x1;
	vm0 =	vgt.f32 v12, v9  }
0x1c7: {  	vm0 =	vmand vm1, vm0  }
0x1c8: {  	v9 =	vsel vm0, v12, v9  }
0x1c9: {  	vm2 =	vne.s32 v8, $0x2;
	vm1 =	vgt.f32 v13, v9  }
0x1ca: {  	vm1 =	vmand vm2, vm1  }
0x1cb: {  	v9 =	vsel vm1, v13, v9  }
0x1cc: {  	vm3 =	vne.s32 v8, $0x3;
	vm2 =	vgt.f32 v14, v9  }
0x1cd: {  	vm2 =	vmand vm3, vm2  }
0x1ce: {  	v9 =	vsel vm2, v14, v9  }
0x1cf: {  	vm8 =	vne.s32 v8, $0x4;
	vm3 =	vgt.f32 v15, v9  }
0x1d0: {  	vm3 =	vmand vm8, vm3  }
0x1d1: {  	v9 =	vsel vm3, v15, v9  }
0x1d2: {  	vm9 =	vne.s32 v8, $0x5;
	vm8 =	vgt.f32 v16, v9  }
0x1d3: {  	vm8 =	vmand vm9, vm8  }
0x1d4: {  	p1 =	slt.u32 s26, s8;
	s5 =	rddreg [dreg:$0x7];
	v12 =	vsel vm0, $0x1, v6;
	v9 =	vsel vm8, v16, v9  }
0x1d5: {  	p2 =	slt.u32 @!p1 s26, s5;
	v12 =	vsel vm1, $0x2, v12;
	vm1 =	vne.s32 v8, $0x6;
	vm0 =	vgt.f32 v17, v9  }
0x1d6: {  	p1 =	por p1, !p2;
	v12 =	vsel vm2, $0x3, v12;
	vm13 =	vmand vm1, vm0  }
.Ltmp5:
0x1d7: {  	v13 =	vsel vm3, $0x4, v12;
	v12 =	vsel vm13, v17, v9;
	(pc) =	sbr.rel @!p1 .LBB2_4-.Ltmp5, $4  }
0x1d8: {  	vm15 =	vmneg vm10;
	v9 =	vsel vm8, $0x5, v13;
	vm0 =	vgt.f32 v10, v12  }
0x1d9: {  	v9 =	vsel vm13, $0x6, v9;
	vm11 =	vmand vm0, vm15  }
0x1da: {  	v9 =	vsel vm11, $0x7, v9  }
0x1db: {  	vm9 =	veq.s32 v8, $0x0;
	vm8 =	veq.s32 v9, $0x0  }
0x1dc: {  	vm0 =	vmand vm15, vm12  }
0x1dd: {  	vm15 =	vmneg vm11;
	v10 =	vsel vm0, $0x1, v6  }
0x1de: {  	vm0 =	vmand vm15, vm13;
	(xrf0) =	vadd.scan.msk.s32 $0xffff, v10;
	v10 =	vsel vm10, $0x1, v6  }
0x1df: {  	(xrf0) =	vadd.scan.msk.s32 $0xffff, v10;
	v10 =	vsel vm0, $0x1, v6  }
0x1e0: {  	(xrf0) =	vadd.scan.msk.s32 $0xffff, v10;
	v10 =	vsel vm11, $0x1, v6  }
0x1e1: {  	(xrf0) =	vadd.scan.msk.s32 $0xffff, v10;
	_ =	sdelay $0x1  }
.Ltmp6:
0x1e2: {  	_ = 	snop;
	(pc) =	sbr.rel .LBB2_5-.Ltmp6, $4  }
0x1e3: {  	v11, _, _ =	vpop (xrf0)  }
0x1e4: {  	v12, _, _ =	vpop (xrf0)  }
0x1e5: {  	v10, _, _ =	vpop (xrf0)  }
0x1e6: {  	v13, _, _ =	vpop (xrf0)  }
.LBB2_7:
0x1e7: {  	v8 =	vmov s18;
	v9 =	vadd.s32 $0x1, v7  }
0x1e8: {  	v10 =	vadd.s32 $0x11, v7;
	s5 =	sadd.s32 s10, s11;
	v12 =	vmov s19;
	v53 =	vmov s1  }
0x1e9: {  	v54 =	vmov s0;
	v56 =	vmov s2;
	v58 =	vmov s20;
	s6 =	sadd.s32 $0x17F, s5  }
0x1ea: {  	v60 =	vmov s3;
	vm0 =	vlt.s32 v8, v9;
	vm1 =	vlt.s32 v8, v10;
	s7 =	smulhi.u32 $0x2AAAAAAB, s6;
	s9 =	sshra.s32 s6, $0x1F  }
0x1eb: {  	vm10 =	vlt.s32 v12, v9;
	vm11 =	vlt.s32 v12, v10;
	vm12 =	vlt.s32 v53, v9;
	s26 =	smul.u32 $0x2AAAAAAB, s9  }
0x1ec: {  	vm13 =	vlt.s32 v53, v10;
	vm14 =	vlt.s32 v54, v9;
	vm15 =	vlt.s32 v54, v10  }
0x1ed: {  	vm9 =	vlt.s32 v56, v9;
	v8 =	vsel vm0, $0x1, v6;
	v11 =	vsel vm1, $0x1, v6;
	s28 =	sadd.s32 s26, s7  }
0x1ee: {  	v13 =	vsel vm10, $0x1, v6;
	v14 =	vsel vm11, $0x1, v6;
	v15 =	vsel vm12, $0x1, v6;
	s1 =	sshrl.u32 s28, $0x1F;
	s0 =	sshra.s32 s28, $0x6  }
0x1ef: {  	v55 =	vsel vm13, $0x1, v6;
	v16 =	vsel vm14, $0x1, v6;
	v57 =	vsel vm15, $0x1, v6;
	s0 =	sadd.s32 s1, s0  }
0x1f0: {  	v17 =	vsel vm9, $0x1, v6;
	vm10 =	vlt.s32 v56, v10;
	vm11 =	vlt.s32 v58, v9;
	s1 =	smul.u32 $0xFFFFFE80, s0  }
0x1f1: {  	s29 =	ssub.s32 $0xFFFFFE81, s5;
	vm12 =	vlt.s32 v58, v10;
	vm13 =	vlt.s32 v60, v9;
	vm14 =	vlt.s32 v60, v10  }
0x1f2: {  	p1 =	slt.s32 s6, $0x1;
	v8 =	vadd.s32 v8, v13;
	v11 =	vadd.s32 v11, v14;
	v59 =	vsel vm10, $0x1, v6;
	p2 =	sne.s32 s1, s29  }
0x1f3: {  	v18 =	vsel vm11, $0x1, v6;
	v8 =	vadd.s32 v15, v8;
	v11 =	vadd.s32 v55, v11;
	p1 =	por !p1, !p2  }
0x1f4: {  	v61 =	vsel vm12, $0x1, v6;
	v8 =	vadd.s32 v16, v8;
	v62 =	vadd.s32 v57, v11;
	s1 =	simm.s32 $0x1;
	p1 =	por !p1, !p1  }
0x1f5: {  	v63 =	vsel vm13, $0x1, v6;
	v8 =	vadd.s32 v17, v8;
	v9 =	vadd.s32 v59, v62;
	s1 =	simm.s32 @!p1 $0x0  }
0x1f6: {  	v10 =	vsel vm14, $0x1, v6;
	v8 =	vadd.s32 v18, v8;
	v9 =	vadd.s32 v61, v9;
	s0 =	ssub.s32 s0, s1  }
0x1f7: {  	vm15 =	veq.s32 v7, $0x8;
	v8 =	vadd.s32 v63, v8;
	v9 =	vadd.s32 v10, v9;
	s0 =	sadd.s32 s3, s0  }
0x1f8: {  	[tilespmem:$0x4800] =	vst v8;
	v9 =	vsel vm15, s0, v9  }
.Ltmp7:
0x1f9: {  	s30 =	rddreg [dreg:$0x3];
	s31 =	simm.s32 $0x4800;
	[tilespmem:$0x4810] =	vst v9;
	(pc) =	sbr.rel .LBB2_8-.Ltmp7, $4  }
0x1fa: {  	[hbm4b:s30+s4] =	stream.linear.scatter [tilespmem:s31], [sflag:$0x4], $0x80, $0x38;
	[tilespmem:$0x14880] =	vst v63  }
0x1fb: {  	_ =	swait.ge [sflag:s12], $0x80  }
0x1fc: {  	[sflag:s12] =	ssyncset.done $0x0  }
0x1fd: {  	[sflag:s12] =	ssyncadd.s32 $0xFFFFFF80  }
.LBB2_9:
0x1fe: {  	_ =	sfence.sel $0x180000  }
0x1ff: {  	[bflag:$0x0] =	sbarrier.arrive $0xFFFF  }
0x200: {  	_ =	strace $0x90000047  }
0x201: {  	s0 =	stileid.u32;
	[bflag:$0x2] =	sbarrier.arrive $0xFFFF  }
0x202: {  	p0 =	sne.s32 s0, $0x0;
	s0 =	rddreg [dreg:$0x4]  }
0x203: {  	s0 =	sadd.s32 @!p0 $0x100000, s0  }
0x204: {  	[sflag:s0] =	ssyncadd.tile.s32 @!p0 $0x1;
	_ =	shalt  }
.Lfunc_end2:
_tile_overlayer_lowered:
.L_overlay_start_2:
0x205: {  	(tag) =	ssettag $0x2  }
0x206: {  	s0 =	rddreg [dreg:$0x0];
	s2 =	stileid.u32  }
0x207: {  	s1 =	rddreg [dreg:$0x1];
	p0 =	sne.s32 s2, $0x0  }
0x208: {  	s3 =	rddreg [dreg:$0x2];
	[bflag:$0x3] =	sbarrier.arrive $0xFFFF;
	s2 =	simm.s32 @!p0 $0x1C04  }
0x209: {  	[timem:s3], [sflag:s2] =	dma.local @!p0 [hbm:s0], s1  }
0x20a: {  	s0 =	simm.s32 @!p0 $0x4  }
0x20b: {  	_ =	swait.ge @!p0 [sflag:s0], s1  }
0x20c: {  	s1 =	ssub.s32 @!p0 $0x0, s1;
	[sflag:s0] =	ssyncset.done @!p0 $0x0  }
0x20d: {  	[sflag:s0] =	ssyncadd.s32 @!p0 s1  }
0x20e: {  	[bflag:$0x3] =	sbarrier.arrive $0xFFFF  }
0x20f: {  	_ =	shalt  }

// kernel: kernel.8.cloned.1.call-start
scs
__scs_entry_jumppad:
0x0: {  	(pc) =	sbr.rel $0x88, $3  }
0x1: {  	(tag) =	ssettag $0x0;
	lr =	simm.s32 $0x1  }
0x2: {  	[smem:$0x3F9D] =	sst lr;
	_ =	strace $0xD0000000  }
0x3: {  	_ = 	snop  }
0x4: {  	_ = 	snop  }
0x5: {  	_ = 	snop  }
0x6: {  	_ = 	snop  }
0x7: {  	_ = 	snop  }
__scs_overlays_trampoline_lowered:
0x8: {  	[smem:$0x3FAC] =	sst s0  }
0x9: {  	[smem:$0x3FAD] =	sst s1  }
0xa: {  	[smem:$0x3FAE] =	sst s2  }
0xb: {  	[smem:$0x3FAF] =	sst s3  }
0xc: {  	[smem:$0x3FB0] =	sst s4  }
0xd: {  	[smem:$0x3FB1] =	sst s5  }
0xe: {  	[smem:$0x3FB2] =	sst s6  }
0xf: {  	[smem:$0x3FB3] =	sst s7  }
0x10: {  	[smem:$0x3FB4] =	sst s8  }
0x11: {  	[smem:$0x3FB5] =	sst s9;
	s0 =	simm.s32 @!p0 $0x0  }
0x12: {  	s1 =	sld [smem:$0x3F9B];
	s0 =	simm.s32 @p0 $0x1  }
0x13: {  	[smem:$0x3FB6] =	sst s0;
	s0 =	simm.s32 @!p1 $0x0  }
0x14: {  	s2 =	sld [smem:$0x3F9A];
	s0 =	simm.s32 @p1 $0x1  }
0x15: {  	[smem:$0x3FB7] =	sst s0;
	s0 =	simm.s32 @!p2 $0x0  }
0x16: {  	s3 =	sld [smem:$0x3FDB];
	s0 =	simm.s32 @p2 $0x1  }
0x17: {  	s4 =	simm.s32 $0x1BF5;
	[smem:$0x3FB9] =	sst s0  }
0x18: {  	s0 =	sld [smem:$0x3F9C];
	_ =	swait.ge [sflag:s4], $0x0  }
0x19: {  	s7 =	sld [smem:$0x3F9D]  }
0x1a: {  	s8 =	sadd.s32 $0xFFFFE003, lr  }
0x1b: {  	s9 =	sadd.s32 $0xFFFFFEF7, lr;
	s5 =	simm.s32 $0xFFFFFFFF;
	p2 =	slt.u32 s8, $0xFFFFF086  }
0x1c: {  	p1 =	slt.u32 s9, $0xF7A;
	s5 =	simm.s32 @!p2 $0x0  }
0x1d: {  	s5 =	simm.s32 @p1 $0x1;
	p0 =	seq.s32 s7, s2  }
0x1e: {  	s7 =	smul.u32 @!p0 $0xF7A, s2;
	p2 =	seq.s32 @!p0 s5, $0x0  }
0x1f: {  	s9 =	smul.u32 $0xF7A, s1;
	s8 =	simm.s32 @!p0 $0x1BF5;
	p2 =	por !p2, p0  }
0x20: {  	[sflag:s8] =	ssyncset.s32 @!p0 $0xFFFFF086;
	s6 =	sadd.s32 @!p0 s3, s7;
	s7 =	simm.s32 @!p0 $0x108  }
0x21: {  	s3 =	sadd.s32 s3, s9;
	s6 =	sadd.s32 @!p0 $0x88, s6;
	s7 =	simm.s32 @p2 $0x1082  }
0x22: {  	[simem:s7], [sflag:s8] =	dma.local @!p0 [hbm:s6], $0xF7A  }
0x23: {  	s9 =	sor.u32 $0xD0000000, s2;
	s6 =	simm.s32 $0x108;
	_ =	swait.ge @!p0 [sflag:s8], $0x0  }
0x24: {  	s3 =	sadd.s32 $0x88, s3;
	s6 =	simm.s32 @!p1 $0x1082;
	[sflag:s4] =	ssyncset.s32 $0xFFFFF086  }
0x25: {  	[simem:s6], [sflag:s4] =	dma.local [hbm:s3], $0xF7A  }
0x26: {  	[smem:$0x3F9D] =	sst s1;
	(tag) =	ssettag s2;
	_ =	strace s9  }
0x27: {  	s1 =	sld [smem:$0x3FAD]  }
0x28: {  	s2 =	sld [smem:$0x3FAE]  }
0x29: {  	s4 =	sld [smem:$0x3FB0]  }
0x2a: {  	p0 =	seq.s32 s5, $0x0;
	s5 =	sld [smem:$0x3FB1]  }
0x2b: {  	s6 =	sld [smem:$0x3FB2]  }
0x2c: {  	s7 =	sld [smem:$0x3FB3]  }
0x2d: {  	s3 =	simm.s32 $0x108;
	s8 =	sld [smem:$0x3FB4]  }
0x2e: {  	s3 =	simm.s32 @!p0 $0x1082;
	s9 =	sld [smem:$0x3FB5]  }
0x2f: {  	lr =	sadd.s32 s0, s3;
	s0 =	sld [smem:$0x3FAC]  }
0x30: {  	s3 =	sld [smem:$0x3FAF]  }
0x31: {  	[smem:$0x3FB8] =	sst s10  }
0x32: {  	s10 =	sld [smem:$0x3FB6];
	_ =	sdelay $0x3  }
0x33: {  	p0 =	seq.s32 s10, $0x1;
	s10 =	sld [smem:$0x3FB8];
	_ =	sdelay $0x3  }
0x34: {  	[smem:$0x3FB8] =	sst s10  }
0x35: {  	s10 =	sld [smem:$0x3FB7];
	_ =	sdelay $0x3  }
0x36: {  	p1 =	seq.s32 s10, $0x1;
	s10 =	sld [smem:$0x3FB8];
	_ =	sdelay $0x3  }
0x37: {  	[smem:$0x3FB8] =	sst s10  }
0x38: {  	s10 =	sld [smem:$0x3FB9]  }
0x39: {  	_ = 	snop;
	(pc) =	sbr.ind lr, $3  }
0x3a: {  	_ = 	snop  }
0x3b: {  	_ = 	snop  }
0x3c: {  	p2 =	seq.s32 s10, $0x1;
	s10 =	sld [smem:$0x3FB8]  }
0x3d: {  	_ =	shalt  }
0x3e: {  	_ =	shalt  }
0x3f: {  	_ =	shalt  }
0x40: {  	_ =	shalt  }
0x41: {  	_ =	shalt  }
0x42: {  	_ =	shalt  }
0x43: {  	_ =	shalt  }
0x44: {  	_ =	shalt  }
0x45: {  	_ =	shalt  }
0x46: {  	_ =	shalt  }
0x47: {  	_ =	shalt  }
0x48: {  	_ =	shalt  }
0x49: {  	_ =	shalt  }
0x4a: {  	_ =	shalt  }
0x4b: {  	_ =	shalt  }
0x4c: {  	_ =	shalt  }
0x4d: {  	_ =	shalt  }
0x4e: {  	_ =	shalt  }
0x4f: {  	_ =	shalt  }
0x50: {  	_ =	shalt  }
0x51: {  	_ =	shalt  }
0x52: {  	_ =	shalt  }
0x53: {  	_ =	shalt  }
0x54: {  	_ =	shalt  }
0x55: {  	_ =	shalt  }
0x56: {  	_ =	shalt  }
0x57: {  	_ =	shalt  }
0x58: {  	_ =	shalt  }
0x59: {  	_ =	shalt  }
0x5a: {  	_ =	shalt  }
0x5b: {  	_ =	shalt  }
0x5c: {  	_ =	shalt  }
0x5d: {  	_ =	shalt  }
0x5e: {  	_ =	shalt  }
0x5f: {  	_ =	shalt  }
0x60: {  	_ =	shalt  }
0x61: {  	_ =	shalt  }
0x62: {  	_ =	shalt  }
0x63: {  	_ =	shalt  }
0x64: {  	_ =	shalt  }
0x65: {  	_ =	shalt  }
0x66: {  	_ =	shalt  }
0x67: {  	_ =	shalt  }
0x68: {  	_ =	shalt  }
0x69: {  	_ =	shalt  }
0x6a: {  	_ =	shalt  }
0x6b: {  	_ =	shalt  }
0x6c: {  	_ =	shalt  }
0x6d: {  	_ =	shalt  }
0x6e: {  	_ =	shalt  }
0x6f: {  	_ =	shalt  }
0x70: {  	_ =	shalt  }
0x71: {  	_ =	shalt  }
0x72: {  	_ =	shalt  }
0x73: {  	_ =	shalt  }
0x74: {  	_ =	shalt  }
0x75: {  	_ =	shalt  }
0x76: {  	_ =	shalt  }
0x77: {  	_ =	shalt  }
0x78: {  	_ =	shalt  }
0x79: {  	_ =	shalt  }
0x7a: {  	_ =	shalt  }
0x7b: {  	_ =	shalt  }
0x7c: {  	_ =	shalt  }
0x7d: {  	_ =	shalt  }
0x7e: {  	_ =	shalt  }
0x7f: {  	_ =	shalt  }
0x80: {  	_ =	shalt  }
0x81: {  	_ =	shalt  }
0x82: {  	_ =	shalt  }
0x83: {  	_ =	shalt  }
0x84: {  	_ =	shalt  }
0x85: {  	_ =	shalt  }
0x86: {  	_ =	shalt  }
0x87: {  	_ =	shalt  }
.Lfunc_end0:
.L_simem_size_0:
called_computation.1_lowered:
.L_overlay_start_0:
0x88: {  	s2 =	sld [smem:$0x3FD9]  }
0x89: {  	s3 =	sld [smem:$0x3FFE];
	_ =	sdelay $0x1  }
0x8a: {  	s1 =	srdreg.scid  }
0x8b: {  	s0 =	sand.u32 $0x1, s1  }
0x8c: {  	s17 =	sshll.u32 s0, $0xA;
	s2 =	sadd.s32 s3, s2  }
0x8d: {  	s2 =	sadd.s32 s2, s17  }
0x8e: {  	[smem:$0x3FC4] =	sst s2  }
0x8f: {  	_ = 	snop  }
0x90: {  	s2 =	sld [smem:$0x3FD0];
	(tm) =	ssettm $0x1  }
0x91: {  	s18 =	sld [smem:$0x3FFB];
	_ =	sdelay $0x3  }
0x92: {  	_ =	strace s18  }
0x93: {  	s3 =	sld [smem:$0x3FFC];
	_ =	sdelay $0x3  }
0x94: {  	_ =	strace s3  }
0x95: {  	s3 =	sld [smem:$0x3FFD];
	_ =	sdelay $0x3  }
0x96: {  	_ =	strace s3  }
0x97: {  	_ =	strace $0x8FFFFFFF  }
0x98: {  	s19 =	sld [smem:$0x3FDB];
	_ =	sdelay $0x1  }
0x99: {  	s4 =	simm.s32 $_scs_section_size  }
0x9a: {  	s5 =	simm.s32 $_size__tile_overlayer_lowered;
	s6 =	simm.s32 $_tile_overlayer_lowered  }
0x9b: {  	s22 =	simm.s32 $0x1BFF;
	s21 =	sshll.u32 s6, $0x1;
	s3 =	sadd.s32 s4, s19  }
0x9c: {  	s7 =	simm.s32 $0x0;
	s20 =	sshll.u32 s5, $0x1;
	s5 =	sadd.s32 s21, s3  }
0x9d: {  	[timem:s7], [sflag:s22] =	dma.local [hbm:s5], s20  }
0x9e: {  	_ =	swait.ge [sflag:s22], s20  }
0x9f: {  	s4 =	ssub.s32 $0x0, s20;
	[sflag:s22] =	ssyncset.done $0x0  }
0xa0: {  	[sflag:s22] =	ssyncadd.s32 s4;
	_ =	sdelay $0x1  }
0xa1: {  	s23 =	simm.s32 $0x1B8B  }
0xa2: {  	_ =	swait.ge [sflag:s23], $0x1  }
0xa3: {  	[sflag:s23] =	ssyncset.done $0x0  }
0xa4: {  	s25 =	simm.s32 $0x1B8E;
	s24 =	sld [smem:$0x3FFE];
	[sflag:s23] =	ssyncadd.s32 $0xFFFFFFFF  }
0xa5: {  	s26 =	simm.s32 $execute0_lowered;
	[smem:$0x3FD2] =	sst s25  }
0xa6: {  	s5 =	sshll.u32 s26, $0x1;
	_ =	strace $0x80000049;
	[dreg:$0x1] =	wrdreg $0xFFFFFFFF  }
0xa7: {  	s28 =	simm.s32 $_size_execute0_lowered;
	s3 =	sadd.s32 s3, s5;
	[dreg:$0x0] =	wrdreg $0x0  }
0xa8: {  	s5 =	sshll.u32 s28, $0x1;
	[dreg:$0x2] =	wrdreg s3  }
0xa9: {  	[dreg:$0x3] =	wrdreg s5  }
0xaa: {  	[dreg:$0x4] =	wrdreg $0xC0  }
0xab: {  	_ =	task [dreg:s7], $0x5FFFF  }
0xac: {  	[dreg:$0x1] =	wrdreg $0xFFFFFFFF  }
0xad: {  	[dreg:$0x0] =	wrdreg $0x60  }
0xae: {  	[dreg:$0x2] =	wrdreg s24  }
0xaf: {  	[dreg:$0x3] =	wrdreg s2  }
0xb0: {  	[dreg:$0x4] =	wrdreg $0x9  }
0xb1: {  	_ =	task.clear_ibuf [dreg:s7], $0x5FFFF;
	_ =	strace $0x90000049  }
0xb2: {  	s29 =	simm.s32 $0x9;
	_ =	strace $0x8000004B  }
0xb3: {  	_ =	swait.ge [sflag:s29], $0x1  }
0xb4: {  	[sflag:s29] =	ssyncadd.s32 $0xFFFFFFFF  }
0xb5: {  	_ =	strace $0x9000004B  }
0xb6: {  	_ =	sfence  }
0xb7: {  	s30 =	sld [smem:$0x0];
	_ =	sdelay $0x2  }
0xb8: {  	s31 =	sshll.u32 s1, $0xD;
	s1 =	sshrl.u32 s1, $0x2  }
0xb9: {  	s3 =	sand.u32 $0x4000, s31;
	s1 =	sadd.s32 s1, s30  }
0xba: {  	s0 =	sor.u32 s3, s0;
	s1 =	sshll.u32 s1, $0x11  }
0xbb: {  	s0 =	sor.u32 s1, s0  }
0xbc: {  	s0 =	sadd.s32 $0x8F2B, s0  }
0xbd: {  	[sflag:s0] =	ssyncadd.remote.s32 $0x1  }
0xbe: {  	_ =	sfence.sel $0xFFFF  }
0xbf: {  	[dreg:$0x0] =	wrdreg $0xFFFFFFFF;
	(pc) =	sbr.abs _section_cstart, $3  }
0xc0: {  	[dreg:$0x1] =	wrdreg $0xFFFFFFFF  }
0xc1: {  	_ =	task.clear_ibuf [dreg:s7], $0x2FFFF;
	_ =	strace $0x9FFFFFFF  }
0xc2: {  	(tm) =	ssettm $0x7FFFFFFF  }
0xc3: {  	_ =	shalt  }
tec
execute0_lowered:
.L_overlay_start_1:
0x0: {  	(tag) =	ssettag $0x1  }
0x1: {  	s0 =	rddreg [dreg:$0x0]  }
0x2: {  	s1 =	rddreg [dreg:$0x1]  }
0x3: {  	s2 =	simm.s32 $0x0;
	s3 =	srdreg.scid;
	s5 =	stileid.u32  }
0x4: {  	s16 =	simm.s32 $0x5;
	s18 =	simm.s32 $0x400;
	s19 =	simm.s32 $0x480  }
0x5: {  	s15 =	simm.s32 $0x500;
	s28 =	simm.s32 $0xED00;
	s29 =	simm.s32 $0xF500  }
0x6: {  	s30 =	simm.s32 $0xFD00;
	s31 =	simm.s32 $0x1;
	s17 =	simm.s32 $0x14500  }
0x7: {  	[smem:$0x7FF] =	sst s2;
	s4 =	sand.u32 $0x1, s3;
	s5 =	sshll.u32 s5, $0x1  }
0x8: {  	s3 =	sadd.s32 $0xDA000, s0;
	s9 =	sadd.s32 $0xDA200, s0;
	s5 =	sor.u32 s4, s5  }
0x9: {  	s11 =	sadd.s32 $0xDA300, s0;
	_ =	strace $0x8000004A;
	s6 =	sshll.u32 s5, $0x6  }
0xa: {  	s4 =	ssub.s32 $0x2, s4;
	s7 =	sshll.u32 s5, $0x4;
	s6 =	sadd.s32 s6, s0  }
0xb: {  	s8 =	sshrl.u32 s4, $0x1;
	s5 =	sshll.u32 s5, $0xD;
	s20 =	sadd.s32 $0xD8C00, s6  }
0xc: {  	s7 =	sadd.s32 s7, s0;
	s6 =	sadd.s32 $0xD9400, s6;
	[dreg:$0x3] =	wrdreg s20  }
0xd: {  	s4 =	ssub.s32 s4, s8;
	s21 =	sadd.s32 $0xD9C00, s7;
	[dreg:$0x4] =	wrdreg s6  }
0xe: {  	s10 =	sadd.s32 s1, s5;
	s22 =	sadd.s32 $0xD9E00, s7;
	[dreg:$0x5] =	wrdreg s21  }
0xf: {  	s8 =	sadd.s32 $0xDA100, s0;
	s23 =	sadd.s32 $0x800, s10;
	[dreg:$0x6] =	wrdreg s22  }
0x10: {  	s0 =	simm.s32 $0x10500;
	s24 =	sadd.s32 $0x1000, s10;
	[dreg:$0x7] =	wrdreg s23  }
0x11: {  	s1 =	simm.s32 $0x2;
	s25 =	sadd.s32 $0x1800, s10;
	[dreg:$0x8] =	wrdreg s24  }
0x12: {  	v2 =	vlaneseq.u32;
	s5 =	simm.s32 $0x4;
	s26 =	smax.u32 s4, $0x1;
	[dreg:$0x9] =	wrdreg s25  }
0x13: {  	vm0 =	vmmov $0xffff;
	v1 =	vshrl.u32 v2, $0x3;
	s4 =	simm.s32 $0x3;
	[dreg:$0xa] =	wrdreg s26;
	s24 =	simm.s32 $0xD500  }
0x14: {  	v0 =	vand.u32 $0x7, v2;
	v2 =	vor.u32 $0x8, v2;
	v1 =	vmul.u32 $0x8, v1;
	s25 =	simm.s32 $0xDD00;
	s26 =	simm.s32 $0xE500;
	s6 =	simm.s32 $0x0  }
.LBB2_1:
0x15: {  	s7 =	rddreg [dreg:$0x3]  }
0x16: {  	[tilespmem:s2], [sflag:$0x5] =	stream.linear.gather [hbm4b:s7+s2], $0x200, $0x38;
	[tilespmem:$0x18500] =	vst v63  }
0x17: {  	_ =	swait.ge [sflag:s16], $0x200  }
0x18: {  	[sflag:s16] =	ssyncset.done $0x0  }
0x19: {  	s12 =	simm.s32 $0x200;
	s23 =	rddreg [dreg:$0x4];
	[sflag:s16] =	ssyncadd.s32 $0xFFFFFE00  }
0x1a: {  	[tilespmem:s12], [sflag:$0x5] =	stream.linear.gather [hbm4b:s23+s2], $0x200, $0x38;
	[tilespmem:$0x18500] =	vst v63  }
0x1b: {  	_ =	swait.ge [sflag:s16], $0x200  }
0x1c: {  	[sflag:s16] =	ssyncset.done $0x0  }
0x1d: {  	s13 =	rddreg [dreg:$0x5];
	[sflag:s16] =	ssyncadd.s32 $0xFFFFFE00  }
0x1e: {  	[tilespmem:s18], [sflag:$0x5] =	stream.linear.gather [hbm4b:s13+s2], $0x80, $0x38;
	[tilespmem:$0x18500] =	vst v63  }
0x1f: {  	_ =	swait.ge [sflag:s16], $0x80  }
0x20: {  	[sflag:s16] =	ssyncset.done $0x0  }
0x21: {  	s14 =	rddreg [dreg:$0x6];
	[sflag:s16] =	ssyncadd.s32 $0xFFFFFF80  }
0x22: {  	[tilespmem:s19], [sflag:$0x5] =	stream.linear.gather [hbm4b:s14+s2], $0x80, $0x38;
	[tilespmem:$0x18500] =	vst v63  }
0x23: {  	_ =	swait.ge [sflag:s16], $0x80  }
0x24: {  	[sflag:s16] =	ssyncset.done $0x0  }
0x25: {  	[sflag:s16] =	ssyncadd.s32 $0xFFFFFF80  }
0x26: {  	v3 =	vld [tilespmem:$0x0];
	_ =	sdelay $0x4  }
0x27: {  	v4 =	vshll.u32 v3, $0x3  }
0x28: {  	v3 =	vand.u32 $0x7, v3;
	v4 =	vand.u32 $0xFFFFFFC0, v4  }
0x29: {  	v3 =	vor.u32 v3, v4  }
0x2a: {  	v4 =	vperm.xlane v3, v0;
	_ =	sdelay $0x1  }
0x2b: {  	v4 =	vadd.s32 v1, v4;
	_ =	sdelay $0x4  }
0x2c: {  	[tilespmem:s15], [sflag:$0x1] =	stream.indirect_vreg.gather [hbm4b:s3+s2], $0x80, v4, vm0, $0xb8;
	[tilespmem:$0x18500] =	vst v63  }
0x2d: {  	s20 =	simm.s32 $0xD00;
	v3 =	vperm.xlane v3, v2  }
0x2e: {  	[tilespmem:s20], [sflag:$0x1] =	stream.indirect_vreg.gather [hbm4b:s8+s2], $0x80, v4, vm0, $0xb8;
	[tilespmem:$0x18500] =	vst v63  }
0x2f: {  	s21 =	simm.s32 $0x1500;
	v3 =	vadd.s32 v1, v3  }
0x30: {  	[tilespmem:s21], [sflag:$0x1] =	stream.indirect_vreg.gather [hbm4b:s9+s2], $0x80, v4, vm0, $0xb8;
	[tilespmem:$0x18500] =	vst v63  }
0x31: {  	s22 =	simm.s32 $0x1D00  }
0x32: {  	[tilespmem:s22], [sflag:$0x1] =	stream.indirect_vreg.gather [hbm4b:s11+s2], $0x80, v4, vm0, $0xb8;
	[tilespmem:$0x18500] =	vst v63  }
0x33: {  	s23 =	simm.s32 $0x2500  }
0x34: {  	[tilespmem:s23], [sflag:$0x1] =	stream.indirect_vreg.gather [hbm4b:s3+s2], $0x80, v3, vm0, $0xb8;
	[tilespmem:$0x18500] =	vst v63  }
0x35: {  	s12 =	simm.s32 $0x2D00  }
0x36: {  	[tilespmem:s12], [sflag:$0x1] =	stream.indirect_vreg.gather [hbm4b:s8+s2], $0x80, v3, vm0, $0xb8;
	[tilespmem:$0x18500] =	vst v63  }
0x37: {  	s13 =	simm.s32 $0x3500  }
0x38: {  	[tilespmem:s13], [sflag:$0x1] =	stream.indirect_vreg.gather [hbm4b:s9+s2], $0x80, v3, vm0, $0xb8;
	[tilespmem:$0x18500] =	vst v63  }
0x39: {  	s14 =	simm.s32 $0x3D00  }
0x3a: {  	[tilespmem:s14], [sflag:$0x1] =	stream.indirect_vreg.gather [hbm4b:s11+s2], $0x80, v3, vm0, $0xb8;
	[tilespmem:$0x18500] =	vst v63  }
0x3b: {  	v3 =	vld [tilespmem:$0x200];
	_ =	sdelay $0x4  }
0x3c: {  	v61 =	vshll.u32 v3, $0x3  }
0x3d: {  	v3 =	vand.u32 $0x7, v3;
	v4 =	vand.u32 $0xFFFFFFC0, v61  }
0x3e: {  	v3 =	vor.u32 v3, v4  }
0x3f: {  	v4 =	vperm.xlane v3, v0;
	_ =	sdelay $0x1  }
0x40: {  	v4 =	vadd.s32 v1, v4;
	_ =	sdelay $0x3  }
0x41: {  	s20 =	simm.s32 $0x4500  }
0x42: {  	[tilespmem:s20], [sflag:$0x1] =	stream.indirect_vreg.gather [hbm4b:s3+s2], $0x80, v4, vm0, $0xb8;
	[tilespmem:$0x18500] =	vst v63  }
0x43: {  	s21 =	simm.s32 $0x4D00;
	v3 =	vperm.xlane v3, v2  }
0x44: {  	[tilespmem:s21], [sflag:$0x1] =	stream.indirect_vreg.gather [hbm4b:s8+s2], $0x80, v4, vm0, $0xb8;
	[tilespmem:$0x18500] =	vst v63  }
0x45: {  	s22 =	simm.s32 $0x5500;
	v3 =	vadd.s32 v1, v3  }
0x46: {  	[tilespmem:s22], [sflag:$0x1] =	stream.indirect_vreg.gather [hbm4b:s9+s2], $0x80, v4, vm0, $0xb8;
	[tilespmem:$0x18500] =	vst v63  }
0x47: {  	s23 =	simm.s32 $0x5D00  }
0x48: {  	[tilespmem:s23], [sflag:$0x1] =	stream.indirect_vreg.gather [hbm4b:s11+s2], $0x80, v4, vm0, $0xb8;
	[tilespmem:$0x18500] =	vst v63  }
0x49: {  	s12 =	simm.s32 $0x6500  }
0x4a: {  	[tilespmem:s12], [sflag:$0x1] =	stream.indirect_vreg.gather [hbm4b:s3+s2], $0x80, v3, vm0, $0xb8;
	[tilespmem:$0x18500] =	vst v63  }
0x4b: {  	s13 =	simm.s32 $0x6D00  }
0x4c: {  	[tilespmem:s13], [sflag:$0x1] =	stream.indirect_vreg.gather [hbm4b:s8+s2], $0x80, v3, vm0, $0xb8;
	[tilespmem:$0x18500] =	vst v63  }
0x4d: {  	s14 =	simm.s32 $0x7500  }
0x4e: {  	[tilespmem:s14], [sflag:$0x1] =	stream.indirect_vreg.gather [hbm4b:s9+s2], $0x80, v3, vm0, $0xb8;
	[tilespmem:$0x18500] =	vst v63  }
0x4f: {  	s20 =	simm.s32 $0x7D00  }
0x50: {  	[tilespmem:s20], [sflag:$0x1] =	stream.indirect_vreg.gather [hbm4b:s11+s2], $0x80, v3, vm0, $0xb8;
	[tilespmem:$0x18500] =	vst v63  }
0x51: {  	v3 =	vld [tilespmem:$0x80];
	_ =	sdelay $0x4  }
0x52: {  	v62 =	vshll.u32 v3, $0x3  }
0x53: {  	v3 =	vand.u32 $0x7, v3;
	v4 =	vand.u32 $0xFFFFFFC0, v62  }
0x54: {  	v3 =	vor.u32 v3, v4  }
0x55: {  	v4 =	vperm.xlane v3, v0;
	_ =	sdelay $0x1  }
0x56: {  	v4 =	vadd.s32 v1, v4;
	_ =	sdelay $0x3  }
0x57: {  	s21 =	simm.s32 $0x8500  }
0x58: {  	[tilespmem:s21], [sflag:$0x2] =	stream.indirect_vreg.gather [hbm4b:s3+s2], $0x80, v4, vm0, $0xb8;
	[tilespmem:$0x18500] =	vst v63  }
0x59: {  	s22 =	simm.s32 $0x8D00;
	v3 =	vperm.xlane v3, v2  }
0x5a: {  	[tilespmem:s22], [sflag:$0x2] =	stream.indirect_vreg.gather [hbm4b:s8+s2], $0x80, v4, vm0, $0xb8;
	[tilespmem:$0x18500] =	vst v63  }
0x5b: {  	s23 =	simm.s32 $0x9500;
	v3 =	vadd.s32 v1, v3  }
0x5c: {  	[tilespmem:s23], [sflag:$0x2] =	stream.indirect_vreg.gather [hbm4b:s9+s2], $0x80, v4, vm0, $0xb8;
	[tilespmem:$0x18500] =	vst v63  }
0x5d: {  	s12 =	simm.s32 $0x9D00  }
0x5e: {  	[tilespmem:s12], [sflag:$0x2] =	stream.indirect_vreg.gather [hbm4b:s11+s2], $0x80, v4, vm0, $0xb8;
	[tilespmem:$0x18500] =	vst v63  }
0x5f: {  	s13 =	simm.s32 $0xA500  }
0x60: {  	[tilespmem:s13], [sflag:$0x2] =	stream.indirect_vreg.gather [hbm4b:s3+s2], $0x80, v3, vm0, $0xb8;
	[tilespmem:$0x18500] =	vst v63  }
0x61: {  	s14 =	simm.s32 $0xAD00  }
0x62: {  	[tilespmem:s14], [sflag:$0x2] =	stream.indirect_vreg.gather [hbm4b:s8+s2], $0x80, v3, vm0, $0xb8;
	[tilespmem:$0x18500] =	vst v63  }
0x63: {  	s20 =	simm.s32 $0xB500  }
0x64: {  	[tilespmem:s20], [sflag:$0x2] =	stream.indirect_vreg.gather [hbm4b:s9+s2], $0x80, v3, vm0, $0xb8;
	[tilespmem:$0x18500] =	vst v63  }
0x65: {  	s21 =	simm.s32 $0xBD00  }
0x66: {  	[tilespmem:s21], [sflag:$0x2] =	stream.indirect_vreg.gather [hbm4b:s11+s2], $0x80, v3, vm0, $0xb8;
	[tilespmem:$0x18500] =	vst v63  }
0x67: {  	v3 =	vld [tilespmem:$0x280];
	_ =	sdelay $0x4  }
0x68: {  	v63 =	vshll.u32 v3, $0x3  }
0x69: {  	v3 =	vand.u32 $0x7, v3;
	v4 =	vand.u32 $0xFFFFFFC0, v63  }
0x6a: {  	v3 =	vor.u32 v3, v4  }
0x6b: {  	v4 =	vperm.xlane v3, v0;
	_ =	sdelay $0x1  }
0x6c: {  	v4 =	vadd.s32 v1, v4;
	_ =	sdelay $0x3  }
0x6d: {  	s22 =	simm.s32 $0xC500  }
0x6e: {  	[tilespmem:s22], [sflag:$0x2] =	stream.indirect_vreg.gather [hbm4b:s3+s2], $0x80, v4, vm0, $0xb8;
	[tilespmem:$0x18500] =	vst v63  }
0x6f: {  	s23 =	simm.s32 $0xCD00;
	v3 =	vperm.xlane v3, v2  }
0x70: {  	[tilespmem:s23], [sflag:$0x2] =	stream.indirect_vreg.gather [hbm4b:s8+s2], $0x80, v4, vm0, $0xb8;
	[tilespmem:$0x18500] =	vst v63  }
0x71: {  	v3 =	vadd.s32 v1, v3  }
0x72: {  	[tilespmem:s24], [sflag:$0x2] =	stream.indirect_vreg.gather [hbm4b:s9+s2], $0x80, v4, vm0, $0xb8;
	[tilespmem:$0x18500] =	vst v63  }
0x73: {  	_ = 	snop  }
0x74: {  	[tilespmem:s25], [sflag:$0x2] =	stream.indirect_vreg.gather [hbm4b:s11+s2], $0x80, v4, vm0, $0xb8;
	[tilespmem:$0x18500] =	vst v63  }
0x75: {  	_ = 	snop  }
0x76: {  	[tilespmem:s26], [sflag:$0x2] =	stream.indirect_vreg.gather [hbm4b:s3+s2], $0x80, v3, vm0, $0xb8;
	[tilespmem:$0x18500] =	vst v63  }
0x77: {  	_ = 	snop  }
0x78: {  	[tilespmem:s28], [sflag:$0x2] =	stream.indirect_vreg.gather [hbm4b:s8+s2], $0x80, v3, vm0, $0xb8;
	[tilespmem:$0x18500] =	vst v63  }
0x79: {  	_ = 	snop  }
0x7a: {  	[tilespmem:s29], [sflag:$0x2] =	stream.indirect_vreg.gather [hbm4b:s9+s2], $0x80, v3, vm0, $0xb8;
	[tilespmem:$0x18500] =	vst v63  }
0x7b: {  	_ = 	snop  }
0x7c: {  	[tilespmem:s30], [sflag:$0x2] =	stream.indirect_vreg.gather [hbm4b:s11+s2], $0x80, v3, vm0, $0xb8;
	[tilespmem:$0x18500] =	vst v63  }
0x7d: {  	_ =	swait.ge [sflag:s31], $0x4000  }
0x7e: {  	[sflag:s31] =	ssyncset.done $0x0  }
0x7f: {  	[sflag:s31] =	ssyncadd.s32 $0xFFFFC000  }
0x80: {  	_ =	swait.ge [sflag:s31], $0x4000  }
0x81: {  	[sflag:s31] =	ssyncset.done $0x0  }
0x82: {  	s7 =	simm.s32 $0x0;
	[sflag:s31] =	ssyncadd.s32 $0xFFFFC000  }
.LBB2_2:
0x83: {  	v4 =	vmov s7;
	_ =	sdelay $0x1  }
0x84: {  	s12 =	sshll.u32 s7, $0xA;
	s13 =	sshll.u32 s7, $0x7  }
0x85: {  	s14 =	simm.s32 $0x0;
	s12 =	sand.u32 $0x2000, s12;
	s13 =	sand.u32 $0x380, s13  }
0x86: {  	s20 =	sor.u32 s12, s13;
	s13 =	sand.u32 $0x1C00, s14  }
0x87: {  	s21 =	sand.u32 $0x70, s14;
	s12 =	sor.u32 s13, s20;
	v3 =	vld.idx.msk [tilespmem:v4+s18+$0x0], $0xffff  }
0x88: {  	s12 =	sor.u32 s21, s12;
	v4 =	vld.idx.msk [tilespmem:v4+s19+$0x0], $0xffff  }
0x89: {  	v5 =	vld [tilespmem:s12+$0x500]  }
0x8a: {  	v6 =	vld [tilespmem:s12+$0x4500]  }
0x8b: {  	s22 =	simm.s32 $0x80  }
0x8c: {  	s23 =	simm.s32 $0x10;
	s13 =	sand.u32 $0x1C00, s22  }
0x8d: {  	s14 =	sand.u32 $0x70, s23;
	s13 =	sor.u32 s13, s20  }
0x8e: {  	s21 =	sor.u32 s14, s13  }
0x8f: {  	v7 =	vmul.f32 v5, v3;
	v8 =	vmul.f32 v6, v4;
	v5 =	vld [tilespmem:s21+$0x500]  }
0x90: {  	v6 =	vld [tilespmem:s21+$0x4500]  }
0x91: {  	s22 =	simm.s32 $0x100;
	s13 =	simm.s32 $0x20;
	v7 =	vadd.f32 v8, v7  }
.LBB2_3:
0x92: {  	s14 =	sand.u32 $0x70, s13;
	s23 =	sand.u32 $0x1C00, s22;
	p0 =	sne.s32 s13, $0x3F0  }
.Ltmp0:
0x93: {  	s13 =	sadd.s32 $0x10, s13;
	s23 =	sor.u32 s23, s20;
	[tilespmem:s12+$0x10500] =	vst v7;
	(pc) =	sbr.rel @p0 .LBB2_3-.Ltmp0, $4  }
0x94: {  	s12 =	smov.u32 s21;
	s21 =	sor.u32 s14, s23  }
0x95: {  	v7 =	vmul.f32 v5, v3;
	v5 =	vld [tilespmem:s21+$0x500];
	v8 =	vmul.f32 v6, v4  }
0x96: {  	v6 =	vld [tilespmem:s21+$0x4500]  }
0x97: {  	s22 =	sadd.s32 $0x80, s22;
	v7 =	vadd.f32 v8, v7  }
0x98: {  	_ = 	snop  }
0x99: {  	s7 =	sadd.s32 $0x1, s7  }
0x9a: {  	p0 =	sne.s32 s7, $0x10  }
.Ltmp1:
0x9b: {  	v3 =	vmul.f32 v5, v3;
	v4 =	vmul.f32 v6, v4;
	(pc) =	sbr.rel @p0 .LBB2_2-.Ltmp1, $4  }
0x9c: {  	_ = 	snop  }
0x9d: {  	v3 =	vadd.f32 v4, v3  }
0x9e: {  	[tilespmem:s12+$0x10500] =	vst v7  }
0x9f: {  	[tilespmem:s21+$0x10500] =	vst v3  }
0xa0: {  	s7 =	simm.s32 $0x0  }
0xa1: {  	[hbm4b:s10+s7] =	stream.linear.scatter [tilespmem:s0], [sflag:$0x3], $0x4000, $0x38;
	[tilespmem:$0x18500] =	vst v63  }
0xa2: {  	v3 =	vld [tilespmem:$0x100];
	_ =	sdelay $0x4  }
0xa3: {  	v4 =	vshll.u32 v3, $0x3  }
0xa4: {  	v3 =	vand.u32 $0x7, v3;
	v4 =	vand.u32 $0xFFFFFFC0, v4  }
0xa5: {  	v3 =	vor.u32 v3, v4  }
0xa6: {  	v4 =	vperm.xlane v3, v0;
	_ =	sdelay $0x1  }
0xa7: {  	v4 =	vadd.s32 v1, v4;
	_ =	sdelay $0x4  }
0xa8: {  	[tilespmem:s15], [sflag:$0x1] =	stream.indirect_vreg.gather [hbm4b:s3+s7], $0x80, v4, vm0, $0xb8;
	[tilespmem:$0x18500] =	vst v63  }
0xa9: {  	s12 =	simm.s32 $0xD00;
	v3 =	vperm.xlane v3, v2  }
0xaa: {  	[tilespmem:s12], [sflag:$0x1] =	stream.indirect_vreg.gather [hbm4b:s8+s7], $0x80, v4, vm0, $0xb8;
	[tilespmem:$0x18500] =	vst v63  }
0xab: {  	s13 =	simm.s32 $0x1500;
	v3 =	vadd.s32 v1, v3  }
0xac: {  	[tilespmem:s13], [sflag:$0x1] =	stream.indirect_vreg.gather [hbm4b:s9+s7], $0x80, v4, vm0, $0xb8;
	[tilespmem:$0x18500] =	vst v63  }
0xad: {  	s14 =	simm.s32 $0x1D00  }
0xae: {  	[tilespmem:s14], [sflag:$0x1] =	stream.indirect_vreg.gather [hbm4b:s11+s7], $0x80, v4, vm0, $0xb8;
	[tilespmem:$0x18500] =	vst v63  }
0xaf: {  	s15 =	simm.s32 $0x2500  }
0xb0: {  	[tilespmem:s15], [sflag:$0x1] =	stream.indirect_vreg.gather [hbm4b:s3+s7], $0x80, v3, vm0, $0xb8;
	[tilespmem:$0x18500] =	vst v63  }
0xb1: {  	s20 =	simm.s32 $0x2D00  }
0xb2: {  	[tilespmem:s20], [sflag:$0x1] =	stream.indirect_vreg.gather [hbm4b:s8+s7], $0x80, v3, vm0, $0xb8;
	[tilespmem:$0x18500] =	vst v63  }
0xb3: {  	s21 =	simm.s32 $0x3500  }
0xb4: {  	[tilespmem:s21], [sflag:$0x1] =	stream.indirect_vreg.gather [hbm4b:s9+s7], $0x80, v3, vm0, $0xb8;
	[tilespmem:$0x18500] =	vst v63  }
0xb5: {  	s22 =	simm.s32 $0x3D00  }
0xb6: {  	[tilespmem:s22], [sflag:$0x1] =	stream.indirect_vreg.gather [hbm4b:s11+s7], $0x80, v3, vm0, $0xb8;
	[tilespmem:$0x18500] =	vst v63  }
0xb7: {  	v3 =	vld [tilespmem:$0x300];
	_ =	sdelay $0x4  }
0xb8: {  	v63 =	vshll.u32 v3, $0x3  }
0xb9: {  	v3 =	vand.u32 $0x7, v3;
	v4 =	vand.u32 $0xFFFFFFC0, v63  }
0xba: {  	v3 =	vor.u32 v3, v4  }
0xbb: {  	v4 =	vperm.xlane v3, v0;
	_ =	sdelay $0x1  }
0xbc: {  	v4 =	vadd.s32 v1, v4;
	_ =	sdelay $0x3  }
0xbd: {  	s23 =	simm.s32 $0x4500  }
0xbe: {  	[tilespmem:s23], [sflag:$0x1] =	stream.indirect_vreg.gather [hbm4b:s3+s7], $0x80, v4, vm0, $0xb8;
	[tilespmem:$0x18500] =	vst v63  }
0xbf: {  	s13 =	simm.s32 $0x4D00;
	v3 =	vperm.xlane v3, v2  }
0xc0: {  	[tilespmem:s13], [sflag:$0x1] =	stream.indirect_vreg.gather [hbm4b:s8+s7], $0x80, v4, vm0, $0xb8;
	[tilespmem:$0x18500] =	vst v63  }
0xc1: {  	s14 =	simm.s32 $0x5500;
	v3 =	vadd.s32 v1, v3  }
0xc2: {  	[tilespmem:s14], [sflag:$0x1] =	stream.indirect_vreg.gather [hbm4b:s9+s7], $0x80, v4, vm0, $0xb8;
	[tilespmem:$0x18500] =	vst v63  }
0xc3: {  	s15 =	simm.s32 $0x5D00  }
0xc4: {  	[tilespmem:s15], [sflag:$0x1] =	stream.indirect_vreg.gather [hbm4b:s11+s7], $0x80, v4, vm0, $0xb8;
	[tilespmem:$0x18500] =	vst v63  }
0xc5: {  	s20 =	simm.s32 $0x6500  }
0xc6: {  	[tilespmem:s20], [sflag:$0x1] =	stream.indirect_vreg.gather [hbm4b:s3+s7], $0x80, v3, vm0, $0xb8;
	[tilespmem:$0x18500] =	vst v63  }
0xc7: {  	s21 =	simm.s32 $0x6D00  }
0xc8: {  	[tilespmem:s21], [sflag:$0x1] =	stream.indirect_vreg.gather [hbm4b:s8+s7], $0x80, v3, vm0, $0xb8;
	[tilespmem:$0x18500] =	vst v63  }
0xc9: {  	s22 =	simm.s32 $0x7500  }
0xca: {  	[tilespmem:s22], [sflag:$0x1] =	stream.indirect_vreg.gather [hbm4b:s9+s7], $0x80, v3, vm0, $0xb8;
	[tilespmem:$0x18500] =	vst v63  }
0xcb: {  	s23 =	simm.s32 $0x7D00  }
0xcc: {  	[tilespmem:s23], [sflag:$0x1] =	stream.indirect_vreg.gather [hbm4b:s11+s7], $0x80, v3, vm0, $0xb8;
	[tilespmem:$0x18500] =	vst v63  }
0xcd: {  	_ =	swait.ge [sflag:s1], $0x4000  }
0xce: {  	[sflag:s1] =	ssyncset.done $0x0  }
0xcf: {  	[sflag:s1] =	ssyncadd.s32 $0xFFFFC000  }
0xd0: {  	_ =	swait.ge [sflag:s1], $0x4000  }
0xd1: {  	[sflag:s1] =	ssyncset.done $0x0  }
0xd2: {  	s20 =	simm.s32 $0x0;
	[sflag:s1] =	ssyncadd.s32 $0xFFFFC000  }
.LBB2_6:
0xd3: {  	v3 =	vmov s20  }
0xd4: {  	s12 =	sshll.u32 s20, $0xA;
	s13 =	sshll.u32 s20, $0x7;
	v3 =	vadd.s32 $0x10, v3  }
0xd5: {  	s12 =	sand.u32 $0x2000, s12;
	s13 =	sand.u32 $0x380, s13;
	v4 =	vbroadcast v3, $0x0  }
0xd6: {  	s21 =	sand.u32 $0x1C00, s7;
	s12 =	sor.u32 s12, s13  }
0xd7: {  	s14 =	sand.u32 $0x70, s7;
	s13 =	sor.u32 s21, s12  }
0xd8: {  	s21 =	sor.u32 s14, s13  }
0xd9: {  	v5 =	vld [tilespmem:s21+$0x8500]  }
0xda: {  	v6 =	vld [tilespmem:s21+$0xC500]  }
0xdb: {  	v3 =	vld.idx.msk [tilespmem:v4+s18+$0x0], $0xffff  }
0xdc: {  	v4 =	vld.idx.msk [tilespmem:v4+s19+$0x0], $0xffff  }
0xdd: {  	s22 =	simm.s32 $0x80  }
0xde: {  	s23 =	simm.s32 $0x10;
	s13 =	sand.u32 $0x1C00, s22  }
0xdf: {  	s14 =	sand.u32 $0x70, s23;
	s13 =	sor.u32 s13, s12  }
0xe0: {  	s13 =	sor.u32 s14, s13  }
0xe1: {  	v7 =	vmul.f32 v5, v3;
	v8 =	vmul.f32 v6, v4;
	v5 =	vld [tilespmem:s13+$0x8500]  }
0xe2: {  	v6 =	vld [tilespmem:s13+$0xC500]  }
0xe3: {  	s22 =	simm.s32 $0x20;
	s14 =	simm.s32 $0x100;
	v7 =	vadd.f32 v8, v7  }
.LBB2_7:
0xe4: {  	s23 =	sand.u32 $0x70, s22;
	s15 =	sand.u32 $0x1C00, s14;
	p0 =	sne.s32 s22, $0x3F0  }
.Ltmp2:
0xe5: {  	s22 =	sadd.s32 $0x10, s22;
	s15 =	sor.u32 s15, s12;
	[tilespmem:s21+$0x14500] =	vst v7;
	(pc) =	sbr.rel @p0 .LBB2_7-.Ltmp2, $4  }
0xe6: {  	s21 =	smov.u32 s13;
	s13 =	sor.u32 s23, s15  }
0xe7: {  	v7 =	vmul.f32 v5, v3;
	v5 =	vld [tilespmem:s13+$0x8500];
	v8 =	vmul.f32 v6, v4  }
0xe8: {  	v6 =	vld [tilespmem:s13+$0xC500]  }
0xe9: {  	s14 =	sadd.s32 $0x80, s14;
	v7 =	vadd.f32 v8, v7  }
0xea: {  	_ = 	snop  }
0xeb: {  	s20 =	sadd.s32 $0x1, s20  }
0xec: {  	p0 =	sne.s32 s20, $0x10  }
.Ltmp3:
0xed: {  	v3 =	vmul.f32 v5, v3;
	v4 =	vmul.f32 v6, v4;
	(pc) =	sbr.rel @p0 .LBB2_6-.Ltmp3, $4  }
0xee: {  	_ = 	snop  }
0xef: {  	v3 =	vadd.f32 v4, v3  }
0xf0: {  	[tilespmem:s21+$0x14500] =	vst v7  }
0xf1: {  	[tilespmem:s13+$0x14500] =	vst v3  }
0xf2: {  	s7 =	simm.s32 $0x0;
	s12 =	rddreg [dreg:$0x7]  }
0xf3: {  	[hbm4b:s12+s7] =	stream.linear.scatter [tilespmem:s17], [sflag:$0x4], $0x4000, $0x38;
	[tilespmem:$0x18500] =	vst v63  }
0xf4: {  	v3 =	vld [tilespmem:$0x180];
	_ =	sdelay $0x4  }
0xf5: {  	v4 =	vshll.u32 v3, $0x3  }
0xf6: {  	v3 =	vand.u32 $0x7, v3;
	v4 =	vand.u32 $0xFFFFFFC0, v4  }
0xf7: {  	v3 =	vor.u32 v3, v4  }
0xf8: {  	v4 =	vperm.xlane v3, v0;
	_ =	sdelay $0x1  }
0xf9: {  	v4 =	vadd.s32 v1, v4;
	_ =	sdelay $0x3  }
0xfa: {  	s21 =	simm.s32 $0x8500  }
0xfb: {  	[tilespmem:s21], [sflag:$0x2] =	stream.indirect_vreg.gather [hbm4b:s3+s7], $0x80, v4, vm0, $0xb8;
	[tilespmem:$0x18500] =	vst v63  }
0xfc: {  	s22 =	simm.s32 $0x8D00;
	v3 =	vperm.xlane v3, v2  }
0xfd: {  	[tilespmem:s22], [sflag:$0x2] =	stream.indirect_vreg.gather [hbm4b:s8+s7], $0x80, v4, vm0, $0xb8;
	[tilespmem:$0x18500] =	vst v63  }
0xfe: {  	s23 =	simm.s32 $0x9500;
	v3 =	vadd.s32 v1, v3  }
0xff: {  	[tilespmem:s23], [sflag:$0x2] =	stream.indirect_vreg.gather [hbm4b:s9+s7], $0x80, v4, vm0, $0xb8;
	[tilespmem:$0x18500] =	vst v63  }
0x100: {  	s13 =	simm.s32 $0x9D00  }
0x101: {  	[tilespmem:s13], [sflag:$0x2] =	stream.indirect_vreg.gather [hbm4b:s11+s7], $0x80, v4, vm0, $0xb8;
	[tilespmem:$0x18500] =	vst v63  }
0x102: {  	s14 =	simm.s32 $0xA500  }
0x103: {  	[tilespmem:s14], [sflag:$0x2] =	stream.indirect_vreg.gather [hbm4b:s3+s7], $0x80, v3, vm0, $0xb8;
	[tilespmem:$0x18500] =	vst v63  }
0x104: {  	s15 =	simm.s32 $0xAD00  }
0x105: {  	[tilespmem:s15], [sflag:$0x2] =	stream.indirect_vreg.gather [hbm4b:s8+s7], $0x80, v3, vm0, $0xb8;
	[tilespmem:$0x18500] =	vst v63  }
0x106: {  	s20 =	simm.s32 $0xB500  }
0x107: {  	[tilespmem:s20], [sflag:$0x2] =	stream.indirect_vreg.gather [hbm4b:s9+s7], $0x80, v3, vm0, $0xb8;
	[tilespmem:$0x18500] =	vst v63  }
0x108: {  	s21 =	simm.s32 $0xBD00  }
0x109: {  	[tilespmem:s21], [sflag:$0x2] =	stream.indirect_vreg.gather [hbm4b:s11+s7], $0x80, v3, vm0, $0xb8;
	[tilespmem:$0x18500] =	vst v63  }
0x10a: {  	v3 =	vld [tilespmem:$0x380];
	_ =	sdelay $0x4  }
0x10b: {  	v63 =	vshll.u32 v3, $0x3  }
0x10c: {  	v3 =	vand.u32 $0x7, v3;
	v4 =	vand.u32 $0xFFFFFFC0, v63  }
0x10d: {  	v3 =	vor.u32 v3, v4  }
0x10e: {  	v4 =	vperm.xlane v3, v0;
	_ =	sdelay $0x1  }
0x10f: {  	v4 =	vadd.s32 v1, v4;
	_ =	sdelay $0x3  }
0x110: {  	s22 =	simm.s32 $0xC500  }
0x111: {  	[tilespmem:s22], [sflag:$0x2] =	stream.indirect_vreg.gather [hbm4b:s3+s7], $0x80, v4, vm0, $0xb8;
	[tilespmem:$0x18500] =	vst v63  }
0x112: {  	s23 =	simm.s32 $0xCD00;
	v3 =	vperm.xlane v3, v2  }
0x113: {  	[tilespmem:s23], [sflag:$0x2] =	stream.indirect_vreg.gather [hbm4b:s8+s7], $0x80, v4, vm0, $0xb8;
	[tilespmem:$0x18500] =	vst v63  }
0x114: {  	v3 =	vadd.s32 v1, v3  }
0x115: {  	[tilespmem:s24], [sflag:$0x2] =	stream.indirect_vreg.gather [hbm4b:s9+s7], $0x80, v4, vm0, $0xb8;
	[tilespmem:$0x18500] =	vst v63  }
0x116: {  	_ = 	snop  }
0x117: {  	[tilespmem:s25], [sflag:$0x2] =	stream.indirect_vreg.gather [hbm4b:s11+s7], $0x80, v4, vm0, $0xb8;
	[tilespmem:$0x18500] =	vst v63  }
0x118: {  	_ = 	snop  }
0x119: {  	[tilespmem:s26], [sflag:$0x2] =	stream.indirect_vreg.gather [hbm4b:s3+s7], $0x80, v3, vm0, $0xb8;
	[tilespmem:$0x18500] =	vst v63  }
0x11a: {  	_ = 	snop  }
0x11b: {  	[tilespmem:s28], [sflag:$0x2] =	stream.indirect_vreg.gather [hbm4b:s8+s7], $0x80, v3, vm0, $0xb8;
	[tilespmem:$0x18500] =	vst v63  }
0x11c: {  	_ = 	snop  }
0x11d: {  	[tilespmem:s29], [sflag:$0x2] =	stream.indirect_vreg.gather [hbm4b:s9+s7], $0x80, v3, vm0, $0xb8;
	[tilespmem:$0x18500] =	vst v63  }
0x11e: {  	_ = 	snop  }
0x11f: {  	[tilespmem:s30], [sflag:$0x2] =	stream.indirect_vreg.gather [hbm4b:s11+s7], $0x80, v3, vm0, $0xb8;
	[tilespmem:$0x18500] =	vst v63  }
0x120: {  	_ =	swait.ge [sflag:s31], $0x4000  }
0x121: {  	[sflag:s31] =	ssyncset.done $0x0  }
0x122: {  	[sflag:s31] =	ssyncadd.s32 $0xFFFFC000  }
0x123: {  	_ =	swait.ge [sflag:s31], $0x4000  }
0x124: {  	[sflag:s31] =	ssyncset.done $0x0  }
0x125: {  	[sflag:s31] =	ssyncadd.s32 $0xFFFFC000  }
0x126: {  	_ =	swait.ge [sflag:s4], $0x4000  }
0x127: {  	[sflag:s4] =	ssyncset.done $0x0  }
0x128: {  	s20 =	simm.s32 $0x0;
	[sflag:s4] =	ssyncadd.s32 $0xFFFFC000  }
.LBB2_10:
0x129: {  	v3 =	vmov s20  }
0x12a: {  	s12 =	sshll.u32 s20, $0xA;
	s13 =	sshll.u32 s20, $0x7;
	v3 =	vadd.s32 $0x20, v3  }
0x12b: {  	s12 =	sand.u32 $0x2000, s12;
	s13 =	sand.u32 $0x380, s13;
	v4 =	vbroadcast v3, $0x0  }
0x12c: {  	s21 =	sand.u32 $0x1C00, s7;
	s12 =	sor.u32 s12, s13  }
0x12d: {  	s14 =	sand.u32 $0x70, s7;
	s13 =	sor.u32 s21, s12  }
0x12e: {  	s21 =	sor.u32 s14, s13  }
0x12f: {  	v5 =	vld [tilespmem:s21+$0x500]  }
0x130: {  	v6 =	vld [tilespmem:s21+$0x4500]  }
0x131: {  	v3 =	vld.idx.msk [tilespmem:v4+s18+$0x0], $0xffff  }
0x132: {  	v4 =	vld.idx.msk [tilespmem:v4+s19+$0x0], $0xffff  }
0x133: {  	s22 =	simm.s32 $0x80  }
0x134: {  	s23 =	simm.s32 $0x10;
	s13 =	sand.u32 $0x1C00, s22  }
0x135: {  	s14 =	sand.u32 $0x70, s23;
	s13 =	sor.u32 s13, s12  }
0x136: {  	s13 =	sor.u32 s14, s13  }
0x137: {  	v7 =	vmul.f32 v5, v3;
	v8 =	vmul.f32 v6, v4;
	v5 =	vld [tilespmem:s13+$0x500]  }
0x138: {  	v6 =	vld [tilespmem:s13+$0x4500]  }
0x139: {  	s22 =	simm.s32 $0x20;
	s14 =	simm.s32 $0x100;
	v7 =	vadd.f32 v8, v7  }
.LBB2_11:
0x13a: {  	s15 =	sand.u32 $0x70, s22;
	s23 =	sand.u32 $0x1C00, s14;
	p0 =	sne.s32 s22, $0x3F0  }
.Ltmp4:
0x13b: {  	s22 =	sadd.s32 $0x10, s22;
	s23 =	sor.u32 s23, s12;
	[tilespmem:s21+$0x10500] =	vst v7;
	(pc) =	sbr.rel @p0 .LBB2_11-.Ltmp4, $4  }
0x13c: {  	s21 =	smov.u32 s13;
	s13 =	sor.u32 s15, s23  }
0x13d: {  	v7 =	vmul.f32 v5, v3;
	v5 =	vld [tilespmem:s13+$0x500];
	v8 =	vmul.f32 v6, v4  }
0x13e: {  	v6 =	vld [tilespmem:s13+$0x4500]  }
0x13f: {  	s14 =	sadd.s32 $0x80, s14;
	v7 =	vadd.f32 v8, v7  }
0x140: {  	_ = 	snop  }
0x141: {  	s20 =	sadd.s32 $0x1, s20  }
0x142: {  	p0 =	sne.s32 s20, $0x10  }
.Ltmp5:
0x143: {  	v3 =	vmul.f32 v5, v3;
	v4 =	vmul.f32 v6, v4;
	(pc) =	sbr.rel @p0 .LBB2_10-.Ltmp5, $4  }
0x144: {  	_ = 	snop  }
0x145: {  	v3 =	vadd.f32 v4, v3  }
0x146: {  	[tilespmem:s21+$0x10500] =	vst v7  }
0x147: {  	[tilespmem:s13+$0x10500] =	vst v3  }
0x148: {  	s7 =	simm.s32 $0x0;
	s12 =	rddreg [dreg:$0x8]  }
0x149: {  	[hbm4b:s12+s7] =	stream.linear.scatter [tilespmem:s0], [sflag:$0x3], $0x4000, $0x38;
	[tilespmem:$0x18500] =	vst v63  }
0x14a: {  	_ =	swait.ge [sflag:s1], $0x4000  }
0x14b: {  	[sflag:s1] =	ssyncset.done $0x0  }
0x14c: {  	[sflag:s1] =	ssyncadd.s32 $0xFFFFC000  }
0x14d: {  	_ =	swait.ge [sflag:s1], $0x4000  }
0x14e: {  	[sflag:s1] =	ssyncset.done $0x0  }
0x14f: {  	[sflag:s1] =	ssyncadd.s32 $0xFFFFC000  }
0x150: {  	_ =	swait.ge [sflag:s5], $0x4000  }
0x151: {  	[sflag:s5] =	ssyncset.done $0x0  }
0x152: {  	s20 =	simm.s32 $0x0;
	[sflag:s5] =	ssyncadd.s32 $0xFFFFC000  }
.LBB2_14:
0x153: {  	v3 =	vmov s20  }
0x154: {  	s12 =	sshll.u32 s20, $0xA;
	s13 =	sshll.u32 s20, $0x7;
	v3 =	vadd.s32 $0x30, v3  }
0x155: {  	s12 =	sand.u32 $0x2000, s12;
	s13 =	sand.u32 $0x380, s13;
	v4 =	vbroadcast v3, $0x0  }
0x156: {  	s21 =	sand.u32 $0x1C00, s7;
	s12 =	sor.u32 s12, s13  }
0x157: {  	s14 =	sand.u32 $0x70, s7;
	s13 =	sor.u32 s21, s12  }
0x158: {  	s21 =	sor.u32 s14, s13  }
0x159: {  	v5 =	vld [tilespmem:s21+$0x8500]  }
0x15a: {  	v6 =	vld [tilespmem:s21+$0xC500]  }
0x15b: {  	v3 =	vld.idx.msk [tilespmem:v4+s18+$0x0], $0xffff  }
0x15c: {  	v4 =	vld.idx.msk [tilespmem:v4+s19+$0x0], $0xffff  }
0x15d: {  	s22 =	simm.s32 $0x80  }
0x15e: {  	s23 =	simm.s32 $0x10;
	s13 =	sand.u32 $0x1C00, s22  }
0x15f: {  	s14 =	sand.u32 $0x70, s23;
	s13 =	sor.u32 s13, s12  }
0x160: {  	s13 =	sor.u32 s14, s13  }
0x161: {  	v7 =	vmul.f32 v5, v3;
	v8 =	vmul.f32 v6, v4;
	v5 =	vld [tilespmem:s13+$0x8500]  }
0x162: {  	v6 =	vld [tilespmem:s13+$0xC500]  }
0x163: {  	s22 =	simm.s32 $0x20;
	s14 =	simm.s32 $0x100;
	v7 =	vadd.f32 v8, v7  }
.LBB2_15:
0x164: {  	s15 =	sand.u32 $0x70, s22;
	s23 =	sand.u32 $0x1C00, s14;
	p0 =	sne.s32 s22, $0x3F0  }
.Ltmp6:
0x165: {  	s22 =	sadd.s32 $0x10, s22;
	s23 =	sor.u32 s23, s12;
	[tilespmem:s21+$0x14500] =	vst v7;
	(pc) =	sbr.rel @p0 .LBB2_15-.Ltmp6, $4  }
0x166: {  	s21 =	smov.u32 s13;
	s13 =	sor.u32 s15, s23  }
0x167: {  	v7 =	vmul.f32 v5, v3;
	v5 =	vld [tilespmem:s13+$0x8500];
	v8 =	vmul.f32 v6, v4  }
0x168: {  	v6 =	vld [tilespmem:s13+$0xC500]  }
0x169: {  	s14 =	sadd.s32 $0x80, s14;
	v7 =	vadd.f32 v8, v7  }
0x16a: {  	_ = 	snop  }
0x16b: {  	s20 =	sadd.s32 $0x1, s20  }
0x16c: {  	p0 =	sne.s32 s20, $0x10  }
.Ltmp7:
0x16d: {  	v3 =	vmul.f32 v5, v3;
	v4 =	vmul.f32 v6, v4;
	(pc) =	sbr.rel @p0 .LBB2_14-.Ltmp7, $4  }
0x16e: {  	_ = 	snop  }
0x16f: {  	v3 =	vadd.f32 v4, v3  }
0x170: {  	[tilespmem:s21+$0x14500] =	vst v7  }
0x171: {  	[tilespmem:s13+$0x14500] =	vst v3  }
0x172: {  	s7 =	rddreg [dreg:$0x9]  }
0x173: {  	[hbm4b:s7+s2] =	stream.linear.scatter [tilespmem:s17], [sflag:$0x4], $0x4000, $0x38;
	[tilespmem:$0x18500] =	vst v63  }
0x174: {  	_ =	swait.ge [sflag:s4], $0x4000  }
0x175: {  	[sflag:s4] =	ssyncset.done $0x0  }
0x176: {  	[sflag:s4] =	ssyncadd.s32 $0xFFFFC000  }
0x177: {  	_ =	swait.ge [sflag:s5], $0x4000  }
0x178: {  	s6 =	sadd.s32 $0x1, s6;
	s23 =	rddreg [dreg:$0xa]  }
0x179: {  	p0 =	sne.s32 s6, s23  }
.Ltmp8:
0x17a: {  	_ = 	snop;
	(pc) =	sbr.rel @p0 .LBB2_1-.Ltmp8, $3  }
0x17b: {  	_ =	sdelay $0x1  }
0x17c: {  	[sflag:s5] =	ssyncset.done $0x0  }
0x17d: {  	s15 =	simm.s32 $0x500;
	[sflag:s5] =	ssyncadd.s32 $0xFFFFC000  }
0x17e: {  	_ =	sfence.sel $0x180000  }
0x17f: {  	[bflag:$0x0] =	sbarrier.arrive $0xFFFF  }
0x180: {  	_ =	strace $0x9000004A  }
0x181: {  	s0 =	stileid.u32;
	[bflag:$0x2] =	sbarrier.arrive $0xFFFF  }
0x182: {  	p0 =	sne.s32 s0, $0x0;
	s0 =	rddreg [dreg:$0x2]  }
0x183: {  	s0 =	sadd.s32 @!p0 $0x100000, s0  }
0x184: {  	[sflag:s0] =	ssyncadd.tile.s32 @!p0 $0x1;
	_ =	shalt  }
.Lfunc_end2:
_tile_overlayer_lowered:
.L_overlay_start_2:
0x185: {  	(tag) =	ssettag $0x2  }
0x186: {  	s0 =	rddreg [dreg:$0x0];
	s2 =	stileid.u32  }
0x187: {  	s1 =	rddreg [dreg:$0x1];
	p0 =	sne.s32 s2, $0x0  }
0x188: {  	s3 =	rddreg [dreg:$0x2];
	[bflag:$0x3] =	sbarrier.arrive $0xFFFF;
	s2 =	simm.s32 @!p0 $0x1C05  }
0x189: {  	[timem:s3], [sflag:s2] =	dma.local @!p0 [hbm:s0], s1  }
0x18a: {  	s0 =	simm.s32 @!p0 $0x5  }
0x18b: {  	_ =	swait.ge @!p0 [sflag:s0], s1  }
0x18c: {  	s1 =	ssub.s32 @!p0 $0x0, s1;
	[sflag:s0] =	ssyncset.done @!p0 $0x0  }
0x18d: {  	[sflag:s0] =	ssyncadd.s32 @!p0 s1  }
0x18e: {  	[bflag:$0x3] =	sbarrier.arrive $0xFFFF  }
0x18f: {  	_ =	shalt  }

</sc_bundles>
